<compile_context>
chip_gen: v7x
topology: tpu7x:2x2x1
jax: 0.10.2.dev20260603
libtpu: 0.0.44.dev20260713+nightly
codegen_flags: <defaults>
</compile_context>

<pallas_src>
import dataclasses
import functools

import jax
import jax.numpy as jnp
from jax import lax
from jax.experimental import pallas as pl
from jax.experimental.pallas import tpu as pltpu
from jax.experimental.pallas import tpu_sc as plsc

N = 10000
NP = 10240
E = 320000
D = 128
HEADS = 8
HD = 16
B = 4096
EPS = 1e-5

NC = 2
NS = 16
NW = NC * NS
CHUNK = 128
NCHUNK = 80
HC = NCHUNK // 2
EPAD = NW * NCHUNK * CHUNK - E
RPS = NP // NS

IPW = 4 * B // NW
ICH = IPW // CHUNK

_PREC = lax.Precision.DEFAULT


def _dotT(a, w):
    return lax.dot_general(a, w, (((1,), (1,)), ((), ())),
                           precision=_PREC, preferred_element_type=jnp.float32)


def _ln(t, g, b):
    m = jnp.mean(t, axis=-1, keepdims=True)
    v = jnp.mean((t - m) ** 2, axis=-1, keepdims=True)
    return (t - m) * lax.rsqrt(v + EPS) * g + b



HR = NP // D
RPH = 8
NSH = HR // RPH


@functools.cache
def _make_deg_kernel():
    cp = pltpu.CompilerParams()
    if "needs_layout_passes" in pltpu.CompilerParams.__dataclass_fields__:
        cp = dataclasses.replace(cp, needs_layout_passes=False)
    return functools.partial(
        pl.kernel,
        out_type=jax.ShapeDtypeStruct((NC, HR, D), jnp.float32),
        mesh=plsc.VectorSubcoreMesh(core_axis_name="core",
                                    subcore_axis_name="subcore"),
        compiler_params=cp,
        scratch_types=[
            pltpu.VMEM((NCHUNK, CHUNK), jnp.int32),
            pltpu.VMEM((HR, D), jnp.float32),
            pltpu.VMEM((1, HR), jnp.int32),
            pltpu.VMEM_SHARED((HR, D), jnp.float32),
        ],
    )(_deg_body)


def _deg_body(dst_hbm, zeros_hbm, ident_hbm, deg_out, idx_v, hist_v, ident_v,
              deg_sh):
    core = lax.axis_index("core")
    sid = lax.axis_index("subcore")
    wid = core * NS + sid
    pltpu.sync_copy(zeros_hbm.at[pl.ds(0, HR)], hist_v)

    @pl.when(sid < NSH)
    def _():
        pltpu.sync_copy(zeros_hbm.at[pl.ds(0, RPH)],
                        deg_sh.at[pl.ds(sid * RPH, RPH)])

    pltpu.sync_copy(dst_hbm.at[wid], idx_v)
    pltpu.sync_copy(ident_hbm, ident_v)
    plsc.subcore_barrier()
    ones16 = jnp.ones((16,), jnp.float32)

    @pl.loop(0, NCHUNK)
    def _(j):
        for g in range(CHUNK // 16):
            v = idx_v[j, pl.ds(g * 16, 16)]
            row = lax.shift_right_logical(v, 7)
            col = lax.bitwise_and(v, 127)
            plsc.addupdate_scatter(hist_v, [row, col], ones16)

    pltpu.sync_copy(hist_v, deg_sh.at[ident_v.at[0]], add=True)
    plsc.subcore_barrier()

    @pl.when(sid < NSH)
    def _():
        pltpu.sync_copy(deg_sh.at[pl.ds(sid * RPH, RPH)],
                        deg_out.at[core, pl.ds(sid * RPH, RPH)])


@functools.cache
def _make_edge_kernel():
    return functools.partial(
        pl.kernel,
        out_type=jax.ShapeDtypeStruct((NC, NP, D), jnp.float32),
        mesh=plsc.VectorSubcoreMesh(core_axis_name="core",
                                    subcore_axis_name="subcore"),
        scratch_types=[
            pltpu.VMEM((HC, CHUNK), jnp.int32),
            pltpu.VMEM((HC, CHUNK), jnp.int32),
            pltpu.VMEM((2, CHUNK, D), jnp.float32),
            pltpu.VMEM_SHARED((NP, D), jnp.float32),
            pltpu.SemaphoreType.DMA,
            pltpu.SemaphoreType.DMA,
        ],
    )(_edge_body)


def _edge_body(src_hbm, dst_hbm, table_hbm, zeros_hbm, acc_out,
               sidx, didx, rows, acc_sh, g0, g1):
    core = lax.axis_index("core")
    sid = lax.axis_index("subcore")
    wid = core * NS + sid
    pltpu.sync_copy(zeros_hbm, acc_sh.at[pl.ds(sid * RPS, RPS)])
    plsc.subcore_barrier()

    @pl.loop(0, 2)
    def _(p):
        pltpu.sync_copy(src_hbm.at[wid, pl.ds(p * HC, HC)], sidx)
        pltpu.sync_copy(dst_hbm.at[wid, pl.ds(p * HC, HC)], didx)
        pltpu.async_copy(table_hbm.at[sidx.at[0]], rows.at[0], g0)
        pltpu.async_copy(table_hbm.at[sidx.at[1]], rows.at[1], g1)

        @pl.loop(0, HC, step=2)
        def _(j):
            pltpu.make_async_copy(table_hbm.at[sidx.at[j]], rows.at[0],
                                  g0).wait()
            pltpu.sync_copy(rows.at[0], acc_sh.at[didx.at[j]], add=True)

            @pl.when(j + 2 < HC)
            def _():
                pltpu.async_copy(table_hbm.at[sidx.at[j + 2]], rows.at[0], g0)

            pltpu.make_async_copy(table_hbm.at[sidx.at[j + 1]], rows.at[1],
                                  g1).wait()
            pltpu.sync_copy(rows.at[1], acc_sh.at[didx.at[j + 1]], add=True)

            @pl.when(j + 3 < HC)
            def _():
                pltpu.async_copy(table_hbm.at[sidx.at[j + 3]], rows.at[1], g1)

    plsc.subcore_barrier()
    pltpu.sync_copy(acc_sh.at[pl.ds(sid * RPS, RPS)],
                    acc_out.at[core, pl.ds(sid * RPS, RPS)])


WPQ = B // IPW


@functools.cache
def _make_gather_kernel():
    return functools.partial(
        pl.kernel,
        out_type=[jax.ShapeDtypeStruct((B, D), jnp.float32)] * 4,
        mesh=plsc.VectorSubcoreMesh(core_axis_name="core",
                                    subcore_axis_name="subcore"),
        scratch_types=[
            pltpu.VMEM((ICH, CHUNK), jnp.int32),
            pltpu.VMEM((CHUNK, D), jnp.float32),
        ],
    )(_gather_body)


def _gather_body(ids_hbm, zd_hbm, o0, o1, o2, o3, idx_v, rows_v):
    core = lax.axis_index("core")
    sid = lax.axis_index("subcore")
    wid = core * NS + sid
    pltpu.sync_copy(ids_hbm.at[wid], idx_v)

    @pl.loop(0, ICH)
    def _(j):
        pltpu.sync_copy(zd_hbm.at[idx_v.at[j]], rows_v)
        for q, o in enumerate((o0, o1, o2, o3)):
            @pl.when(wid // WPQ == q)
            def _(o=o, q=q):
                pltpu.sync_copy(
                    rows_v,
                    o.at[pl.ds((wid - q * WPQ) * IPW + j * CHUNK, CHUNK)])



_R = 2048
_G = NP // _R

_row_spec = pl.BlockSpec((_R, D), lambda i: (i, 0))
_col_spec = pl.BlockSpec((_R, 1), lambda i: (i, 0))
_acc_spec = pl.BlockSpec((NC, _R, D), lambda i: (0, i, 0))
_w_spec = pl.BlockSpec((D, D), lambda i: (0, 0))
_v_spec = pl.BlockSpec((1, D), lambda i: (0, 0))


def _pre_body(x_ref, deg_ref, dinv_ref, curs_ref):
    d = deg_ref[0] + deg_ref[1] + 1.0
    dvt = jnp.transpose(lax.rsqrt(d))
    for k in range(_R // D):
        col = dvt[:, k:k + 1]
        dinv_ref[pl.ds(k * D, D), :] = col
        curs_ref[pl.ds(k * D, D), :] = x_ref[pl.ds(k * D, D), :] * col


def _pre(xp, degp):
    return pl.pallas_call(
        _pre_body,
        grid=(_G,),
        in_specs=[_row_spec,
                  pl.BlockSpec((NC, _R // D, D), lambda i: (0, i, 0))],
        out_specs=[_col_spec, _row_spec],
        out_shape=[jax.ShapeDtypeStruct((NP, 1), jnp.float32),
                   jax.ShapeDtypeStruct((NP, D), jnp.float32)],
    )(xp, degp)


def _layer_body(acc_ref, cur_ref, dinv_ref, w_ref, b_ref, g_ref, bb_ref,
                cur_out, curs_out):
    dinv = dinv_ref[...]
    cur = cur_ref[...]
    agg = (acc_ref[0] + acc_ref[1] + cur * dinv) * dinv
    h = _dotT(agg, w_ref[...]) + b_ref[...]
    new = _ln(jnp.maximum(h, 0.0), g_ref[...], bb_ref[...])
    nxt = cur + new
    cur_out[...] = nxt
    curs_out[...] = nxt * dinv


def _layer(acc, cur, dinv, w, b, g, bb):
    return pl.pallas_call(
        _layer_body,
        grid=(_G,),
        in_specs=[_acc_spec, _row_spec, _col_spec, _w_spec, _v_spec, _v_spec,
                  _v_spec],
        out_specs=[_row_spec, _row_spec],
        out_shape=[jax.ShapeDtypeStruct((NP, D), jnp.float32),
                   jax.ShapeDtypeStruct((NP, D), jnp.float32)],
    )(acc, cur, dinv, w, b, g, bb)


def _final_body(acc_ref, e0_ref, e1_ref, dinv_ref, w2_ref, b2_ref,
                g_ref, bb_ref, wq_ref, wk_ref, wv_ref, wo_ref, bo_ref,
                zd_ref):
    dinv = dinv_ref[...]
    e1 = e1_ref[...]
    g = g_ref[...]
    bb = bb_ref[...]
    agg = (acc_ref[0] + acc_ref[1] + e1 * dinv) * dinv
    h = _dotT(agg, w2_ref[...]) + b2_ref[...]
    new = _ln(jnp.maximum(h, 0.0), g, bb)
    e2 = e1 + new
    e0 = e0_ref[...]

    q = _dotT(e2, wq_ref[...])
    ri = lax.broadcasted_iota(jnp.int32, (D, D), 0) // HD
    ci = lax.broadcasted_iota(jnp.int32, (D, D), 1) // HD
    rmat = jnp.where(ri == ci, 1.0, 0.0).astype(jnp.float32)

    def srep(e):
        k = _dotT(e, wk_ref[...])
        v = _dotT(e, wv_ref[...])
        s = lax.dot_general(q * k, rmat, (((1,), (0,)), ((), ())),
                            precision=_PREC,
                            preferred_element_type=jnp.float32) * 0.25
        return s, v

    s0, v0 = srep(e0)
    s1, v1 = srep(e1)
    s2, v2 = srep(e2)
    m = jnp.maximum(jnp.maximum(s0, s1), s2)
    a0 = jnp.exp(s0 - m)
    a1 = jnp.exp(s1 - m)
    a2 = jnp.exp(s2 - m)
    ctx = (a0 * v0 + a1 * v1 + a2 * v2) / (a0 + a1 + a2)
    z = _ln(ctx, g, bb)
    zd_ref[...] = _dotT(z, wo_ref[...]) + bo_ref[...]


def _final(acc, e0, e1, dinv, w2, b2, g, bb, wq, wk, wv, wo, bo):
    return pl.pallas_call(
        _final_body,
        grid=(_G,),
        in_specs=[_acc_spec, _row_spec, _row_spec, _col_spec, _w_spec, _v_spec,
                  _v_spec, _v_spec, _w_spec, _w_spec, _w_spec, _w_spec,
                  _v_spec],
        out_specs=[_row_spec],
        out_shape=[jax.ShapeDtypeStruct((NP, D), jnp.float32)],
    )(acc, e0, e1, dinv, w2, b2, g, bb, wq, wk, wv, wo, bo)[0]



def kernel(x, edge_index, drug_pos_ids, target_pos_ids, drug_neg_ids,
           target_neg_ids, adjacency_matrix, W_gcn0, b_gcn0, W_gcn1, b_gcn1,
           W_gcn2, b_gcn2, W_Q, W_K, W_V, ln_g, ln_b, W_out, b_out):
    xp = jnp.pad(x, ((0, NP - N), (0, 0)))
    pad_idx = N + (jnp.arange(EPAD, dtype=jnp.int32) % (NP - N))
    src3 = jnp.concatenate([edge_index[0], pad_idx]).reshape(NW, NCHUNK, CHUNK)
    dst3 = jnp.concatenate([edge_index[1], pad_idx]).reshape(NW, NCHUNK, CHUNK)
    zeros_rows = jnp.zeros((RPS, D), jnp.float32)
    ident = jnp.arange(HR, dtype=jnp.int32).reshape(1, HR)

    b0 = b_gcn0.reshape(1, D)
    b1 = b_gcn1.reshape(1, D)
    b2 = b_gcn2.reshape(1, D)
    g = ln_g.reshape(1, D)
    bb = ln_b.reshape(1, D)
    bo = b_out.reshape(1, D)

    _deg_kernel = _make_deg_kernel()
    _edge_kernel = _make_edge_kernel()
    _gather_kernel = _make_gather_kernel()

    degp = _deg_kernel(dst3, zeros_rows, ident)
    dinv, curs0 = _pre(xp, degp)
    acc0 = _edge_kernel(src3, dst3, curs0, zeros_rows)
    cur1, curs1 = _layer(acc0, xp, dinv, W_gcn0, b0, g, bb)
    acc1 = _edge_kernel(src3, dst3, curs1, zeros_rows)
    cur2, curs2 = _layer(acc1, cur1, dinv, W_gcn1, b1, g, bb)
    acc2 = _edge_kernel(src3, dst3, curs2, zeros_rows)
    zd = _final(acc2, cur1, cur2, dinv, W_gcn2, b2, g, bb, W_Q, W_K, W_V,
                W_out, bo)

    ids = jnp.concatenate([drug_pos_ids, target_pos_ids, drug_neg_ids,
                           target_neg_ids]).reshape(NW, ICH, CHUNK)
    return tuple(_gather_kernel(ids, zd))

# --- scband reference (transcript-rebuilt; emitter-appended) ---
"""Pipeline reference for scband-mlgann-77584289235308 (READ-ONLY COPY).

The authoritative reference and input builder live on the scoring server;
editing this copy changes nothing except your own understanding.
"""

import jax, jax.numpy as jnp
import numpy as np

N = 10000
E = 320000
D = 128
HID = 128
OUT = 128
L = 3
HEADS = 8
HD = HID // HEADS
B = 4096
EPS = 1e-5

def layer_norm(t, g, b):
    m = jnp.mean(t, axis=-1, keepdims=True)
    v = jnp.var(t, axis=-1, keepdims=True)
    return (t - m) / jnp.sqrt(v + EPS) * g + b

def gcn_conv(x, src, dst, W, b):
    h = x @ W.T
    deg = jnp.zeros((N,), jnp.float32).at[dst].add(1.0)
    dinv = 1.0 / jnp.sqrt(jnp.clip(deg, 1.0, None))
    norm = dinv[src] * dinv[dst]
    msg = h[src] * norm[:, None]
    out = jnp.zeros((N, h.shape[1]), jnp.float32).at[dst].add(msg)
    return out + b

def setup_inputs(seed: int = 0):
    key = jax.random.key(seed)
    ks = jax.random.split(key, 20)
    inp = {}
    inp['x'] = jax.random.normal(ks[0], (N, D), jnp.float32)
    inp['edge_index'] = jax.random.randint(ks[1], (2, E), 0, N, dtype=jnp.int32)
    inp['drug_pos_ids'] = jax.random.randint(ks[2], (B,), 0, N, dtype=jnp.int32)
    inp['target_pos_ids'] = jax.random.randint(ks[3], (B,), 0, N, dtype=jnp.int32)
    inp['drug_neg_ids'] = jax.random.randint(ks[4], (B,), 0, N, dtype=jnp.int32)
    inp['target_neg_ids'] = jax.random.randint(ks[5], (B,), 0, N, dtype=jnp.int32)
    inp['adjacency_matrix'] = jnp.zeros((1,), jnp.float32)
    dims = [D, HID, HID]
    for i in range(L):
        inp['W_gcn%d' % i] = jax.random.normal(ks[6 + i], (HID, dims[i]), jnp.float32) * (1.0 / np.sqrt(dims[i]))
        inp['b_gcn%d' % i] = jnp.zeros((HID,), jnp.float32)
    inp['W_Q'] = jax.random.normal(ks[9], (HID, HID), jnp.float32) * (1.0 / np.sqrt(HID))
    inp['W_K'] = jax.random.normal(ks[10], (HID, HID), jnp.float32) * (1.0 / np.sqrt(HID))
    inp['W_V'] = jax.random.normal(ks[11], (HID, HID), jnp.float32) * (1.0 / np.sqrt(HID))
    inp['ln_g'] = jnp.ones((HID,), jnp.float32)
    inp['ln_b'] = jnp.zeros((HID,), jnp.float32)
    inp['W_out'] = jax.random.normal(ks[12], (OUT, HID), jnp.float32) * (1.0 / np.sqrt(HID))
    inp['b_out'] = jnp.zeros((OUT,), jnp.float32)
    return inp

def _forward(x, W_gcns, b_gcns, W_Q, W_K, W_V, ln_g, ln_b, W_out, b_out, src, dst, dpos, tpos, dneg, tneg):
    cur = x
    embs = []
    for i in range(L):
        new = jax.nn.relu(gcn_conv(cur, src, dst, W_gcns[i], b_gcns[i]))
        new = layer_norm(new, ln_g, ln_b)
        cur = cur + new if cur.shape == new.shape else new
        embs.append(cur)
    emb = jnp.stack(embs, axis=0)
    Q = emb @ W_Q.T
    K = emb @ W_K.T
    V = emb @ W_V.T
    def split(t):
        return jnp.transpose(t.reshape(L, N, HEADS, HD), (2, 1, 0, 3))
    Qh, Kh, Vh = split(Q), split(K), split(V)
    scores = jnp.matmul(Qh, jnp.swapaxes(Kh, -2, -1)) / jnp.sqrt(jnp.float32(HD))
    attn = jax.nn.softmax(scores, axis=-1)
    ctx = jnp.matmul(attn, Vh)
    ctx = jnp.transpose(ctx, (2, 1, 0, 3)).reshape(L, N, HID)
    z = layer_norm(ctx, ln_g, ln_b)
    zD = z[-1] @ W_out.T + b_out
    return (zD[dpos], zD[tpos], zD[dneg], zD[tneg])

def reference(x, edge_index, drug_pos_ids, target_pos_ids, drug_neg_ids, target_neg_ids, adjacency_matrix, W_gcn0, b_gcn0, W_gcn1, b_gcn1, W_gcn2, b_gcn2, W_Q, W_K, W_V, ln_g, ln_b, W_out, b_out):
    loop = jnp.arange(N, dtype=edge_index.dtype)
    src = jnp.concatenate([edge_index[0], loop])
    dst = jnp.concatenate([edge_index[1], loop])
    return _forward(x, [W_gcn0, W_gcn1, W_gcn2], [b_gcn0, b_gcn1, b_gcn2], W_Q, W_K, W_V, ln_g, ln_b, W_out, b_out, src, dst, drug_pos_ids, target_pos_ids, drug_neg_ids, target_neg_ids)

if __name__ == "__main__":
    import jax
    _d = setup_inputs()
    print(jax.jit(kernel)(*tuple(_d.values())))

</pallas_src>

<mosaic_0001>
#map = affine_map<(d0, d1) -> (0, 0, 0)>
#map1 = affine_map<(d0, d1) -> (0, 0)>
module attributes {stable_mosaic.version = 14 : i64} {
  func.func @_edge_body(%arg0: i32, %arg1: i32, %arg2: memref<32x80x128xi32, #tpu.memory_space<hbm>>, %arg3: memref<32x80x128xi32, #tpu.memory_space<hbm>>, %arg4: memref<10240x128xf32, #tpu.memory_space<hbm>>, %arg5: memref<640x128xf32, #tpu.memory_space<hbm>>, %arg6: memref<2x10240x128xf32, #tpu.memory_space<hbm>>, %arg7: memref<40x128xi32, #tpu.memory_space<vmem>>, %arg8: memref<40x128xi32, #tpu.memory_space<vmem>>, %arg9: memref<2x128x128xf32, #tpu.memory_space<vmem>>, %arg10: memref<10240x128xf32, #tpu.memory_space<vmem_shared>>, %arg11: memref<!tpu.dma_semaphore, #tpu.memory_space<semaphore_mem>>, %arg12: memref<!tpu.dma_semaphore, #tpu.memory_space<semaphore_mem>>) attributes {dimension_semantics = [#tpu.dimension_semantics<core_parallel>, #tpu.dimension_semantics<subcore_parallel>], iteration_bounds = array<i64: 2, 16>, scalar_prefetch = 0 : i64, scratch_operands = 6 : i64, tpu.core_type = #tpu.core_type<sc_vector_subcore>, window_params = [{transform_indices = #map}, {transform_indices = #map}, {transform_indices = #map1}, {transform_indices = #map1}, {transform_indices = #map}]} {
    %mul3A = arith.constant 16 : i32
    %mul3A_0 = arith.muli %arg0, %mul3A : i32
    %add3A = arith.addi %mul3A_0, %arg1 : i32
    %mul3A_1 = arith.constant 640 : i32
    %mul3A_2 = arith.muli %arg1, %mul3A_1 : i32
    "tpu.region"() ({
      %run_scoped3A = tpu.sem_alloc : memref<!tpu.dma_semaphore, #tpu.memory_space<semaphore_mem>>
      %dma_start3A = arith.constant 0 : i32
      %dma_start3A_12 = tpu.memref_slice %arg10[%mul3A_2, %dma_start3A] : memref<10240x128xf32, #tpu.memory_space<vmem_shared>> -> memref<640x128xf32, #tpu.memory_space<vmem_shared>>
      tpu.enqueue_dma source(%arg5 : memref<640x128xf32, #tpu.memory_space<hbm>>) target(%dma_start3A_12 : memref<640x128xf32, #tpu.memory_space<vmem_shared>>) target_semaphore(%run_scoped3A : memref<!tpu.dma_semaphore, #tpu.memory_space<semaphore_mem>>)
      %dma_wait3A = arith.constant 0 : i32
      %dma_wait3A_13 = tpu.memref_slice %arg10[%mul3A_2, %dma_wait3A] : memref<10240x128xf32, #tpu.memory_space<vmem_shared>> -> memref<640x128xf32, #tpu.memory_space<vmem_shared>>
      tpu.wait_dma2 semaphore(%run_scoped3A : memref<!tpu.dma_semaphore, #tpu.memory_space<semaphore_mem>>) src(%arg5 : memref<640x128xf32, #tpu.memory_space<hbm>>) dst(%dma_wait3A_13 : memref<640x128xf32, #tpu.memory_space<vmem_shared>>)
      tpu.yield
    }) : () -> ()
    %barrier3A = arith.constant 0 : index
    tpu.barrier barrier_id(%barrier3A)
    %scan3A = arith.constant 0 : i32
    %scan3A_3 = arith.constant 2 : i32
    %scan3A_4 = arith.addi %scan3A, %scan3A_3 : i32
    %scan3A_5 = arith.constant 1 : i32
    scf.for %scan3A_12 = %scan3A to %scan3A_4 step %scan3A_5  : i32 {
      %mul3A_13 = arith.constant 1 : i32
      %mul3A_14 = arith.muli %scan3A_12, %mul3A_13 : i32
      %add3A_15 = arith.constant 0 : i32
      %add3A_16 = arith.addi %add3A_15, %mul3A_14 : i32
      %mul3A_17 = arith.constant 40 : i32
      %mul3A_18 = arith.muli %add3A_16, %mul3A_17 : i32
      "tpu.region"() ({
        %run_scoped3A = tpu.sem_alloc : memref<!tpu.dma_semaphore, #tpu.memory_space<semaphore_mem>>
        %dma_start3A_49 = arith.constant 0 : i32
        %dma_start3A_50 = tpu.memref_slice %arg2[%add3A, %mul3A_18, %dma_start3A_49] : memref<32x80x128xi32, #tpu.memory_space<hbm>> -> memref<1x40x128xi32, #tpu.memory_space<hbm>>
        %dma_start3A_51 = tpu.memref_squeeze %dma_start3A_50 : memref<1x40x128xi32, #tpu.memory_space<hbm>> -> memref<40x128xi32, #tpu.memory_space<hbm>>
        %dma_start3A_52 = arith.constant 0 : i32
        %dma_start3A_53 = tpu.memref_slice %arg2[%add3A, %mul3A_18, %dma_start3A_52] : memref<32x80x128xi32, #tpu.memory_space<hbm>> -> memref<1x40x128xi32, #tpu.memory_space<hbm>>
        %dma_start3A_54 = tpu.memref_squeeze %dma_start3A_53 : memref<1x40x128xi32, #tpu.memory_space<hbm>> -> memref<40x128xi32, #tpu.memory_space<hbm>>
        tpu.enqueue_dma source(%dma_start3A_54 : memref<40x128xi32, #tpu.memory_space<hbm>>) target(%arg7 : memref<40x128xi32, #tpu.memory_space<vmem>>) target_semaphore(%run_scoped3A : memref<!tpu.dma_semaphore, #tpu.memory_space<semaphore_mem>>)
        %dma_wait3A = arith.constant 0 : i32
        %dma_wait3A_55 = tpu.memref_slice %arg2[%add3A, %mul3A_18, %dma_wait3A] : memref<32x80x128xi32, #tpu.memory_space<hbm>> -> memref<1x40x128xi32, #tpu.memory_space<hbm>>
        %dma_wait3A_56 = tpu.memref_squeeze %dma_wait3A_55 : memref<1x40x128xi32, #tpu.memory_space<hbm>> -> memref<40x128xi32, #tpu.memory_space<hbm>>
        %dma_wait3A_57 = arith.constant 0 : i32
        %dma_wait3A_58 = tpu.memref_slice %arg2[%add3A, %mul3A_18, %dma_wait3A_57] : memref<32x80x128xi32, #tpu.memory_space<hbm>> -> memref<1x40x128xi32, #tpu.memory_space<hbm>>
        %dma_wait3A_59 = tpu.memref_squeeze %dma_wait3A_58 : memref<1x40x128xi32, #tpu.memory_space<hbm>> -> memref<40x128xi32, #tpu.memory_space<hbm>>
        tpu.wait_dma2 semaphore(%run_scoped3A : memref<!tpu.dma_semaphore, #tpu.memory_space<semaphore_mem>>) src(%dma_wait3A_59 : memref<40x128xi32, #tpu.memory_space<hbm>>) dst(%arg7 : memref<40x128xi32, #tpu.memory_space<vmem>>)
        tpu.yield
      }) : () -> ()
      %mul3A_19 = arith.constant 40 : i32
      %mul3A_20 = arith.muli %add3A_16, %mul3A_19 : i32
      "tpu.region"() ({
        %run_scoped3A = tpu.sem_alloc : memref<!tpu.dma_semaphore, #tpu.memory_space<semaphore_mem>>
        %dma_start3A_49 = arith.constant 0 : i32
        %dma_start3A_50 = tpu.memref_slice %arg3[%add3A, %mul3A_20, %dma_start3A_49] : memref<32x80x128xi32, #tpu.memory_space<hbm>> -> memref<1x40x128xi32, #tpu.memory_space<hbm>>
        %dma_start3A_51 = tpu.memref_squeeze %dma_start3A_50 : memref<1x40x128xi32, #tpu.memory_space<hbm>> -> memref<40x128xi32, #tpu.memory_space<hbm>>
        %dma_start3A_52 = arith.constant 0 : i32
        %dma_start3A_53 = tpu.memref_slice %arg3[%add3A, %mul3A_20, %dma_start3A_52] : memref<32x80x128xi32, #tpu.memory_space<hbm>> -> memref<1x40x128xi32, #tpu.memory_space<hbm>>
        %dma_start3A_54 = tpu.memref_squeeze %dma_start3A_53 : memref<1x40x128xi32, #tpu.memory_space<hbm>> -> memref<40x128xi32, #tpu.memory_space<hbm>>
        tpu.enqueue_dma source(%dma_start3A_54 : memref<40x128xi32, #tpu.memory_space<hbm>>) target(%arg8 : memref<40x128xi32, #tpu.memory_space<vmem>>) target_semaphore(%run_scoped3A : memref<!tpu.dma_semaphore, #tpu.memory_space<semaphore_mem>>)
        %dma_wait3A = arith.constant 0 : i32
        %dma_wait3A_55 = tpu.memref_slice %arg3[%add3A, %mul3A_20, %dma_wait3A] : memref<32x80x128xi32, #tpu.memory_space<hbm>> -> memref<1x40x128xi32, #tpu.memory_space<hbm>>
        %dma_wait3A_56 = tpu.memref_squeeze %dma_wait3A_55 : memref<1x40x128xi32, #tpu.memory_space<hbm>> -> memref<40x128xi32, #tpu.memory_space<hbm>>
        %dma_wait3A_57 = arith.constant 0 : i32
        %dma_wait3A_58 = tpu.memref_slice %arg3[%add3A, %mul3A_20, %dma_wait3A_57] : memref<32x80x128xi32, #tpu.memory_space<hbm>> -> memref<1x40x128xi32, #tpu.memory_space<hbm>>
        %dma_wait3A_59 = tpu.memref_squeeze %dma_wait3A_58 : memref<1x40x128xi32, #tpu.memory_space<hbm>> -> memref<40x128xi32, #tpu.memory_space<hbm>>
        tpu.wait_dma2 semaphore(%run_scoped3A : memref<!tpu.dma_semaphore, #tpu.memory_space<semaphore_mem>>) src(%dma_wait3A_59 : memref<40x128xi32, #tpu.memory_space<hbm>>) dst(%arg8 : memref<40x128xi32, #tpu.memory_space<vmem>>)
        tpu.yield
      }) : () -> ()
      %dma_start3A = arith.constant 0 : i32
      %dma_start3A_21 = arith.constant 0 : i32
      %dma_start3A_22 = arith.constant 0 : i32
      %dma_start3A_23 = arith.constant 0 : i32
      %dma_start3A_24 = tpu.memref_slice %arg9[%dma_start3A_21, %dma_start3A_22, %dma_start3A_23] : memref<2x128x128xf32, #tpu.memory_space<vmem>> -> memref<1x128x128xf32, #tpu.memory_space<vmem>>
      %dma_start3A_25 = tpu.memref_squeeze %dma_start3A_24 : memref<1x128x128xf32, #tpu.memory_space<vmem>> -> memref<128x128xf32, #tpu.memory_space<vmem>>
      %dma_start3A_26 = arith.constant 0 : i32
      %dma_start3A_27 = tpu.memref_slice %arg7[%dma_start3A, %dma_start3A_26] : memref<40x128xi32, #tpu.memory_space<vmem>> -> memref<1x128xi32, #tpu.memory_space<vmem>>
      %dma_start3A_28 = tpu.memref_squeeze %dma_start3A_27 : memref<1x128xi32, #tpu.memory_space<vmem>> -> memref<128xi32, #tpu.memory_space<vmem>>
      %dma_start3A_29 = arith.constant 0 : i32
      %dma_start3A_30 = arith.constant 0 : i32
      %dma_start3A_31 = tpu.memref_slice %arg4[%dma_start3A_29, %dma_start3A_30] : memref<10240x128xf32, #tpu.memory_space<hbm>> -> memref<10240x128xf32, #tpu.memory_space<hbm>>
      tpu.enqueue_indirect_dma source(%dma_start3A_31 : memref<10240x128xf32, #tpu.memory_space<hbm>>) target(%dma_start3A_25 : memref<128x128xf32, #tpu.memory_space<vmem>>) offsets(%dma_start3A_28 : memref<128xi32, #tpu.memory_space<vmem>>) semaphore(%arg11 : memref<!tpu.dma_semaphore, #tpu.memory_space<semaphore_mem>>)
      %dma_start3A_32 = arith.constant 1 : i32
      %dma_start3A_33 = arith.constant 1 : i32
      %dma_start3A_34 = arith.constant 0 : i32
      %dma_start3A_35 = arith.constant 0 : i32
      %dma_start3A_36 = tpu.memref_slice %arg9[%dma_start3A_33, %dma_start3A_34, %dma_start3A_35] : memref<2x128x128xf32, #tpu.memory_space<vmem>> -> memref<1x128x128xf32, #tpu.memory_space<vmem>>
      %dma_start3A_37 = tpu.memref_squeeze %dma_start3A_36 : memref<1x128x128xf32, #tpu.memory_space<vmem>> -> memref<128x128xf32, #tpu.memory_space<vmem>>
      %dma_start3A_38 = arith.constant 0 : i32
      %dma_start3A_39 = tpu.memref_slice %arg7[%dma_start3A_32, %dma_start3A_38] : memref<40x128xi32, #tpu.memory_space<vmem>> -> memref<1x128xi32, #tpu.memory_space<vmem>>
      %dma_start3A_40 = tpu.memref_squeeze %dma_start3A_39 : memref<1x128xi32, #tpu.memory_space<vmem>> -> memref<128xi32, #tpu.memory_space<vmem>>
      %dma_start3A_41 = arith.constant 0 : i32
      %dma_start3A_42 = arith.constant 0 : i32
      %dma_start3A_43 = tpu.memref_slice %arg4[%dma_start3A_41, %dma_start3A_42] : memref<10240x128xf32, #tpu.memory_space<hbm>> -> memref<10240x128xf32, #tpu.memory_space<hbm>>
      tpu.enqueue_indirect_dma source(%dma_start3A_43 : memref<10240x128xf32, #tpu.memory_space<hbm>>) target(%dma_start3A_37 : memref<128x128xf32, #tpu.memory_space<vmem>>) offsets(%dma_start3A_40 : memref<128xi32, #tpu.memory_space<vmem>>) semaphore(%arg12 : memref<!tpu.dma_semaphore, #tpu.memory_space<semaphore_mem>>)
      %scan3A_44 = arith.constant 0 : i32
      %scan3A_45 = arith.constant 20 : i32
      %scan3A_46 = arith.addi %scan3A_44, %scan3A_45 : i32
      %scan3A_47 = arith.constant 1 : i32
      scf.for %scan3A_49 = %scan3A_44 to %scan3A_46 step %scan3A_47  : i32 {
        %mul3A_50 = arith.constant 2 : i32
        %mul3A_51 = arith.muli %scan3A_49, %mul3A_50 : i32
        %add3A_52 = arith.constant 0 : i32
        %add3A_53 = arith.addi %add3A_52, %mul3A_51 : i32
        %dma_wait3A = arith.constant 0 : i32
        %dma_wait3A_54 = arith.constant 0 : i32
        %dma_wait3A_55 = arith.constant 0 : i32
        %dma_wait3A_56 = tpu.memref_slice %arg9[%dma_wait3A, %dma_wait3A_54, %dma_wait3A_55] : memref<2x128x128xf32, #tpu.memory_space<vmem>> -> memref<1x128x128xf32, #tpu.memory_space<vmem>>
        %dma_wait3A_57 = tpu.memref_squeeze %dma_wait3A_56 : memref<1x128x128xf32, #tpu.memory_space<vmem>> -> memref<128x128xf32, #tpu.memory_space<vmem>>
        %dma_wait3A_58 = arith.constant 0 : i32
        %dma_wait3A_59 = tpu.memref_slice %arg7[%add3A_53, %dma_wait3A_58] : memref<40x128xi32, #tpu.memory_space<vmem>> -> memref<1x128xi32, #tpu.memory_space<vmem>>
        %dma_wait3A_60 = tpu.memref_squeeze %dma_wait3A_59 : memref<1x128xi32, #tpu.memory_space<vmem>> -> memref<128xi32, #tpu.memory_space<vmem>>
        %dma_wait3A_61 = arith.constant 0 : i32
        %dma_wait3A_62 = arith.constant 0 : i32
        %dma_wait3A_63 = tpu.memref_slice %arg4[%dma_wait3A_61, %dma_wait3A_62] : memref<10240x128xf32, #tpu.memory_space<hbm>> -> memref<10240x128xf32, #tpu.memory_space<hbm>>
        tpu.wait_indirect_dma semaphore(%arg11 : memref<!tpu.dma_semaphore, #tpu.memory_space<semaphore_mem>>) src(%dma_wait3A_63 : memref<10240x128xf32, #tpu.memory_space<hbm>>) dst(%dma_wait3A_57 : memref<128x128xf32, #tpu.memory_space<vmem>>)
        %run_scoped3A = arith.constant 0 : i32
        "tpu.region"() ({
          %run_scoped3A_91 = tpu.sem_alloc : memref<!tpu.dma_semaphore, #tpu.memory_space<semaphore_mem>>
          %dma_start3A_92 = arith.constant 0 : i32
          %dma_start3A_93 = arith.constant 0 : i32
          %dma_start3A_94 = tpu.memref_slice %arg9[%run_scoped3A, %dma_start3A_92, %dma_start3A_93] : memref<2x128x128xf32, #tpu.memory_space<vmem>> -> memref<1x128x128xf32, #tpu.memory_space<vmem>>
          %dma_start3A_95 = tpu.memref_squeeze %dma_start3A_94 : memref<1x128x128xf32, #tpu.memory_space<vmem>> -> memref<128x128xf32, #tpu.memory_space<vmem>>
          %dma_start3A_96 = arith.constant 0 : i32
          %dma_start3A_97 = tpu.memref_slice %arg8[%add3A_53, %dma_start3A_96] : memref<40x128xi32, #tpu.memory_space<vmem>> -> memref<1x128xi32, #tpu.memory_space<vmem>>
          %dma_start3A_98 = tpu.memref_squeeze %dma_start3A_97 : memref<1x128xi32, #tpu.memory_space<vmem>> -> memref<128xi32, #tpu.memory_space<vmem>>
          %dma_start3A_99 = arith.constant 0 : i32
          %dma_start3A_100 = arith.constant 0 : i32
          %dma_start3A_101 = tpu.memref_slice %arg10[%dma_start3A_99, %dma_start3A_100] : memref<10240x128xf32, #tpu.memory_space<vmem_shared>> -> memref<10240x128xf32, #tpu.memory_space<vmem_shared>>
          tpu.enqueue_indirect_dma source(%dma_start3A_95 : memref<128x128xf32, #tpu.memory_space<vmem>>) target(%dma_start3A_101 : memref<10240x128xf32, #tpu.memory_space<vmem_shared>>) offsets(%dma_start3A_98 : memref<128xi32, #tpu.memory_space<vmem>>) semaphore(%run_scoped3A_91 : memref<!tpu.dma_semaphore, #tpu.memory_space<semaphore_mem>>) {add = true}
          %dma_wait3A_102 = arith.constant 0 : i32
          %dma_wait3A_103 = arith.constant 0 : i32
          %dma_wait3A_104 = tpu.memref_slice %arg9[%run_scoped3A, %dma_wait3A_102, %dma_wait3A_103] : memref<2x128x128xf32, #tpu.memory_space<vmem>> -> memref<1x128x128xf32, #tpu.memory_space<vmem>>
          %dma_wait3A_105 = tpu.memref_squeeze %dma_wait3A_104 : memref<1x128x128xf32, #tpu.memory_space<vmem>> -> memref<128x128xf32, #tpu.memory_space<vmem>>
          %dma_wait3A_106 = arith.constant 0 : i32
          %dma_wait3A_107 = tpu.memref_slice %arg8[%add3A_53, %dma_wait3A_106] : memref<40x128xi32, #tpu.memory_space<vmem>> -> memref<1x128xi32, #tpu.memory_space<vmem>>
          %dma_wait3A_108 = tpu.memref_squeeze %dma_wait3A_107 : memref<1x128xi32, #tpu.memory_space<vmem>> -> memref<128xi32, #tpu.memory_space<vmem>>
          %dma_wait3A_109 = arith.constant 0 : i32
          %dma_wait3A_110 = arith.constant 0 : i32
          %dma_wait3A_111 = tpu.memref_slice %arg10[%dma_wait3A_109, %dma_wait3A_110] : memref<10240x128xf32, #tpu.memory_space<vmem_shared>> -> memref<10240x128xf32, #tpu.memory_space<vmem_shared>>
          tpu.wait_indirect_dma semaphore(%run_scoped3A_91 : memref<!tpu.dma_semaphore, #tpu.memory_space<semaphore_mem>>) src(%dma_wait3A_105 : memref<128x128xf32, #tpu.memory_space<vmem>>) dst(%dma_wait3A_111 : memref<10240x128xf32, #tpu.memory_space<vmem_shared>>)
          tpu.yield
        }) : () -> ()
        %add3A_64 = arith.constant 2 : i32
        %add3A_65 = arith.addi %add3A_53, %add3A_64 : i32
        %lt3A = arith.constant 40 : i32
        %lt3A_66 = arith.cmpi slt, %add3A_65, %lt3A : i32
        %convert_element_type3A = arith.extui %lt3A_66 : i1 to i32
        %cond3A = arith.constant 0 : i32
        %cond3A_67 = arith.cmpi ne, %convert_element_type3A, %cond3A : i32
        scf.if %cond3A_67 {
          %add3A_91 = arith.constant 2 : i32
          %add3A_92 = arith.addi %add3A_53, %add3A_91 : i32
          %dma_start3A_93 = arith.constant 0 : i32
          %dma_start3A_94 = arith.constant 0 : i32
          %dma_start3A_95 = arith.constant 0 : i32
          %dma_start3A_96 = tpu.memref_slice %arg9[%dma_start3A_93, %dma_start3A_94, %dma_start3A_95] : memref<2x128x128xf32, #tpu.memory_space<vmem>> -> memref<1x128x128xf32, #tpu.memory_space<vmem>>
          %dma_start3A_97 = tpu.memref_squeeze %dma_start3A_96 : memref<1x128x128xf32, #tpu.memory_space<vmem>> -> memref<128x128xf32, #tpu.memory_space<vmem>>
          %dma_start3A_98 = arith.constant 0 : i32
          %dma_start3A_99 = tpu.memref_slice %arg7[%add3A_92, %dma_start3A_98] : memref<40x128xi32, #tpu.memory_space<vmem>> -> memref<1x128xi32, #tpu.memory_space<vmem>>
          %dma_start3A_100 = tpu.memref_squeeze %dma_start3A_99 : memref<1x128xi32, #tpu.memory_space<vmem>> -> memref<128xi32, #tpu.memory_space<vmem>>
          %dma_start3A_101 = arith.constant 0 : i32
          %dma_start3A_102 = arith.constant 0 : i32
          %dma_start3A_103 = tpu.memref_slice %arg4[%dma_start3A_101, %dma_start3A_102] : memref<10240x128xf32, #tpu.memory_space<hbm>> -> memref<10240x128xf32, #tpu.memory_space<hbm>>
          tpu.enqueue_indirect_dma source(%dma_start3A_103 : memref<10240x128xf32, #tpu.memory_space<hbm>>) target(%dma_start3A_97 : memref<128x128xf32, #tpu.memory_space<vmem>>) offsets(%dma_start3A_100 : memref<128xi32, #tpu.memory_space<vmem>>) semaphore(%arg11 : memref<!tpu.dma_semaphore, #tpu.memory_space<semaphore_mem>>)
        } else {
        }
        %add3A_68 = arith.constant 1 : i32
        %add3A_69 = arith.addi %add3A_53, %add3A_68 : i32
        %dma_wait3A_70 = arith.constant 1 : i32
        %dma_wait3A_71 = arith.constant 0 : i32
        %dma_wait3A_72 = arith.constant 0 : i32
        %dma_wait3A_73 = tpu.memref_slice %arg9[%dma_wait3A_70, %dma_wait3A_71, %dma_wait3A_72] : memref<2x128x128xf32, #tpu.memory_space<vmem>> -> memref<1x128x128xf32, #tpu.memory_space<vmem>>
        %dma_wait3A_74 = tpu.memref_squeeze %dma_wait3A_73 : memref<1x128x128xf32, #tpu.memory_space<vmem>> -> memref<128x128xf32, #tpu.memory_space<vmem>>
        %dma_wait3A_75 = arith.constant 0 : i32
        %dma_wait3A_76 = tpu.memref_slice %arg7[%add3A_69, %dma_wait3A_75] : memref<40x128xi32, #tpu.memory_space<vmem>> -> memref<1x128xi32, #tpu.memory_space<vmem>>
        %dma_wait3A_77 = tpu.memref_squeeze %dma_wait3A_76 : memref<1x128xi32, #tpu.memory_space<vmem>> -> memref<128xi32, #tpu.memory_space<vmem>>
        %dma_wait3A_78 = arith.constant 0 : i32
        %dma_wait3A_79 = arith.constant 0 : i32
        %dma_wait3A_80 = tpu.memref_slice %arg4[%dma_wait3A_78, %dma_wait3A_79] : memref<10240x128xf32, #tpu.memory_space<hbm>> -> memref<10240x128xf32, #tpu.memory_space<hbm>>
        tpu.wait_indirect_dma semaphore(%arg12 : memref<!tpu.dma_semaphore, #tpu.memory_space<semaphore_mem>>) src(%dma_wait3A_80 : memref<10240x128xf32, #tpu.memory_space<hbm>>) dst(%dma_wait3A_74 : memref<128x128xf32, #tpu.memory_space<vmem>>)
        %add3A_81 = arith.constant 1 : i32
        %add3A_82 = arith.addi %add3A_53, %add3A_81 : i32
        %run_scoped3A_83 = arith.constant 1 : i32
        "tpu.region"() ({
          %run_scoped3A_91 = tpu.sem_alloc : memref<!tpu.dma_semaphore, #tpu.memory_space<semaphore_mem>>
          %dma_start3A_92 = arith.constant 0 : i32
          %dma_start3A_93 = arith.constant 0 : i32
          %dma_start3A_94 = tpu.memref_slice %arg9[%run_scoped3A_83, %dma_start3A_92, %dma_start3A_93] : memref<2x128x128xf32, #tpu.memory_space<vmem>> -> memref<1x128x128xf32, #tpu.memory_space<vmem>>
          %dma_start3A_95 = tpu.memref_squeeze %dma_start3A_94 : memref<1x128x128xf32, #tpu.memory_space<vmem>> -> memref<128x128xf32, #tpu.memory_space<vmem>>
          %dma_start3A_96 = arith.constant 0 : i32
          %dma_start3A_97 = tpu.memref_slice %arg8[%add3A_82, %dma_start3A_96] : memref<40x128xi32, #tpu.memory_space<vmem>> -> memref<1x128xi32, #tpu.memory_space<vmem>>
          %dma_start3A_98 = tpu.memref_squeeze %dma_start3A_97 : memref<1x128xi32, #tpu.memory_space<vmem>> -> memref<128xi32, #tpu.memory_space<vmem>>
          %dma_start3A_99 = arith.constant 0 : i32
          %dma_start3A_100 = arith.constant 0 : i32
          %dma_start3A_101 = tpu.memref_slice %arg10[%dma_start3A_99, %dma_start3A_100] : memref<10240x128xf32, #tpu.memory_space<vmem_shared>> -> memref<10240x128xf32, #tpu.memory_space<vmem_shared>>
          tpu.enqueue_indirect_dma source(%dma_start3A_95 : memref<128x128xf32, #tpu.memory_space<vmem>>) target(%dma_start3A_101 : memref<10240x128xf32, #tpu.memory_space<vmem_shared>>) offsets(%dma_start3A_98 : memref<128xi32, #tpu.memory_space<vmem>>) semaphore(%run_scoped3A_91 : memref<!tpu.dma_semaphore, #tpu.memory_space<semaphore_mem>>) {add = true}
          %dma_wait3A_102 = arith.constant 0 : i32
          %dma_wait3A_103 = arith.constant 0 : i32
          %dma_wait3A_104 = tpu.memref_slice %arg9[%run_scoped3A_83, %dma_wait3A_102, %dma_wait3A_103] : memref<2x128x128xf32, #tpu.memory_space<vmem>> -> memref<1x128x128xf32, #tpu.memory_space<vmem>>
          %dma_wait3A_105 = tpu.memref_squeeze %dma_wait3A_104 : memref<1x128x128xf32, #tpu.memory_space<vmem>> -> memref<128x128xf32, #tpu.memory_space<vmem>>
          %dma_wait3A_106 = arith.constant 0 : i32
          %dma_wait3A_107 = tpu.memref_slice %arg8[%add3A_82, %dma_wait3A_106] : memref<40x128xi32, #tpu.memory_space<vmem>> -> memref<1x128xi32, #tpu.memory_space<vmem>>
          %dma_wait3A_108 = tpu.memref_squeeze %dma_wait3A_107 : memref<1x128xi32, #tpu.memory_space<vmem>> -> memref<128xi32, #tpu.memory_space<vmem>>
          %dma_wait3A_109 = arith.constant 0 : i32
          %dma_wait3A_110 = arith.constant 0 : i32
          %dma_wait3A_111 = tpu.memref_slice %arg10[%dma_wait3A_109, %dma_wait3A_110] : memref<10240x128xf32, #tpu.memory_space<vmem_shared>> -> memref<10240x128xf32, #tpu.memory_space<vmem_shared>>
          tpu.wait_indirect_dma semaphore(%run_scoped3A_91 : memref<!tpu.dma_semaphore, #tpu.memory_space<semaphore_mem>>) src(%dma_wait3A_105 : memref<128x128xf32, #tpu.memory_space<vmem>>) dst(%dma_wait3A_111 : memref<10240x128xf32, #tpu.memory_space<vmem_shared>>)
          tpu.yield
        }) : () -> ()
        %add3A_84 = arith.constant 3 : i32
        %add3A_85 = arith.addi %add3A_53, %add3A_84 : i32
        %lt3A_86 = arith.constant 40 : i32
        %lt3A_87 = arith.cmpi slt, %add3A_85, %lt3A_86 : i32
        %convert_element_type3A_88 = arith.extui %lt3A_87 : i1 to i32
        %cond3A_89 = arith.constant 0 : i32
        %cond3A_90 = arith.cmpi ne, %convert_element_type3A_88, %cond3A_89 : i32
        scf.if %cond3A_90 {
          %add3A_91 = arith.constant 3 : i32
          %add3A_92 = arith.addi %add3A_53, %add3A_91 : i32
          %dma_start3A_93 = arith.constant 1 : i32
          %dma_start3A_94 = arith.constant 0 : i32
          %dma_start3A_95 = arith.constant 0 : i32
          %dma_start3A_96 = tpu.memref_slice %arg9[%dma_start3A_93, %dma_start3A_94, %dma_start3A_95] : memref<2x128x128xf32, #tpu.memory_space<vmem>> -> memref<1x128x128xf32, #tpu.memory_space<vmem>>
          %dma_start3A_97 = tpu.memref_squeeze %dma_start3A_96 : memref<1x128x128xf32, #tpu.memory_space<vmem>> -> memref<128x128xf32, #tpu.memory_space<vmem>>
          %dma_start3A_98 = arith.constant 0 : i32
          %dma_start3A_99 = tpu.memref_slice %arg7[%add3A_92, %dma_start3A_98] : memref<40x128xi32, #tpu.memory_space<vmem>> -> memref<1x128xi32, #tpu.memory_space<vmem>>
          %dma_start3A_100 = tpu.memref_squeeze %dma_start3A_99 : memref<1x128xi32, #tpu.memory_space<vmem>> -> memref<128xi32, #tpu.memory_space<vmem>>
          %dma_start3A_101 = arith.constant 0 : i32
          %dma_start3A_102 = arith.constant 0 : i32
          %dma_start3A_103 = tpu.memref_slice %arg4[%dma_start3A_101, %dma_start3A_102] : memref<10240x128xf32, #tpu.memory_space<hbm>> -> memref<10240x128xf32, #tpu.memory_space<hbm>>
          tpu.enqueue_indirect_dma source(%dma_start3A_103 : memref<10240x128xf32, #tpu.memory_space<hbm>>) target(%dma_start3A_97 : memref<128x128xf32, #tpu.memory_space<vmem>>) offsets(%dma_start3A_100 : memref<128xi32, #tpu.memory_space<vmem>>) semaphore(%arg12 : memref<!tpu.dma_semaphore, #tpu.memory_space<semaphore_mem>>)
        } else {
        }
      }
      %scan3A_48 = arith.constant 20 : i32
    }
    %scan3A_6 = arith.constant 2 : i32
    %barrier3A_7 = arith.constant 0 : index
    tpu.barrier barrier_id(%barrier3A_7)
    %mul3A_8 = arith.constant 640 : i32
    %mul3A_9 = arith.muli %arg1, %mul3A_8 : i32
    %mul3A_10 = arith.constant 640 : i32
    %mul3A_11 = arith.muli %arg1, %mul3A_10 : i32
    "tpu.region"() ({
      %run_scoped3A = tpu.sem_alloc : memref<!tpu.dma_semaphore, #tpu.memory_space<semaphore_mem>>
      %dma_start3A = arith.constant 0 : i32
      %dma_start3A_12 = tpu.memref_slice %arg6[%arg0, %mul3A_11, %dma_start3A] : memref<2x10240x128xf32, #tpu.memory_space<hbm>> -> memref<1x640x128xf32, #tpu.memory_space<hbm>>
      %dma_start3A_13 = tpu.memref_squeeze %dma_start3A_12 : memref<1x640x128xf32, #tpu.memory_space<hbm>> -> memref<640x128xf32, #tpu.memory_space<hbm>>
      %dma_start3A_14 = arith.constant 0 : i32
      %dma_start3A_15 = tpu.memref_slice %arg10[%mul3A_9, %dma_start3A_14] : memref<10240x128xf32, #tpu.memory_space<vmem_shared>> -> memref<640x128xf32, #tpu.memory_space<vmem_shared>>
      tpu.enqueue_dma source(%dma_start3A_15 : memref<640x128xf32, #tpu.memory_space<vmem_shared>>) target(%dma_start3A_13 : memref<640x128xf32, #tpu.memory_space<hbm>>) target_semaphore(%run_scoped3A : memref<!tpu.dma_semaphore, #tpu.memory_space<semaphore_mem>>)
      %dma_wait3A = arith.constant 0 : i32
      %dma_wait3A_16 = tpu.memref_slice %arg6[%arg0, %mul3A_11, %dma_wait3A] : memref<2x10240x128xf32, #tpu.memory_space<hbm>> -> memref<1x640x128xf32, #tpu.memory_space<hbm>>
      %dma_wait3A_17 = tpu.memref_squeeze %dma_wait3A_16 : memref<1x640x128xf32, #tpu.memory_space<hbm>> -> memref<640x128xf32, #tpu.memory_space<hbm>>
      %dma_wait3A_18 = arith.constant 0 : i32
      %dma_wait3A_19 = tpu.memref_slice %arg10[%mul3A_9, %dma_wait3A_18] : memref<10240x128xf32, #tpu.memory_space<vmem_shared>> -> memref<640x128xf32, #tpu.memory_space<vmem_shared>>
      tpu.wait_dma2 semaphore(%run_scoped3A : memref<!tpu.dma_semaphore, #tpu.memory_space<semaphore_mem>>) src(%dma_wait3A_19 : memref<640x128xf32, #tpu.memory_space<vmem_shared>>) dst(%dma_wait3A_17 : memref<640x128xf32, #tpu.memory_space<hbm>>)
      tpu.yield
    }) : () -> ()
    return
  }
}

#map = affine_map<(d0, d1) -> (0, 0, 0)>
#map1 = affine_map<(d0, d1) -> (0, 0)>
module attributes {stable_mosaic.version = 14 : i64} {
  func.func @_deg_body(%arg0: i32, %arg1: i32, %arg2: memref<32x80x128xi32, #tpu.memory_space<hbm>>, %arg3: memref<640x128xf32, #tpu.memory_space<hbm>>, %arg4: memref<1x80xi32, #tpu.memory_space<hbm>>, %arg5: memref<2x80x128xf32, #tpu.memory_space<hbm>>, %arg6: memref<80x128xi32, #tpu.memory_space<vmem>>, %arg7: memref<80x128xf32, #tpu.memory_space<vmem>>, %arg8: memref<1x80xi32, #tpu.memory_space<vmem>>, %arg9: memref<80x128xf32, #tpu.memory_space<vmem_shared>>) attributes {dimension_semantics = [#tpu.dimension_semantics<core_parallel>, #tpu.dimension_semantics<subcore_parallel>], iteration_bounds = array<i64: 2, 16>, scalar_prefetch = 0 : i64, scratch_operands = 4 : i64, tpu.core_type = #tpu.core_type<sc_vector_subcore>, window_params = [{transform_indices = #map}, {transform_indices = #map1}, {transform_indices = #map1}, {transform_indices = #map}]} {
    %mul3A = arith.constant 16 : i32
    %mul3A_0 = arith.muli %arg0, %mul3A : i32
    %add3A = arith.addi %mul3A_0, %arg1 : i32
    "tpu.region"() ({
      %run_scoped3A_14 = tpu.sem_alloc : memref<!tpu.dma_semaphore, #tpu.memory_space<semaphore_mem>>
      %dma_start3A = arith.constant 0 : i32
      %dma_start3A_15 = arith.constant 0 : i32
      %dma_start3A_16 = tpu.memref_slice %arg3[%dma_start3A, %dma_start3A_15] : memref<640x128xf32, #tpu.memory_space<hbm>> -> memref<80x128xf32, #tpu.memory_space<hbm>>
      %dma_start3A_17 = arith.constant 0 : i32
      %dma_start3A_18 = arith.constant 0 : i32
      %dma_start3A_19 = tpu.memref_slice %arg3[%dma_start3A_17, %dma_start3A_18] : memref<640x128xf32, #tpu.memory_space<hbm>> -> memref<80x128xf32, #tpu.memory_space<hbm>>
      tpu.enqueue_dma source(%dma_start3A_19 : memref<80x128xf32, #tpu.memory_space<hbm>>) target(%arg7 : memref<80x128xf32, #tpu.memory_space<vmem>>) target_semaphore(%run_scoped3A_14 : memref<!tpu.dma_semaphore, #tpu.memory_space<semaphore_mem>>)
      %dma_wait3A = arith.constant 0 : i32
      %dma_wait3A_20 = arith.constant 0 : i32
      %dma_wait3A_21 = tpu.memref_slice %arg3[%dma_wait3A, %dma_wait3A_20] : memref<640x128xf32, #tpu.memory_space<hbm>> -> memref<80x128xf32, #tpu.memory_space<hbm>>
      %dma_wait3A_22 = arith.constant 0 : i32
      %dma_wait3A_23 = arith.constant 0 : i32
      %dma_wait3A_24 = tpu.memref_slice %arg3[%dma_wait3A_22, %dma_wait3A_23] : memref<640x128xf32, #tpu.memory_space<hbm>> -> memref<80x128xf32, #tpu.memory_space<hbm>>
      tpu.wait_dma2 semaphore(%run_scoped3A_14 : memref<!tpu.dma_semaphore, #tpu.memory_space<semaphore_mem>>) src(%dma_wait3A_24 : memref<80x128xf32, #tpu.memory_space<hbm>>) dst(%arg7 : memref<80x128xf32, #tpu.memory_space<vmem>>)
      tpu.yield
    }) : () -> ()
    %lt3A = arith.constant 10 : i32
    %lt3A_1 = arith.cmpi slt, %arg1, %lt3A : i32
    %convert_element_type3A = arith.extui %lt3A_1 : i1 to i32
    %cond3A = arith.constant 0 : i32
    %cond3A_2 = arith.cmpi ne, %convert_element_type3A, %cond3A : i32
    scf.if %cond3A_2 {
      %mul3A_14 = arith.constant 8 : i32
      %mul3A_15 = arith.muli %arg1, %mul3A_14 : i32
      "tpu.region"() ({
        %run_scoped3A_16 = tpu.sem_alloc : memref<!tpu.dma_semaphore, #tpu.memory_space<semaphore_mem>>
        %dma_start3A = arith.constant 0 : i32
        %dma_start3A_17 = tpu.memref_slice %arg9[%mul3A_15, %dma_start3A] : memref<80x128xf32, #tpu.memory_space<vmem_shared>> -> memref<8x128xf32, #tpu.memory_space<vmem_shared>>
        %dma_start3A_18 = arith.constant 0 : i32
        %dma_start3A_19 = arith.constant 0 : i32
        %dma_start3A_20 = tpu.memref_slice %arg3[%dma_start3A_18, %dma_start3A_19] : memref<640x128xf32, #tpu.memory_space<hbm>> -> memref<8x128xf32, #tpu.memory_space<hbm>>
        tpu.enqueue_dma source(%dma_start3A_20 : memref<8x128xf32, #tpu.memory_space<hbm>>) target(%dma_start3A_17 : memref<8x128xf32, #tpu.memory_space<vmem_shared>>) target_semaphore(%run_scoped3A_16 : memref<!tpu.dma_semaphore, #tpu.memory_space<semaphore_mem>>)
        %dma_wait3A = arith.constant 0 : i32
        %dma_wait3A_21 = tpu.memref_slice %arg9[%mul3A_15, %dma_wait3A] : memref<80x128xf32, #tpu.memory_space<vmem_shared>> -> memref<8x128xf32, #tpu.memory_space<vmem_shared>>
        %dma_wait3A_22 = arith.constant 0 : i32
        %dma_wait3A_23 = arith.constant 0 : i32
        %dma_wait3A_24 = tpu.memref_slice %arg3[%dma_wait3A_22, %dma_wait3A_23] : memref<640x128xf32, #tpu.memory_space<hbm>> -> memref<8x128xf32, #tpu.memory_space<hbm>>
        tpu.wait_dma2 semaphore(%run_scoped3A_16 : memref<!tpu.dma_semaphore, #tpu.memory_space<semaphore_mem>>) src(%dma_wait3A_24 : memref<8x128xf32, #tpu.memory_space<hbm>>) dst(%dma_wait3A_21 : memref<8x128xf32, #tpu.memory_space<vmem_shared>>)
        tpu.yield
      }) : () -> ()
    } else {
    }
    "tpu.region"() ({
      %run_scoped3A_14 = tpu.sem_alloc : memref<!tpu.dma_semaphore, #tpu.memory_space<semaphore_mem>>
      %dma_start3A = arith.constant 0 : i32
      %dma_start3A_15 = arith.constant 0 : i32
      %dma_start3A_16 = tpu.memref_slice %arg2[%add3A, %dma_start3A, %dma_start3A_15] : memref<32x80x128xi32, #tpu.memory_space<hbm>> -> memref<1x80x128xi32, #tpu.memory_space<hbm>>
      %dma_start3A_17 = tpu.memref_squeeze %dma_start3A_16 : memref<1x80x128xi32, #tpu.memory_space<hbm>> -> memref<80x128xi32, #tpu.memory_space<hbm>>
      %dma_start3A_18 = arith.constant 0 : i32
      %dma_start3A_19 = arith.constant 0 : i32
      %dma_start3A_20 = tpu.memref_slice %arg2[%add3A, %dma_start3A_18, %dma_start3A_19] : memref<32x80x128xi32, #tpu.memory_space<hbm>> -> memref<1x80x128xi32, #tpu.memory_space<hbm>>
      %dma_start3A_21 = tpu.memref_squeeze %dma_start3A_20 : memref<1x80x128xi32, #tpu.memory_space<hbm>> -> memref<80x128xi32, #tpu.memory_space<hbm>>
      tpu.enqueue_dma source(%dma_start3A_21 : memref<80x128xi32, #tpu.memory_space<hbm>>) target(%arg6 : memref<80x128xi32, #tpu.memory_space<vmem>>) target_semaphore(%run_scoped3A_14 : memref<!tpu.dma_semaphore, #tpu.memory_space<semaphore_mem>>)
      %dma_wait3A = arith.constant 0 : i32
      %dma_wait3A_22 = arith.constant 0 : i32
      %dma_wait3A_23 = tpu.memref_slice %arg2[%add3A, %dma_wait3A, %dma_wait3A_22] : memref<32x80x128xi32, #tpu.memory_space<hbm>> -> memref<1x80x128xi32, #tpu.memory_space<hbm>>
      %dma_wait3A_24 = tpu.memref_squeeze %dma_wait3A_23 : memref<1x80x128xi32, #tpu.memory_space<hbm>> -> memref<80x128xi32, #tpu.memory_space<hbm>>
      %dma_wait3A_25 = arith.constant 0 : i32
      %dma_wait3A_26 = arith.constant 0 : i32
      %dma_wait3A_27 = tpu.memref_slice %arg2[%add3A, %dma_wait3A_25, %dma_wait3A_26] : memref<32x80x128xi32, #tpu.memory_space<hbm>> -> memref<1x80x128xi32, #tpu.memory_space<hbm>>
      %dma_wait3A_28 = tpu.memref_squeeze %dma_wait3A_27 : memref<1x80x128xi32, #tpu.memory_space<hbm>> -> memref<80x128xi32, #tpu.memory_space<hbm>>
      tpu.wait_dma2 semaphore(%run_scoped3A_14 : memref<!tpu.dma_semaphore, #tpu.memory_space<semaphore_mem>>) src(%dma_wait3A_28 : memref<80x128xi32, #tpu.memory_space<hbm>>) dst(%arg6 : memref<80x128xi32, #tpu.memory_space<vmem>>)
      tpu.yield
    }) : () -> ()
    "tpu.region"() ({
      %run_scoped3A_14 = tpu.sem_alloc : memref<!tpu.dma_semaphore, #tpu.memory_space<semaphore_mem>>
      tpu.enqueue_dma source(%arg4 : memref<1x80xi32, #tpu.memory_space<hbm>>) target(%arg8 : memref<1x80xi32, #tpu.memory_space<vmem>>) target_semaphore(%run_scoped3A_14 : memref<!tpu.dma_semaphore, #tpu.memory_space<semaphore_mem>>)
      tpu.wait_dma2 semaphore(%run_scoped3A_14 : memref<!tpu.dma_semaphore, #tpu.memory_space<semaphore_mem>>) src(%arg4 : memref<1x80xi32, #tpu.memory_space<hbm>>) dst(%arg8 : memref<1x80xi32, #tpu.memory_space<vmem>>)
      tpu.yield
    }) : () -> ()
    %barrier3A = arith.constant 0 : index
    tpu.barrier barrier_id(%barrier3A)
    %broadcast_in_dim3A = arith.constant 1.000000e+00 : f32
    %broadcast_in_dim3A_3 = vector.broadcast %broadcast_in_dim3A : f32 to vector<16xf32>
    %scan3A = arith.constant 0 : i32
    %scan3A_4 = arith.constant 80 : i32
    %scan3A_5 = arith.addi %scan3A, %scan3A_4 : i32
    %scan3A_6 = arith.constant 1 : i32
    scf.for %scan3A_14 = %scan3A to %scan3A_5 step %scan3A_6  : i32 {
      %mul3A_15 = arith.constant 1 : i32
      %mul3A_16 = arith.muli %scan3A_14, %mul3A_15 : i32
      %add3A_17 = arith.constant 0 : i32
      %add3A_18 = arith.addi %add3A_17, %mul3A_16 : i32
      %get3A = arith.index_cast %add3A_18 : i32 to index
      %get3A_19 = arith.constant 0 : index
      %get3A_20 = tpu.vector_load %arg6[%get3A, %get3A_19] {strides = array<i32>} : memref<80x128xi32, #tpu.memory_space<vmem>>, vector<16xi32>,
      %shift_right_logical3A = arith.constant 7 : i32
      %shift_right_logical3A_21 = vector.broadcast %shift_right_logical3A : i32 to vector<16xi32>
      %shift_right_logical3A_22 = arith.shrui %get3A_20, %shift_right_logical3A_21 : vector<16xi32>
      %and3A = arith.constant 127 : i32
      %and3A_23 = vector.broadcast %and3A : i32 to vector<16xi32>
      %and3A_24 = arith.andi %get3A_20, %and3A_23 : vector<16xi32>
      tpu.vector_store_idx %arg7[%shift_right_logical3A_22, %and3A_24], %broadcast_in_dim3A_3 {add = true} : memref<80x128xf32, #tpu.memory_space<vmem>>[vector<16xi32>, vector<16xi32>], vector<16xf32>,
      %get3A_25 = arith.index_cast %add3A_18 : i32 to index
      %get3A_26 = arith.constant 16 : index
      %get3A_27 = tpu.vector_load %arg6[%get3A_25, %get3A_26] {strides = array<i32>} : memref<80x128xi32, #tpu.memory_space<vmem>>, vector<16xi32>,
      %shift_right_logical3A_28 = arith.constant 7 : i32
      %shift_right_logical3A_29 = vector.broadcast %shift_right_logical3A_28 : i32 to vector<16xi32>
      %shift_right_logical3A_30 = arith.shrui %get3A_27, %shift_right_logical3A_29 : vector<16xi32>
      %and3A_31 = arith.constant 127 : i32
      %and3A_32 = vector.broadcast %and3A_31 : i32 to vector<16xi32>
      %and3A_33 = arith.andi %get3A_27, %and3A_32 : vector<16xi32>
      tpu.vector_store_idx %arg7[%shift_right_logical3A_30, %and3A_33], %broadcast_in_dim3A_3 {add = true} : memref<80x128xf32, #tpu.memory_space<vmem>>[vector<16xi32>, vector<16xi32>], vector<16xf32>,
      %get3A_34 = arith.index_cast %add3A_18 : i32 to index
      %get3A_35 = arith.constant 32 : index
      %get3A_36 = tpu.vector_load %arg6[%get3A_34, %get3A_35] {strides = array<i32>} : memref<80x128xi32, #tpu.memory_space<vmem>>, vector<16xi32>,
      %shift_right_logical3A_37 = arith.constant 7 : i32
      %shift_right_logical3A_38 = vector.broadcast %shift_right_logical3A_37 : i32 to vector<16xi32>
      %shift_right_logical3A_39 = arith.shrui %get3A_36, %shift_right_logical3A_38 : vector<16xi32>
      %and3A_40 = arith.constant 127 : i32
      %and3A_41 = vector.broadcast %and3A_40 : i32 to vector<16xi32>
      %and3A_42 = arith.andi %get3A_36, %and3A_41 : vector<16xi32>
      tpu.vector_store_idx %arg7[%shift_right_logical3A_39, %and3A_42], %broadcast_in_dim3A_3 {add = true} : memref<80x128xf32, #tpu.memory_space<vmem>>[vector<16xi32>, vector<16xi32>], vector<16xf32>,
      %get3A_43 = arith.index_cast %add3A_18 : i32 to index
      %get3A_44 = arith.constant 48 : index
      %get3A_45 = tpu.vector_load %arg6[%get3A_43, %get3A_44] {strides = array<i32>} : memref<80x128xi32, #tpu.memory_space<vmem>>, vector<16xi32>,
      %shift_right_logical3A_46 = arith.constant 7 : i32
      %shift_right_logical3A_47 = vector.broadcast %shift_right_logical3A_46 : i32 to vector<16xi32>
      %shift_right_logical3A_48 = arith.shrui %get3A_45, %shift_right_logical3A_47 : vector<16xi32>
      %and3A_49 = arith.constant 127 : i32
      %and3A_50 = vector.broadcast %and3A_49 : i32 to vector<16xi32>
      %and3A_51 = arith.andi %get3A_45, %and3A_50 : vector<16xi32>
      tpu.vector_store_idx %arg7[%shift_right_logical3A_48, %and3A_51], %broadcast_in_dim3A_3 {add = true} : memref<80x128xf32, #tpu.memory_space<vmem>>[vector<16xi32>, vector<16xi32>], vector<16xf32>,
      %get3A_52 = arith.index_cast %add3A_18 : i32 to index
      %get3A_53 = arith.constant 64 : index
      %get3A_54 = tpu.vector_load %arg6[%get3A_52, %get3A_53] {strides = array<i32>} : memref<80x128xi32, #tpu.memory_space<vmem>>, vector<16xi32>,
      %shift_right_logical3A_55 = arith.constant 7 : i32
      %shift_right_logical3A_56 = vector.broadcast %shift_right_logical3A_55 : i32 to vector<16xi32>
      %shift_right_logical3A_57 = arith.shrui %get3A_54, %shift_right_logical3A_56 : vector<16xi32>
      %and3A_58 = arith.constant 127 : i32
      %and3A_59 = vector.broadcast %and3A_58 : i32 to vector<16xi32>
      %and3A_60 = arith.andi %get3A_54, %and3A_59 : vector<16xi32>
      tpu.vector_store_idx %arg7[%shift_right_logical3A_57, %and3A_60], %broadcast_in_dim3A_3 {add = true} : memref<80x128xf32, #tpu.memory_space<vmem>>[vector<16xi32>, vector<16xi32>], vector<16xf32>,
      %get3A_61 = arith.index_cast %add3A_18 : i32 to index
      %get3A_62 = arith.constant 80 : index
      %get3A_63 = tpu.vector_load %arg6[%get3A_61, %get3A_62] {strides = array<i32>} : memref<80x128xi32, #tpu.memory_space<vmem>>, vector<16xi32>,
      %shift_right_logical3A_64 = arith.constant 7 : i32
      %shift_right_logical3A_65 = vector.broadcast %shift_right_logical3A_64 : i32 to vector<16xi32>
      %shift_right_logical3A_66 = arith.shrui %get3A_63, %shift_right_logical3A_65 : vector<16xi32>
      %and3A_67 = arith.constant 127 : i32
      %and3A_68 = vector.broadcast %and3A_67 : i32 to vector<16xi32>
      %and3A_69 = arith.andi %get3A_63, %and3A_68 : vector<16xi32>
      tpu.vector_store_idx %arg7[%shift_right_logical3A_66, %and3A_69], %broadcast_in_dim3A_3 {add = true} : memref<80x128xf32, #tpu.memory_space<vmem>>[vector<16xi32>, vector<16xi32>], vector<16xf32>,
      %get3A_70 = arith.index_cast %add3A_18 : i32 to index
      %get3A_71 = arith.constant 96 : index
      %get3A_72 = tpu.vector_load %arg6[%get3A_70, %get3A_71] {strides = array<i32>} : memref<80x128xi32, #tpu.memory_space<vmem>>, vector<16xi32>,
      %shift_right_logical3A_73 = arith.constant 7 : i32
      %shift_right_logical3A_74 = vector.broadcast %shift_right_logical3A_73 : i32 to vector<16xi32>
      %shift_right_logical3A_75 = arith.shrui %get3A_72, %shift_right_logical3A_74 : vector<16xi32>
      %and3A_76 = arith.constant 127 : i32
      %and3A_77 = vector.broadcast %and3A_76 : i32 to vector<16xi32>
      %and3A_78 = arith.andi %get3A_72, %and3A_77 : vector<16xi32>
      tpu.vector_store_idx %arg7[%shift_right_logical3A_75, %and3A_78], %broadcast_in_dim3A_3 {add = true} : memref<80x128xf32, #tpu.memory_space<vmem>>[vector<16xi32>, vector<16xi32>], vector<16xf32>,
      %get3A_79 = arith.index_cast %add3A_18 : i32 to index
      %get3A_80 = arith.constant 112 : index
      %get3A_81 = tpu.vector_load %arg6[%get3A_79, %get3A_80] {strides = array<i32>} : memref<80x128xi32, #tpu.memory_space<vmem>>, vector<16xi32>,
      %shift_right_logical3A_82 = arith.constant 7 : i32
      %shift_right_logical3A_83 = vector.broadcast %shift_right_logical3A_82 : i32 to vector<16xi32>
      %shift_right_logical3A_84 = arith.shrui %get3A_81, %shift_right_logical3A_83 : vector<16xi32>
      %and3A_85 = arith.constant 127 : i32
      %and3A_86 = vector.broadcast %and3A_85 : i32 to vector<16xi32>
      %and3A_87 = arith.andi %get3A_81, %and3A_86 : vector<16xi32>
      tpu.vector_store_idx %arg7[%shift_right_logical3A_84, %and3A_87], %broadcast_in_dim3A_3 {add = true} : memref<80x128xf32, #tpu.memory_space<vmem>>[vector<16xi32>, vector<16xi32>], vector<16xf32>,
    }
    %scan3A_7 = arith.constant 80 : i32
    %run_scoped3A = arith.constant 0 : i32
    "tpu.region"() ({
      %run_scoped3A_14 = tpu.sem_alloc : memref<!tpu.dma_semaphore, #tpu.memory_space<semaphore_mem>>
      %dma_start3A = arith.constant 0 : i32
      %dma_start3A_15 = tpu.memref_slice %arg8[%run_scoped3A, %dma_start3A] : memref<1x80xi32, #tpu.memory_space<vmem>> -> memref<1x80xi32, #tpu.memory_space<vmem>>
      %dma_start3A_16 = tpu.memref_squeeze %dma_start3A_15 : memref<1x80xi32, #tpu.memory_space<vmem>> -> memref<80xi32, #tpu.memory_space<vmem>>
      %dma_start3A_17 = arith.constant 0 : i32
      %dma_start3A_18 = arith.constant 0 : i32
      %dma_start3A_19 = tpu.memref_slice %arg9[%dma_start3A_17, %dma_start3A_18] : memref<80x128xf32, #tpu.memory_space<vmem_shared>> -> memref<80x128xf32, #tpu.memory_space<vmem_shared>>
      tpu.enqueue_indirect_dma source(%arg7 : memref<80x128xf32, #tpu.memory_space<vmem>>) target(%dma_start3A_19 : memref<80x128xf32, #tpu.memory_space<vmem_shared>>) offsets(%dma_start3A_16 : memref<80xi32, #tpu.memory_space<vmem>>) semaphore(%run_scoped3A_14 : memref<!tpu.dma_semaphore, #tpu.memory_space<semaphore_mem>>) {add = true}
      %dma_wait3A = arith.constant 0 : i32
      %dma_wait3A_20 = tpu.memref_slice %arg8[%run_scoped3A, %dma_wait3A] : memref<1x80xi32, #tpu.memory_space<vmem>> -> memref<1x80xi32, #tpu.memory_space<vmem>>
      %dma_wait3A_21 = tpu.memref_squeeze %dma_wait3A_20 : memref<1x80xi32, #tpu.memory_space<vmem>> -> memref<80xi32, #tpu.memory_space<vmem>>
      %dma_wait3A_22 = arith.constant 0 : i32
      %dma_wait3A_23 = arith.constant 0 : i32
      %dma_wait3A_24 = tpu.memref_slice %arg9[%dma_wait3A_22, %dma_wait3A_23] : memref<80x128xf32, #tpu.memory_space<vmem_shared>> -> memref<80x128xf32, #tpu.memory_space<vmem_shared>>
      tpu.wait_indirect_dma semaphore(%run_scoped3A_14 : memref<!tpu.dma_semaphore, #tpu.memory_space<semaphore_mem>>) src(%arg7 : memref<80x128xf32, #tpu.memory_space<vmem>>) dst(%dma_wait3A_24 : memref<80x128xf32, #tpu.memory_space<vmem_shared>>)
      tpu.yield
    }) : () -> ()
    %barrier3A_8 = arith.constant 0 : index
    tpu.barrier barrier_id(%barrier3A_8)
    %lt3A_9 = arith.constant 10 : i32
    %lt3A_10 = arith.cmpi slt, %arg1, %lt3A_9 : i32
    %convert_element_type3A_11 = arith.extui %lt3A_10 : i1 to i32
    %cond3A_12 = arith.constant 0 : i32
    %cond3A_13 = arith.cmpi ne, %convert_element_type3A_11, %cond3A_12 : i32
    scf.if %cond3A_13 {
      %mul3A_14 = arith.constant 8 : i32
      %mul3A_15 = arith.muli %arg1, %mul3A_14 : i32
      %mul3A_16 = arith.constant 8 : i32
      %mul3A_17 = arith.muli %arg1, %mul3A_16 : i32
      "tpu.region"() ({
        %run_scoped3A_18 = tpu.sem_alloc : memref<!tpu.dma_semaphore, #tpu.memory_space<semaphore_mem>>
        %dma_start3A = arith.constant 0 : i32
        %dma_start3A_19 = tpu.memref_slice %arg5[%arg0, %mul3A_17, %dma_start3A] : memref<2x80x128xf32, #tpu.memory_space<hbm>> -> memref<1x8x128xf32, #tpu.memory_space<hbm>>
        %dma_start3A_20 = tpu.memref_squeeze %dma_start3A_19 : memref<1x8x128xf32, #tpu.memory_space<hbm>> -> memref<8x128xf32, #tpu.memory_space<hbm>>
        %dma_start3A_21 = arith.constant 0 : i32
        %dma_start3A_22 = tpu.memref_slice %arg9[%mul3A_15, %dma_start3A_21] : memref<80x128xf32, #tpu.memory_space<vmem_shared>> -> memref<8x128xf32, #tpu.memory_space<vmem_shared>>
        tpu.enqueue_dma source(%dma_start3A_22 : memref<8x128xf32, #tpu.memory_space<vmem_shared>>) target(%dma_start3A_20 : memref<8x128xf32, #tpu.memory_space<hbm>>) target_semaphore(%run_scoped3A_18 : memref<!tpu.dma_semaphore, #tpu.memory_space<semaphore_mem>>)
        %dma_wait3A = arith.constant 0 : i32
        %dma_wait3A_23 = tpu.memref_slice %arg5[%arg0, %mul3A_17, %dma_wait3A] : memref<2x80x128xf32, #tpu.memory_space<hbm>> -> memref<1x8x128xf32, #tpu.memory_space<hbm>>
        %dma_wait3A_24 = tpu.memref_squeeze %dma_wait3A_23 : memref<1x8x128xf32, #tpu.memory_space<hbm>> -> memref<8x128xf32, #tpu.memory_space<hbm>>
        %dma_wait3A_25 = arith.constant 0 : i32
        %dma_wait3A_26 = tpu.memref_slice %arg9[%mul3A_15, %dma_wait3A_25] : memref<80x128xf32, #tpu.memory_space<vmem_shared>> -> memref<8x128xf32, #tpu.memory_space<vmem_shared>>
        tpu.wait_dma2 semaphore(%run_scoped3A_18 : memref<!tpu.dma_semaphore, #tpu.memory_space<semaphore_mem>>) src(%dma_wait3A_26 : memref<8x128xf32, #tpu.memory_space<vmem_shared>>) dst(%dma_wait3A_24 : memref<8x128xf32, #tpu.memory_space<hbm>>)
        tpu.yield
      }) : () -> ()
    } else {
    }
    return
  }
}

#map = affine_map<(d0, d1) -> (0, 0, 0)>
#map1 = affine_map<(d0, d1) -> (0, 0)>
module attributes {stable_mosaic.version = 14 : i64} {
  func.func @_edge_body(%arg0: i32, %arg1: i32, %arg2: memref<32x80x128xi32, #tpu.memory_space<hbm>>, %arg3: memref<32x80x128xi32, #tpu.memory_space<hbm>>, %arg4: memref<10240x128xf32, #tpu.memory_space<hbm>>, %arg5: memref<640x128xf32, #tpu.memory_space<hbm>>, %arg6: memref<2x10240x128xf32, #tpu.memory_space<hbm>>, %arg7: memref<40x128xi32, #tpu.memory_space<vmem>>, %arg8: memref<40x128xi32, #tpu.memory_space<vmem>>, %arg9: memref<2x128x128xf32, #tpu.memory_space<vmem>>, %arg10: memref<10240x128xf32, #tpu.memory_space<vmem_shared>>, %arg11: memref<!tpu.dma_semaphore, #tpu.memory_space<semaphore_mem>>, %arg12: memref<!tpu.dma_semaphore, #tpu.memory_space<semaphore_mem>>) attributes {dimension_semantics = [#tpu.dimension_semantics<core_parallel>, #tpu.dimension_semantics<subcore_parallel>], iteration_bounds = array<i64: 2, 16>, scalar_prefetch = 0 : i64, scratch_operands = 6 : i64, tpu.core_type = #tpu.core_type<sc_vector_subcore>, window_params = [{transform_indices = #map}, {transform_indices = #map}, {transform_indices = #map1}, {transform_indices = #map1}, {transform_indices = #map}]} {
    %mul3A = arith.constant 16 : i32
    %mul3A_0 = arith.muli %arg0, %mul3A : i32
    %add3A = arith.addi %mul3A_0, %arg1 : i32
    %mul3A_1 = arith.constant 640 : i32
    %mul3A_2 = arith.muli %arg1, %mul3A_1 : i32
    "tpu.region"() ({
      %run_scoped3A = tpu.sem_alloc : memref<!tpu.dma_semaphore, #tpu.memory_space<semaphore_mem>>
      %dma_start3A = arith.constant 0 : i32
      %dma_start3A_12 = tpu.memref_slice %arg10[%mul3A_2, %dma_start3A] : memref<10240x128xf32, #tpu.memory_space<vmem_shared>> -> memref<640x128xf32, #tpu.memory_space<vmem_shared>>
      tpu.enqueue_dma source(%arg5 : memref<640x128xf32, #tpu.memory_space<hbm>>) target(%dma_start3A_12 : memref<640x128xf32, #tpu.memory_space<vmem_shared>>) target_semaphore(%run_scoped3A : memref<!tpu.dma_semaphore, #tpu.memory_space<semaphore_mem>>)
      %dma_wait3A = arith.constant 0 : i32
      %dma_wait3A_13 = tpu.memref_slice %arg10[%mul3A_2, %dma_wait3A] : memref<10240x128xf32, #tpu.memory_space<vmem_shared>> -> memref<640x128xf32, #tpu.memory_space<vmem_shared>>
      tpu.wait_dma2 semaphore(%run_scoped3A : memref<!tpu.dma_semaphore, #tpu.memory_space<semaphore_mem>>) src(%arg5 : memref<640x128xf32, #tpu.memory_space<hbm>>) dst(%dma_wait3A_13 : memref<640x128xf32, #tpu.memory_space<vmem_shared>>)
      tpu.yield
    }) : () -> ()
    %barrier3A = arith.constant 0 : index
    tpu.barrier barrier_id(%barrier3A)
    %scan3A = arith.constant 0 : i32
    %scan3A_3 = arith.constant 2 : i32
    %scan3A_4 = arith.addi %scan3A, %scan3A_3 : i32
    %scan3A_5 = arith.constant 1 : i32
    scf.for %scan3A_12 = %scan3A to %scan3A_4 step %scan3A_5  : i32 {
      %mul3A_13 = arith.constant 1 : i32
      %mul3A_14 = arith.muli %scan3A_12, %mul3A_13 : i32
      %add3A_15 = arith.constant 0 : i32
      %add3A_16 = arith.addi %add3A_15, %mul3A_14 : i32
      %mul3A_17 = arith.constant 40 : i32
      %mul3A_18 = arith.muli %add3A_16, %mul3A_17 : i32
      "tpu.region"() ({
        %run_scoped3A = tpu.sem_alloc : memref<!tpu.dma_semaphore, #tpu.memory_space<semaphore_mem>>
        %dma_start3A_49 = arith.constant 0 : i32
        %dma_start3A_50 = tpu.memref_slice %arg2[%add3A, %mul3A_18, %dma_start3A_49] : memref<32x80x128xi32, #tpu.memory_space<hbm>> -> memref<1x40x128xi32, #tpu.memory_space<hbm>>
        %dma_start3A_51 = tpu.memref_squeeze %dma_start3A_50 : memref<1x40x128xi32, #tpu.memory_space<hbm>> -> memref<40x128xi32, #tpu.memory_space<hbm>>
        %dma_start3A_52 = arith.constant 0 : i32
        %dma_start3A_53 = tpu.memref_slice %arg2[%add3A, %mul3A_18, %dma_start3A_52] : memref<32x80x128xi32, #tpu.memory_space<hbm>> -> memref<1x40x128xi32, #tpu.memory_space<hbm>>
        %dma_start3A_54 = tpu.memref_squeeze %dma_start3A_53 : memref<1x40x128xi32, #tpu.memory_space<hbm>> -> memref<40x128xi32, #tpu.memory_space<hbm>>
        tpu.enqueue_dma source(%dma_start3A_54 : memref<40x128xi32, #tpu.memory_space<hbm>>) target(%arg7 : memref<40x128xi32, #tpu.memory_space<vmem>>) target_semaphore(%run_scoped3A : memref<!tpu.dma_semaphore, #tpu.memory_space<semaphore_mem>>)
        %dma_wait3A = arith.constant 0 : i32
        %dma_wait3A_55 = tpu.memref_slice %arg2[%add3A, %mul3A_18, %dma_wait3A] : memref<32x80x128xi32, #tpu.memory_space<hbm>> -> memref<1x40x128xi32, #tpu.memory_space<hbm>>
        %dma_wait3A_56 = tpu.memref_squeeze %dma_wait3A_55 : memref<1x40x128xi32, #tpu.memory_space<hbm>> -> memref<40x128xi32, #tpu.memory_space<hbm>>
        %dma_wait3A_57 = arith.constant 0 : i32
        %dma_wait3A_58 = tpu.memref_slice %arg2[%add3A, %mul3A_18, %dma_wait3A_57] : memref<32x80x128xi32, #tpu.memory_space<hbm>> -> memref<1x40x128xi32, #tpu.memory_space<hbm>>
        %dma_wait3A_59 = tpu.memref_squeeze %dma_wait3A_58 : memref<1x40x128xi32, #tpu.memory_space<hbm>> -> memref<40x128xi32, #tpu.memory_space<hbm>>
        tpu.wait_dma2 semaphore(%run_scoped3A : memref<!tpu.dma_semaphore, #tpu.memory_space<semaphore_mem>>) src(%dma_wait3A_59 : memref<40x128xi32, #tpu.memory_space<hbm>>) dst(%arg7 : memref<40x128xi32, #tpu.memory_space<vmem>>)
        tpu.yield
      }) : () -> ()
      %mul3A_19 = arith.constant 40 : i32
      %mul3A_20 = arith.muli %add3A_16, %mul3A_19 : i32
      "tpu.region"() ({
        %run_scoped3A = tpu.sem_alloc : memref<!tpu.dma_semaphore, #tpu.memory_space<semaphore_mem>>
        %dma_start3A_49 = arith.constant 0 : i32
        %dma_start3A_50 = tpu.memref_slice %arg3[%add3A, %mul3A_20, %dma_start3A_49] : memref<32x80x128xi32, #tpu.memory_space<hbm>> -> memref<1x40x128xi32, #tpu.memory_space<hbm>>
        %dma_start3A_51 = tpu.memref_squeeze %dma_start3A_50 : memref<1x40x128xi32, #tpu.memory_space<hbm>> -> memref<40x128xi32, #tpu.memory_space<hbm>>
        %dma_start3A_52 = arith.constant 0 : i32
        %dma_start3A_53 = tpu.memref_slice %arg3[%add3A, %mul3A_20, %dma_start3A_52] : memref<32x80x128xi32, #tpu.memory_space<hbm>> -> memref<1x40x128xi32, #tpu.memory_space<hbm>>
        %dma_start3A_54 = tpu.memref_squeeze %dma_start3A_53 : memref<1x40x128xi32, #tpu.memory_space<hbm>> -> memref<40x128xi32, #tpu.memory_space<hbm>>
        tpu.enqueue_dma source(%dma_start3A_54 : memref<40x128xi32, #tpu.memory_space<hbm>>) target(%arg8 : memref<40x128xi32, #tpu.memory_space<vmem>>) target_semaphore(%run_scoped3A : memref<!tpu.dma_semaphore, #tpu.memory_space<semaphore_mem>>)
        %dma_wait3A = arith.constant 0 : i32
        %dma_wait3A_55 = tpu.memref_slice %arg3[%add3A, %mul3A_20, %dma_wait3A] : memref<32x80x128xi32, #tpu.memory_space<hbm>> -> memref<1x40x128xi32, #tpu.memory_space<hbm>>
        %dma_wait3A_56 = tpu.memref_squeeze %dma_wait3A_55 : memref<1x40x128xi32, #tpu.memory_space<hbm>> -> memref<40x128xi32, #tpu.memory_space<hbm>>
        %dma_wait3A_57 = arith.constant 0 : i32
        %dma_wait3A_58 = tpu.memref_slice %arg3[%add3A, %mul3A_20, %dma_wait3A_57] : memref<32x80x128xi32, #tpu.memory_space<hbm>> -> memref<1x40x128xi32, #tpu.memory_space<hbm>>
        %dma_wait3A_59 = tpu.memref_squeeze %dma_wait3A_58 : memref<1x40x128xi32, #tpu.memory_space<hbm>> -> memref<40x128xi32, #tpu.memory_space<hbm>>
        tpu.wait_dma2 semaphore(%run_scoped3A : memref<!tpu.dma_semaphore, #tpu.memory_space<semaphore_mem>>) src(%dma_wait3A_59 : memref<40x128xi32, #tpu.memory_space<hbm>>) dst(%arg8 : memref<40x128xi32, #tpu.memory_space<vmem>>)
        tpu.yield
      }) : () -> ()
      %dma_start3A = arith.constant 0 : i32
      %dma_start3A_21 = arith.constant 0 : i32
      %dma_start3A_22 = arith.constant 0 : i32
      %dma_start3A_23 = arith.constant 0 : i32
      %dma_start3A_24 = tpu.memref_slice %arg9[%dma_start3A_21, %dma_start3A_22, %dma_start3A_23] : memref<2x128x128xf32, #tpu.memory_space<vmem>> -> memref<1x128x128xf32, #tpu.memory_space<vmem>>
      %dma_start3A_25 = tpu.memref_squeeze %dma_start3A_24 : memref<1x128x128xf32, #tpu.memory_space<vmem>> -> memref<128x128xf32, #tpu.memory_space<vmem>>
      %dma_start3A_26 = arith.constant 0 : i32
      %dma_start3A_27 = tpu.memref_slice %arg7[%dma_start3A, %dma_start3A_26] : memref<40x128xi32, #tpu.memory_space<vmem>> -> memref<1x128xi32, #tpu.memory_space<vmem>>
      %dma_start3A_28 = tpu.memref_squeeze %dma_start3A_27 : memref<1x128xi32, #tpu.memory_space<vmem>> -> memref<128xi32, #tpu.memory_space<vmem>>
      %dma_start3A_29 = arith.constant 0 : i32
      %dma_start3A_30 = arith.constant 0 : i32
      %dma_start3A_31 = tpu.memref_slice %arg4[%dma_start3A_29, %dma_start3A_30] : memref<10240x128xf32, #tpu.memory_space<hbm>> -> memref<10240x128xf32, #tpu.memory_space<hbm>>
      tpu.enqueue_indirect_dma source(%dma_start3A_31 : memref<10240x128xf32, #tpu.memory_space<hbm>>) target(%dma_start3A_25 : memref<128x128xf32, #tpu.memory_space<vmem>>) offsets(%dma_start3A_28 : memref<128xi32, #tpu.memory_space<vmem>>) semaphore(%arg11 : memref<!tpu.dma_semaphore, #tpu.memory_space<semaphore_mem>>)
      %dma_start3A_32 = arith.constant 1 : i32
      %dma_start3A_33 = arith.constant 1 : i32
      %dma_start3A_34 = arith.constant 0 : i32
      %dma_start3A_35 = arith.constant 0 : i32
      %dma_start3A_36 = tpu.memref_slice %arg9[%dma_start3A_33, %dma_start3A_34, %dma_start3A_35] : memref<2x128x128xf32, #tpu.memory_space<vmem>> -> memref<1x128x128xf32, #tpu.memory_space<vmem>>
      %dma_start3A_37 = tpu.memref_squeeze %dma_start3A_36 : memref<1x128x128xf32, #tpu.memory_space<vmem>> -> memref<128x128xf32, #tpu.memory_space<vmem>>
      %dma_start3A_38 = arith.constant 0 : i32
      %dma_start3A_39 = tpu.memref_slice %arg7[%dma_start3A_32, %dma_start3A_38] : memref<40x128xi32, #tpu.memory_space<vmem>> -> memref<1x128xi32, #tpu.memory_space<vmem>>
      %dma_start3A_40 = tpu.memref_squeeze %dma_start3A_39 : memref<1x128xi32, #tpu.memory_space<vmem>> -> memref<128xi32, #tpu.memory_space<vmem>>
      %dma_start3A_41 = arith.constant 0 : i32
      %dma_start3A_42 = arith.constant 0 : i32
      %dma_start3A_43 = tpu.memref_slice %arg4[%dma_start3A_41, %dma_start3A_42] : memref<10240x128xf32, #tpu.memory_space<hbm>> -> memref<10240x128xf32, #tpu.memory_space<hbm>>
      tpu.enqueue_indirect_dma source(%dma_start3A_43 : memref<10240x128xf32, #tpu.memory_space<hbm>>) target(%dma_start3A_37 : memref<128x128xf32, #tpu.memory_space<vmem>>) offsets(%dma_start3A_40 : memref<128xi32, #tpu.memory_space<vmem>>) semaphore(%arg12 : memref<!tpu.dma_semaphore, #tpu.memory_space<semaphore_mem>>)
      %scan3A_44 = arith.constant 0 : i32
      %scan3A_45 = arith.constant 20 : i32
      %scan3A_46 = arith.addi %scan3A_44, %scan3A_45 : i32
      %scan3A_47 = arith.constant 1 : i32
      scf.for %scan3A_49 = %scan3A_44 to %scan3A_46 step %scan3A_47  : i32 {
        %mul3A_50 = arith.constant 2 : i32
        %mul3A_51 = arith.muli %scan3A_49, %mul3A_50 : i32
        %add3A_52 = arith.constant 0 : i32
        %add3A_53 = arith.addi %add3A_52, %mul3A_51 : i32
        %dma_wait3A = arith.constant 0 : i32
        %dma_wait3A_54 = arith.constant 0 : i32
        %dma_wait3A_55 = arith.constant 0 : i32
        %dma_wait3A_56 = tpu.memref_slice %arg9[%dma_wait3A, %dma_wait3A_54, %dma_wait3A_55] : memref<2x128x128xf32, #tpu.memory_space<vmem>> -> memref<1x128x128xf32, #tpu.memory_space<vmem>>
        %dma_wait3A_57 = tpu.memref_squeeze %dma_wait3A_56 : memref<1x128x128xf32, #tpu.memory_space<vmem>> -> memref<128x128xf32, #tpu.memory_space<vmem>>
        %dma_wait3A_58 = arith.constant 0 : i32
        %dma_wait3A_59 = tpu.memref_slice %arg7[%add3A_53, %dma_wait3A_58] : memref<40x128xi32, #tpu.memory_space<vmem>> -> memref<1x128xi32, #tpu.memory_space<vmem>>
        %dma_wait3A_60 = tpu.memref_squeeze %dma_wait3A_59 : memref<1x128xi32, #tpu.memory_space<vmem>> -> memref<128xi32, #tpu.memory_space<vmem>>
        %dma_wait3A_61 = arith.constant 0 : i32
        %dma_wait3A_62 = arith.constant 0 : i32
        %dma_wait3A_63 = tpu.memref_slice %arg4[%dma_wait3A_61, %dma_wait3A_62] : memref<10240x128xf32, #tpu.memory_space<hbm>> -> memref<10240x128xf32, #tpu.memory_space<hbm>>
        tpu.wait_indirect_dma semaphore(%arg11 : memref<!tpu.dma_semaphore, #tpu.memory_space<semaphore_mem>>) src(%dma_wait3A_63 : memref<10240x128xf32, #tpu.memory_space<hbm>>) dst(%dma_wait3A_57 : memref<128x128xf32, #tpu.memory_space<vmem>>)
        %run_scoped3A = arith.constant 0 : i32
        "tpu.region"() ({
          %run_scoped3A_91 = tpu.sem_alloc : memref<!tpu.dma_semaphore, #tpu.memory_space<semaphore_mem>>
          %dma_start3A_92 = arith.constant 0 : i32
          %dma_start3A_93 = arith.constant 0 : i32
          %dma_start3A_94 = tpu.memref_slice %arg9[%run_scoped3A, %dma_start3A_92, %dma_start3A_93] : memref<2x128x128xf32, #tpu.memory_space<vmem>> -> memref<1x128x128xf32, #tpu.memory_space<vmem>>
          %dma_start3A_95 = tpu.memref_squeeze %dma_start3A_94 : memref<1x128x128xf32, #tpu.memory_space<vmem>> -> memref<128x128xf32, #tpu.memory_space<vmem>>
          %dma_start3A_96 = arith.constant 0 : i32
          %dma_start3A_97 = tpu.memref_slice %arg8[%add3A_53, %dma_start3A_96] : memref<40x128xi32, #tpu.memory_space<vmem>> -> memref<1x128xi32, #tpu.memory_space<vmem>>
          %dma_start3A_98 = tpu.memref_squeeze %dma_start3A_97 : memref<1x128xi32, #tpu.memory_space<vmem>> -> memref<128xi32, #tpu.memory_space<vmem>>
          %dma_start3A_99 = arith.constant 0 : i32
          %dma_start3A_100 = arith.constant 0 : i32
          %dma_start3A_101 = tpu.memref_slice %arg10[%dma_start3A_99, %dma_start3A_100] : memref<10240x128xf32, #tpu.memory_space<vmem_shared>> -> memref<10240x128xf32, #tpu.memory_space<vmem_shared>>
          tpu.enqueue_indirect_dma source(%dma_start3A_95 : memref<128x128xf32, #tpu.memory_space<vmem>>) target(%dma_start3A_101 : memref<10240x128xf32, #tpu.memory_space<vmem_shared>>) offsets(%dma_start3A_98 : memref<128xi32, #tpu.memory_space<vmem>>) semaphore(%run_scoped3A_91 : memref<!tpu.dma_semaphore, #tpu.memory_space<semaphore_mem>>) {add = true}
          %dma_wait3A_102 = arith.constant 0 : i32
          %dma_wait3A_103 = arith.constant 0 : i32
          %dma_wait3A_104 = tpu.memref_slice %arg9[%run_scoped3A, %dma_wait3A_102, %dma_wait3A_103] : memref<2x128x128xf32, #tpu.memory_space<vmem>> -> memref<1x128x128xf32, #tpu.memory_space<vmem>>
          %dma_wait3A_105 = tpu.memref_squeeze %dma_wait3A_104 : memref<1x128x128xf32, #tpu.memory_space<vmem>> -> memref<128x128xf32, #tpu.memory_space<vmem>>
          %dma_wait3A_106 = arith.constant 0 : i32
          %dma_wait3A_107 = tpu.memref_slice %arg8[%add3A_53, %dma_wait3A_106] : memref<40x128xi32, #tpu.memory_space<vmem>> -> memref<1x128xi32, #tpu.memory_space<vmem>>
          %dma_wait3A_108 = tpu.memref_squeeze %dma_wait3A_107 : memref<1x128xi32, #tpu.memory_space<vmem>> -> memref<128xi32, #tpu.memory_space<vmem>>
          %dma_wait3A_109 = arith.constant 0 : i32
          %dma_wait3A_110 = arith.constant 0 : i32
          %dma_wait3A_111 = tpu.memref_slice %arg10[%dma_wait3A_109, %dma_wait3A_110] : memref<10240x128xf32, #tpu.memory_space<vmem_shared>> -> memref<10240x128xf32, #tpu.memory_space<vmem_shared>>
          tpu.wait_indirect_dma semaphore(%run_scoped3A_91 : memref<!tpu.dma_semaphore, #tpu.memory_space<semaphore_mem>>) src(%dma_wait3A_105 : memref<128x128xf32, #tpu.memory_space<vmem>>) dst(%dma_wait3A_111 : memref<10240x128xf32, #tpu.memory_space<vmem_shared>>)
          tpu.yield
        }) : () -> ()
        %add3A_64 = arith.constant 2 : i32
        %add3A_65 = arith.addi %add3A_53, %add3A_64 : i32
        %lt3A = arith.constant 40 : i32
        %lt3A_66 = arith.cmpi slt, %add3A_65, %lt3A : i32
        %convert_element_type3A = arith.extui %lt3A_66 : i1 to i32
        %cond3A = arith.constant 0 : i32
        %cond3A_67 = arith.cmpi ne, %convert_element_type3A, %cond3A : i32
        scf.if %cond3A_67 {
          %add3A_91 = arith.constant 2 : i32
          %add3A_92 = arith.addi %add3A_53, %add3A_91 : i32
          %dma_start3A_93 = arith.constant 0 : i32
          %dma_start3A_94 = arith.constant 0 : i32
          %dma_start3A_95 = arith.constant 0 : i32
          %dma_start3A_96 = tpu.memref_slice %arg9[%dma_start3A_93, %dma_start3A_94, %dma_start3A_95] : memref<2x128x128xf32, #tpu.memory_space<vmem>> -> memref<1x128x128xf32, #tpu.memory_space<vmem>>
          %dma_start3A_97 = tpu.memref_squeeze %dma_start3A_96 : memref<1x128x128xf32, #tpu.memory_space<vmem>> -> memref<128x128xf32, #tpu.memory_space<vmem>>
          %dma_start3A_98 = arith.constant 0 : i32
          %dma_start3A_99 = tpu.memref_slice %arg7[%add3A_92, %dma_start3A_98] : memref<40x128xi32, #tpu.memory_space<vmem>> -> memref<1x128xi32, #tpu.memory_space<vmem>>
          %dma_start3A_100 = tpu.memref_squeeze %dma_start3A_99 : memref<1x128xi32, #tpu.memory_space<vmem>> -> memref<128xi32, #tpu.memory_space<vmem>>
          %dma_start3A_101 = arith.constant 0 : i32
          %dma_start3A_102 = arith.constant 0 : i32
          %dma_start3A_103 = tpu.memref_slice %arg4[%dma_start3A_101, %dma_start3A_102] : memref<10240x128xf32, #tpu.memory_space<hbm>> -> memref<10240x128xf32, #tpu.memory_space<hbm>>
          tpu.enqueue_indirect_dma source(%dma_start3A_103 : memref<10240x128xf32, #tpu.memory_space<hbm>>) target(%dma_start3A_97 : memref<128x128xf32, #tpu.memory_space<vmem>>) offsets(%dma_start3A_100 : memref<128xi32, #tpu.memory_space<vmem>>) semaphore(%arg11 : memref<!tpu.dma_semaphore, #tpu.memory_space<semaphore_mem>>)
        } else {
        }
        %add3A_68 = arith.constant 1 : i32
        %add3A_69 = arith.addi %add3A_53, %add3A_68 : i32
        %dma_wait3A_70 = arith.constant 1 : i32
        %dma_wait3A_71 = arith.constant 0 : i32
        %dma_wait3A_72 = arith.constant 0 : i32
        %dma_wait3A_73 = tpu.memref_slice %arg9[%dma_wait3A_70, %dma_wait3A_71, %dma_wait3A_72] : memref<2x128x128xf32, #tpu.memory_space<vmem>> -> memref<1x128x128xf32, #tpu.memory_space<vmem>>
        %dma_wait3A_74 = tpu.memref_squeeze %dma_wait3A_73 : memref<1x128x128xf32, #tpu.memory_space<vmem>> -> memref<128x128xf32, #tpu.memory_space<vmem>>
        %dma_wait3A_75 = arith.constant 0 : i32
        %dma_wait3A_76 = tpu.memref_slice %arg7[%add3A_69, %dma_wait3A_75] : memref<40x128xi32, #tpu.memory_space<vmem>> -> memref<1x128xi32, #tpu.memory_space<vmem>>
        %dma_wait3A_77 = tpu.memref_squeeze %dma_wait3A_76 : memref<1x128xi32, #tpu.memory_space<vmem>> -> memref<128xi32, #tpu.memory_space<vmem>>
        %dma_wait3A_78 = arith.constant 0 : i32
        %dma_wait3A_79 = arith.constant 0 : i32
        %dma_wait3A_80 = tpu.memref_slice %arg4[%dma_wait3A_78, %dma_wait3A_79] : memref<10240x128xf32, #tpu.memory_space<hbm>> -> memref<10240x128xf32, #tpu.memory_space<hbm>>
        tpu.wait_indirect_dma semaphore(%arg12 : memref<!tpu.dma_semaphore, #tpu.memory_space<semaphore_mem>>) src(%dma_wait3A_80 : memref<10240x128xf32, #tpu.memory_space<hbm>>) dst(%dma_wait3A_74 : memref<128x128xf32, #tpu.memory_space<vmem>>)
        %add3A_81 = arith.constant 1 : i32
        %add3A_82 = arith.addi %add3A_53, %add3A_81 : i32
        %run_scoped3A_83 = arith.constant 1 : i32
        "tpu.region"() ({
          %run_scoped3A_91 = tpu.sem_alloc : memref<!tpu.dma_semaphore, #tpu.memory_space<semaphore_mem>>
          %dma_start3A_92 = arith.constant 0 : i32
          %dma_start3A_93 = arith.constant 0 : i32
          %dma_start3A_94 = tpu.memref_slice %arg9[%run_scoped3A_83, %dma_start3A_92, %dma_start3A_93] : memref<2x128x128xf32, #tpu.memory_space<vmem>> -> memref<1x128x128xf32, #tpu.memory_space<vmem>>
          %dma_start3A_95 = tpu.memref_squeeze %dma_start3A_94 : memref<1x128x128xf32, #tpu.memory_space<vmem>> -> memref<128x128xf32, #tpu.memory_space<vmem>>
          %dma_start3A_96 = arith.constant 0 : i32
          %dma_start3A_97 = tpu.memref_slice %arg8[%add3A_82, %dma_start3A_96] : memref<40x128xi32, #tpu.memory_space<vmem>> -> memref<1x128xi32, #tpu.memory_space<vmem>>
          %dma_start3A_98 = tpu.memref_squeeze %dma_start3A_97 : memref<1x128xi32, #tpu.memory_space<vmem>> -> memref<128xi32, #tpu.memory_space<vmem>>
          %dma_start3A_99 = arith.constant 0 : i32
          %dma_start3A_100 = arith.constant 0 : i32
          %dma_start3A_101 = tpu.memref_slice %arg10[%dma_start3A_99, %dma_start3A_100] : memref<10240x128xf32, #tpu.memory_space<vmem_shared>> -> memref<10240x128xf32, #tpu.memory_space<vmem_shared>>
          tpu.enqueue_indirect_dma source(%dma_start3A_95 : memref<128x128xf32, #tpu.memory_space<vmem>>) target(%dma_start3A_101 : memref<10240x128xf32, #tpu.memory_space<vmem_shared>>) offsets(%dma_start3A_98 : memref<128xi32, #tpu.memory_space<vmem>>) semaphore(%run_scoped3A_91 : memref<!tpu.dma_semaphore, #tpu.memory_space<semaphore_mem>>) {add = true}
          %dma_wait3A_102 = arith.constant 0 : i32
          %dma_wait3A_103 = arith.constant 0 : i32
          %dma_wait3A_104 = tpu.memref_slice %arg9[%run_scoped3A_83, %dma_wait3A_102, %dma_wait3A_103] : memref<2x128x128xf32, #tpu.memory_space<vmem>> -> memref<1x128x128xf32, #tpu.memory_space<vmem>>
          %dma_wait3A_105 = tpu.memref_squeeze %dma_wait3A_104 : memref<1x128x128xf32, #tpu.memory_space<vmem>> -> memref<128x128xf32, #tpu.memory_space<vmem>>
          %dma_wait3A_106 = arith.constant 0 : i32
          %dma_wait3A_107 = tpu.memref_slice %arg8[%add3A_82, %dma_wait3A_106] : memref<40x128xi32, #tpu.memory_space<vmem>> -> memref<1x128xi32, #tpu.memory_space<vmem>>
          %dma_wait3A_108 = tpu.memref_squeeze %dma_wait3A_107 : memref<1x128xi32, #tpu.memory_space<vmem>> -> memref<128xi32, #tpu.memory_space<vmem>>
          %dma_wait3A_109 = arith.constant 0 : i32
          %dma_wait3A_110 = arith.constant 0 : i32
          %dma_wait3A_111 = tpu.memref_slice %arg10[%dma_wait3A_109, %dma_wait3A_110] : memref<10240x128xf32, #tpu.memory_space<vmem_shared>> -> memref<10240x128xf32, #tpu.memory_space<vmem_shared>>
          tpu.wait_indirect_dma semaphore(%run_scoped3A_91 : memref<!tpu.dma_semaphore, #tpu.memory_space<semaphore_mem>>) src(%dma_wait3A_105 : memref<128x128xf32, #tpu.memory_space<vmem>>) dst(%dma_wait3A_111 : memref<10240x128xf32, #tpu.memory_space<vmem_shared>>)
          tpu.yield
        }) : () -> ()
        %add3A_84 = arith.constant 3 : i32
        %add3A_85 = arith.addi %add3A_53, %add3A_84 : i32
        %lt3A_86 = arith.constant 40 : i32
        %lt3A_87 = arith.cmpi slt, %add3A_85, %lt3A_86 : i32
        %convert_element_type3A_88 = arith.extui %lt3A_87 : i1 to i32
        %cond3A_89 = arith.constant 0 : i32
        %cond3A_90 = arith.cmpi ne, %convert_element_type3A_88, %cond3A_89 : i32
        scf.if %cond3A_90 {
          %add3A_91 = arith.constant 3 : i32
          %add3A_92 = arith.addi %add3A_53, %add3A_91 : i32
          %dma_start3A_93 = arith.constant 1 : i32
          %dma_start3A_94 = arith.constant 0 : i32
          %dma_start3A_95 = arith.constant 0 : i32
          %dma_start3A_96 = tpu.memref_slice %arg9[%dma_start3A_93, %dma_start3A_94, %dma_start3A_95] : memref<2x128x128xf32, #tpu.memory_space<vmem>> -> memref<1x128x128xf32, #tpu.memory_space<vmem>>
          %dma_start3A_97 = tpu.memref_squeeze %dma_start3A_96 : memref<1x128x128xf32, #tpu.memory_space<vmem>> -> memref<128x128xf32, #tpu.memory_space<vmem>>
          %dma_start3A_98 = arith.constant 0 : i32
          %dma_start3A_99 = tpu.memref_slice %arg7[%add3A_92, %dma_start3A_98] : memref<40x128xi32, #tpu.memory_space<vmem>> -> memref<1x128xi32, #tpu.memory_space<vmem>>
          %dma_start3A_100 = tpu.memref_squeeze %dma_start3A_99 : memref<1x128xi32, #tpu.memory_space<vmem>> -> memref<128xi32, #tpu.memory_space<vmem>>
          %dma_start3A_101 = arith.constant 0 : i32
          %dma_start3A_102 = arith.constant 0 : i32
          %dma_start3A_103 = tpu.memref_slice %arg4[%dma_start3A_101, %dma_start3A_102] : memref<10240x128xf32, #tpu.memory_space<hbm>> -> memref<10240x128xf32, #tpu.memory_space<hbm>>
          tpu.enqueue_indirect_dma source(%dma_start3A_103 : memref<10240x128xf32, #tpu.memory_space<hbm>>) target(%dma_start3A_97 : memref<128x128xf32, #tpu.memory_space<vmem>>) offsets(%dma_start3A_100 : memref<128xi32, #tpu.memory_space<vmem>>) semaphore(%arg12 : memref<!tpu.dma_semaphore, #tpu.memory_space<semaphore_mem>>)
        } else {
        }
      }
      %scan3A_48 = arith.constant 20 : i32
    }
    %scan3A_6 = arith.constant 2 : i32
    %barrier3A_7 = arith.constant 0 : index
    tpu.barrier barrier_id(%barrier3A_7)
    %mul3A_8 = arith.constant 640 : i32
    %mul3A_9 = arith.muli %arg1, %mul3A_8 : i32
    %mul3A_10 = arith.constant 640 : i32
    %mul3A_11 = arith.muli %arg1, %mul3A_10 : i32
    "tpu.region"() ({
      %run_scoped3A = tpu.sem_alloc : memref<!tpu.dma_semaphore, #tpu.memory_space<semaphore_mem>>
      %dma_start3A = arith.constant 0 : i32
      %dma_start3A_12 = tpu.memref_slice %arg6[%arg0, %mul3A_11, %dma_start3A] : memref<2x10240x128xf32, #tpu.memory_space<hbm>> -> memref<1x640x128xf32, #tpu.memory_space<hbm>>
      %dma_start3A_13 = tpu.memref_squeeze %dma_start3A_12 : memref<1x640x128xf32, #tpu.memory_space<hbm>> -> memref<640x128xf32, #tpu.memory_space<hbm>>
      %dma_start3A_14 = arith.constant 0 : i32
      %dma_start3A_15 = tpu.memref_slice %arg10[%mul3A_9, %dma_start3A_14] : memref<10240x128xf32, #tpu.memory_space<vmem_shared>> -> memref<640x128xf32, #tpu.memory_space<vmem_shared>>
      tpu.enqueue_dma source(%dma_start3A_15 : memref<640x128xf32, #tpu.memory_space<vmem_shared>>) target(%dma_start3A_13 : memref<640x128xf32, #tpu.memory_space<hbm>>) target_semaphore(%run_scoped3A : memref<!tpu.dma_semaphore, #tpu.memory_space<semaphore_mem>>)
      %dma_wait3A = arith.constant 0 : i32
      %dma_wait3A_16 = tpu.memref_slice %arg6[%arg0, %mul3A_11, %dma_wait3A] : memref<2x10240x128xf32, #tpu.memory_space<hbm>> -> memref<1x640x128xf32, #tpu.memory_space<hbm>>
      %dma_wait3A_17 = tpu.memref_squeeze %dma_wait3A_16 : memref<1x640x128xf32, #tpu.memory_space<hbm>> -> memref<640x128xf32, #tpu.memory_space<hbm>>
      %dma_wait3A_18 = arith.constant 0 : i32
      %dma_wait3A_19 = tpu.memref_slice %arg10[%mul3A_9, %dma_wait3A_18] : memref<10240x128xf32, #tpu.memory_space<vmem_shared>> -> memref<640x128xf32, #tpu.memory_space<vmem_shared>>
      tpu.wait_dma2 semaphore(%run_scoped3A : memref<!tpu.dma_semaphore, #tpu.memory_space<semaphore_mem>>) src(%dma_wait3A_19 : memref<640x128xf32, #tpu.memory_space<vmem_shared>>) dst(%dma_wait3A_17 : memref<640x128xf32, #tpu.memory_space<hbm>>)
      tpu.yield
    }) : () -> ()
    return
  }
}

#map = affine_map<(d0, d1) -> (0, 0, 0)>
#map1 = affine_map<(d0, d1) -> (0, 0)>
module attributes {stable_mosaic.version = 14 : i64} {
  func.func @_edge_body(%arg0: i32, %arg1: i32, %arg2: memref<32x80x128xi32, #tpu.memory_space<hbm>>, %arg3: memref<32x80x128xi32, #tpu.memory_space<hbm>>, %arg4: memref<10240x128xf32, #tpu.memory_space<hbm>>, %arg5: memref<640x128xf32, #tpu.memory_space<hbm>>, %arg6: memref<2x10240x128xf32, #tpu.memory_space<hbm>>, %arg7: memref<40x128xi32, #tpu.memory_space<vmem>>, %arg8: memref<40x128xi32, #tpu.memory_space<vmem>>, %arg9: memref<2x128x128xf32, #tpu.memory_space<vmem>>, %arg10: memref<10240x128xf32, #tpu.memory_space<vmem_shared>>, %arg11: memref<!tpu.dma_semaphore, #tpu.memory_space<semaphore_mem>>, %arg12: memref<!tpu.dma_semaphore, #tpu.memory_space<semaphore_mem>>) attributes {dimension_semantics = [#tpu.dimension_semantics<core_parallel>, #tpu.dimension_semantics<subcore_parallel>], iteration_bounds = array<i64: 2, 16>, scalar_prefetch = 0 : i64, scratch_operands = 6 : i64, tpu.core_type = #tpu.core_type<sc_vector_subcore>, window_params = [{transform_indices = #map}, {transform_indices = #map}, {transform_indices = #map1}, {transform_indices = #map1}, {transform_indices = #map}]} {
    %mul3A = arith.constant 16 : i32
    %mul3A_0 = arith.muli %arg0, %mul3A : i32
    %add3A = arith.addi %mul3A_0, %arg1 : i32
    %mul3A_1 = arith.constant 640 : i32
    %mul3A_2 = arith.muli %arg1, %mul3A_1 : i32
    "tpu.region"() ({
      %run_scoped3A = tpu.sem_alloc : memref<!tpu.dma_semaphore, #tpu.memory_space<semaphore_mem>>
      %dma_start3A = arith.constant 0 : i32
      %dma_start3A_12 = tpu.memref_slice %arg10[%mul3A_2, %dma_start3A] : memref<10240x128xf32, #tpu.memory_space<vmem_shared>> -> memref<640x128xf32, #tpu.memory_space<vmem_shared>>
      tpu.enqueue_dma source(%arg5 : memref<640x128xf32, #tpu.memory_space<hbm>>) target(%dma_start3A_12 : memref<640x128xf32, #tpu.memory_space<vmem_shared>>) target_semaphore(%run_scoped3A : memref<!tpu.dma_semaphore, #tpu.memory_space<semaphore_mem>>)
      %dma_wait3A = arith.constant 0 : i32
      %dma_wait3A_13 = tpu.memref_slice %arg10[%mul3A_2, %dma_wait3A] : memref<10240x128xf32, #tpu.memory_space<vmem_shared>> -> memref<640x128xf32, #tpu.memory_space<vmem_shared>>
      tpu.wait_dma2 semaphore(%run_scoped3A : memref<!tpu.dma_semaphore, #tpu.memory_space<semaphore_mem>>) src(%arg5 : memref<640x128xf32, #tpu.memory_space<hbm>>) dst(%dma_wait3A_13 : memref<640x128xf32, #tpu.memory_space<vmem_shared>>)
      tpu.yield
    }) : () -> ()
    %barrier3A = arith.constant 0 : index
    tpu.barrier barrier_id(%barrier3A)
    %scan3A = arith.constant 0 : i32
    %scan3A_3 = arith.constant 2 : i32
    %scan3A_4 = arith.addi %scan3A, %scan3A_3 : i32
    %scan3A_5 = arith.constant 1 : i32
    scf.for %scan3A_12 = %scan3A to %scan3A_4 step %scan3A_5  : i32 {
      %mul3A_13 = arith.constant 1 : i32
      %mul3A_14 = arith.muli %scan3A_12, %mul3A_13 : i32
      %add3A_15 = arith.constant 0 : i32
      %add3A_16 = arith.addi %add3A_15, %mul3A_14 : i32
      %mul3A_17 = arith.constant 40 : i32
      %mul3A_18 = arith.muli %add3A_16, %mul3A_17 : i32
      "tpu.region"() ({
        %run_scoped3A = tpu.sem_alloc : memref<!tpu.dma_semaphore, #tpu.memory_space<semaphore_mem>>
        %dma_start3A_49 = arith.constant 0 : i32
        %dma_start3A_50 = tpu.memref_slice %arg2[%add3A, %mul3A_18, %dma_start3A_49] : memref<32x80x128xi32, #tpu.memory_space<hbm>> -> memref<1x40x128xi32, #tpu.memory_space<hbm>>
        %dma_start3A_51 = tpu.memref_squeeze %dma_start3A_50 : memref<1x40x128xi32, #tpu.memory_space<hbm>> -> memref<40x128xi32, #tpu.memory_space<hbm>>
        %dma_start3A_52 = arith.constant 0 : i32
        %dma_start3A_53 = tpu.memref_slice %arg2[%add3A, %mul3A_18, %dma_start3A_52] : memref<32x80x128xi32, #tpu.memory_space<hbm>> -> memref<1x40x128xi32, #tpu.memory_space<hbm>>
        %dma_start3A_54 = tpu.memref_squeeze %dma_start3A_53 : memref<1x40x128xi32, #tpu.memory_space<hbm>> -> memref<40x128xi32, #tpu.memory_space<hbm>>
        tpu.enqueue_dma source(%dma_start3A_54 : memref<40x128xi32, #tpu.memory_space<hbm>>) target(%arg7 : memref<40x128xi32, #tpu.memory_space<vmem>>) target_semaphore(%run_scoped3A : memref<!tpu.dma_semaphore, #tpu.memory_space<semaphore_mem>>)
        %dma_wait3A = arith.constant 0 : i32
        %dma_wait3A_55 = tpu.memref_slice %arg2[%add3A, %mul3A_18, %dma_wait3A] : memref<32x80x128xi32, #tpu.memory_space<hbm>> -> memref<1x40x128xi32, #tpu.memory_space<hbm>>
        %dma_wait3A_56 = tpu.memref_squeeze %dma_wait3A_55 : memref<1x40x128xi32, #tpu.memory_space<hbm>> -> memref<40x128xi32, #tpu.memory_space<hbm>>
        %dma_wait3A_57 = arith.constant 0 : i32
        %dma_wait3A_58 = tpu.memref_slice %arg2[%add3A, %mul3A_18, %dma_wait3A_57] : memref<32x80x128xi32, #tpu.memory_space<hbm>> -> memref<1x40x128xi32, #tpu.memory_space<hbm>>
        %dma_wait3A_59 = tpu.memref_squeeze %dma_wait3A_58 : memref<1x40x128xi32, #tpu.memory_space<hbm>> -> memref<40x128xi32, #tpu.memory_space<hbm>>
        tpu.wait_dma2 semaphore(%run_scoped3A : memref<!tpu.dma_semaphore, #tpu.memory_space<semaphore_mem>>) src(%dma_wait3A_59 : memref<40x128xi32, #tpu.memory_space<hbm>>) dst(%arg7 : memref<40x128xi32, #tpu.memory_space<vmem>>)
        tpu.yield
      }) : () -> ()
      %mul3A_19 = arith.constant 40 : i32
      %mul3A_20 = arith.muli %add3A_16, %mul3A_19 : i32
      "tpu.region"() ({
        %run_scoped3A = tpu.sem_alloc : memref<!tpu.dma_semaphore, #tpu.memory_space<semaphore_mem>>
        %dma_start3A_49 = arith.constant 0 : i32
        %dma_start3A_50 = tpu.memref_slice %arg3[%add3A, %mul3A_20, %dma_start3A_49] : memref<32x80x128xi32, #tpu.memory_space<hbm>> -> memref<1x40x128xi32, #tpu.memory_space<hbm>>
        %dma_start3A_51 = tpu.memref_squeeze %dma_start3A_50 : memref<1x40x128xi32, #tpu.memory_space<hbm>> -> memref<40x128xi32, #tpu.memory_space<hbm>>
        %dma_start3A_52 = arith.constant 0 : i32
        %dma_start3A_53 = tpu.memref_slice %arg3[%add3A, %mul3A_20, %dma_start3A_52] : memref<32x80x128xi32, #tpu.memory_space<hbm>> -> memref<1x40x128xi32, #tpu.memory_space<hbm>>
        %dma_start3A_54 = tpu.memref_squeeze %dma_start3A_53 : memref<1x40x128xi32, #tpu.memory_space<hbm>> -> memref<40x128xi32, #tpu.memory_space<hbm>>
        tpu.enqueue_dma source(%dma_start3A_54 : memref<40x128xi32, #tpu.memory_space<hbm>>) target(%arg8 : memref<40x128xi32, #tpu.memory_space<vmem>>) target_semaphore(%run_scoped3A : memref<!tpu.dma_semaphore, #tpu.memory_space<semaphore_mem>>)
        %dma_wait3A = arith.constant 0 : i32
        %dma_wait3A_55 = tpu.memref_slice %arg3[%add3A, %mul3A_20, %dma_wait3A] : memref<32x80x128xi32, #tpu.memory_space<hbm>> -> memref<1x40x128xi32, #tpu.memory_space<hbm>>
        %dma_wait3A_56 = tpu.memref_squeeze %dma_wait3A_55 : memref<1x40x128xi32, #tpu.memory_space<hbm>> -> memref<40x128xi32, #tpu.memory_space<hbm>>
        %dma_wait3A_57 = arith.constant 0 : i32
        %dma_wait3A_58 = tpu.memref_slice %arg3[%add3A, %mul3A_20, %dma_wait3A_57] : memref<32x80x128xi32, #tpu.memory_space<hbm>> -> memref<1x40x128xi32, #tpu.memory_space<hbm>>
        %dma_wait3A_59 = tpu.memref_squeeze %dma_wait3A_58 : memref<1x40x128xi32, #tpu.memory_space<hbm>> -> memref<40x128xi32, #tpu.memory_space<hbm>>
        tpu.wait_dma2 semaphore(%run_scoped3A : memref<!tpu.dma_semaphore, #tpu.memory_space<semaphore_mem>>) src(%dma_wait3A_59 : memref<40x128xi32, #tpu.memory_space<hbm>>) dst(%arg8 : memref<40x128xi32, #tpu.memory_space<vmem>>)
        tpu.yield
      }) : () -> ()
      %dma_start3A = arith.constant 0 : i32
      %dma_start3A_21 = arith.constant 0 : i32
      %dma_start3A_22 = arith.constant 0 : i32
      %dma_start3A_23 = arith.constant 0 : i32
      %dma_start3A_24 = tpu.memref_slice %arg9[%dma_start3A_21, %dma_start3A_22, %dma_start3A_23] : memref<2x128x128xf32, #tpu.memory_space<vmem>> -> memref<1x128x128xf32, #tpu.memory_space<vmem>>
      %dma_start3A_25 = tpu.memref_squeeze %dma_start3A_24 : memref<1x128x128xf32, #tpu.memory_space<vmem>> -> memref<128x128xf32, #tpu.memory_space<vmem>>
      %dma_start3A_26 = arith.constant 0 : i32
      %dma_start3A_27 = tpu.memref_slice %arg7[%dma_start3A, %dma_start3A_26] : memref<40x128xi32, #tpu.memory_space<vmem>> -> memref<1x128xi32, #tpu.memory_space<vmem>>
      %dma_start3A_28 = tpu.memref_squeeze %dma_start3A_27 : memref<1x128xi32, #tpu.memory_space<vmem>> -> memref<128xi32, #tpu.memory_space<vmem>>
      %dma_start3A_29 = arith.constant 0 : i32
      %dma_start3A_30 = arith.constant 0 : i32
      %dma_start3A_31 = tpu.memref_slice %arg4[%dma_start3A_29, %dma_start3A_30] : memref<10240x128xf32, #tpu.memory_space<hbm>> -> memref<10240x128xf32, #tpu.memory_space<hbm>>
      tpu.enqueue_indirect_dma source(%dma_start3A_31 : memref<10240x128xf32, #tpu.memory_space<hbm>>) target(%dma_start3A_25 : memref<128x128xf32, #tpu.memory_space<vmem>>) offsets(%dma_start3A_28 : memref<128xi32, #tpu.memory_space<vmem>>) semaphore(%arg11 : memref<!tpu.dma_semaphore, #tpu.memory_space<semaphore_mem>>)
      %dma_start3A_32 = arith.constant 1 : i32
      %dma_start3A_33 = arith.constant 1 : i32
      %dma_start3A_34 = arith.constant 0 : i32
      %dma_start3A_35 = arith.constant 0 : i32
      %dma_start3A_36 = tpu.memref_slice %arg9[%dma_start3A_33, %dma_start3A_34, %dma_start3A_35] : memref<2x128x128xf32, #tpu.memory_space<vmem>> -> memref<1x128x128xf32, #tpu.memory_space<vmem>>
      %dma_start3A_37 = tpu.memref_squeeze %dma_start3A_36 : memref<1x128x128xf32, #tpu.memory_space<vmem>> -> memref<128x128xf32, #tpu.memory_space<vmem>>
      %dma_start3A_38 = arith.constant 0 : i32
      %dma_start3A_39 = tpu.memref_slice %arg7[%dma_start3A_32, %dma_start3A_38] : memref<40x128xi32, #tpu.memory_space<vmem>> -> memref<1x128xi32, #tpu.memory_space<vmem>>
      %dma_start3A_40 = tpu.memref_squeeze %dma_start3A_39 : memref<1x128xi32, #tpu.memory_space<vmem>> -> memref<128xi32, #tpu.memory_space<vmem>>
      %dma_start3A_41 = arith.constant 0 : i32
      %dma_start3A_42 = arith.constant 0 : i32
      %dma_start3A_43 = tpu.memref_slice %arg4[%dma_start3A_41, %dma_start3A_42] : memref<10240x128xf32, #tpu.memory_space<hbm>> -> memref<10240x128xf32, #tpu.memory_space<hbm>>
      tpu.enqueue_indirect_dma source(%dma_start3A_43 : memref<10240x128xf32, #tpu.memory_space<hbm>>) target(%dma_start3A_37 : memref<128x128xf32, #tpu.memory_space<vmem>>) offsets(%dma_start3A_40 : memref<128xi32, #tpu.memory_space<vmem>>) semaphore(%arg12 : memref<!tpu.dma_semaphore, #tpu.memory_space<semaphore_mem>>)
      %scan3A_44 = arith.constant 0 : i32
      %scan3A_45 = arith.constant 20 : i32
      %scan3A_46 = arith.addi %scan3A_44, %scan3A_45 : i32
      %scan3A_47 = arith.constant 1 : i32
      scf.for %scan3A_49 = %scan3A_44 to %scan3A_46 step %scan3A_47  : i32 {
        %mul3A_50 = arith.constant 2 : i32
        %mul3A_51 = arith.muli %scan3A_49, %mul3A_50 : i32
        %add3A_52 = arith.constant 0 : i32
        %add3A_53 = arith.addi %add3A_52, %mul3A_51 : i32
        %dma_wait3A = arith.constant 0 : i32
        %dma_wait3A_54 = arith.constant 0 : i32
        %dma_wait3A_55 = arith.constant 0 : i32
        %dma_wait3A_56 = tpu.memref_slice %arg9[%dma_wait3A, %dma_wait3A_54, %dma_wait3A_55] : memref<2x128x128xf32, #tpu.memory_space<vmem>> -> memref<1x128x128xf32, #tpu.memory_space<vmem>>
        %dma_wait3A_57 = tpu.memref_squeeze %dma_wait3A_56 : memref<1x128x128xf32, #tpu.memory_space<vmem>> -> memref<128x128xf32, #tpu.memory_space<vmem>>
        %dma_wait3A_58 = arith.constant 0 : i32
        %dma_wait3A_59 = tpu.memref_slice %arg7[%add3A_53, %dma_wait3A_58] : memref<40x128xi32, #tpu.memory_space<vmem>> -> memref<1x128xi32, #tpu.memory_space<vmem>>
        %dma_wait3A_60 = tpu.memref_squeeze %dma_wait3A_59 : memref<1x128xi32, #tpu.memory_space<vmem>> -> memref<128xi32, #tpu.memory_space<vmem>>
        %dma_wait3A_61 = arith.constant 0 : i32
        %dma_wait3A_62 = arith.constant 0 : i32
        %dma_wait3A_63 = tpu.memref_slice %arg4[%dma_wait3A_61, %dma_wait3A_62] : memref<10240x128xf32, #tpu.memory_space<hbm>> -> memref<10240x128xf32, #tpu.memory_space<hbm>>
        tpu.wait_indirect_dma semaphore(%arg11 : memref<!tpu.dma_semaphore, #tpu.memory_space<semaphore_mem>>) src(%dma_wait3A_63 : memref<10240x128xf32, #tpu.memory_space<hbm>>) dst(%dma_wait3A_57 : memref<128x128xf32, #tpu.memory_space<vmem>>)
        %run_scoped3A = arith.constant 0 : i32
        "tpu.region"() ({
          %run_scoped3A_91 = tpu.sem_alloc : memref<!tpu.dma_semaphore, #tpu.memory_space<semaphore_mem>>
          %dma_start3A_92 = arith.constant 0 : i32
          %dma_start3A_93 = arith.constant 0 : i32
          %dma_start3A_94 = tpu.memref_slice %arg9[%run_scoped3A, %dma_start3A_92, %dma_start3A_93] : memref<2x128x128xf32, #tpu.memory_space<vmem>> -> memref<1x128x128xf32, #tpu.memory_space<vmem>>
          %dma_start3A_95 = tpu.memref_squeeze %dma_start3A_94 : memref<1x128x128xf32, #tpu.memory_space<vmem>> -> memref<128x128xf32, #tpu.memory_space<vmem>>
          %dma_start3A_96 = arith.constant 0 : i32
          %dma_start3A_97 = tpu.memref_slice %arg8[%add3A_53, %dma_start3A_96] : memref<40x128xi32, #tpu.memory_space<vmem>> -> memref<1x128xi32, #tpu.memory_space<vmem>>
          %dma_start3A_98 = tpu.memref_squeeze %dma_start3A_97 : memref<1x128xi32, #tpu.memory_space<vmem>> -> memref<128xi32, #tpu.memory_space<vmem>>
          %dma_start3A_99 = arith.constant 0 : i32
          %dma_start3A_100 = arith.constant 0 : i32
          %dma_start3A_101 = tpu.memref_slice %arg10[%dma_start3A_99, %dma_start3A_100] : memref<10240x128xf32, #tpu.memory_space<vmem_shared>> -> memref<10240x128xf32, #tpu.memory_space<vmem_shared>>
          tpu.enqueue_indirect_dma source(%dma_start3A_95 : memref<128x128xf32, #tpu.memory_space<vmem>>) target(%dma_start3A_101 : memref<10240x128xf32, #tpu.memory_space<vmem_shared>>) offsets(%dma_start3A_98 : memref<128xi32, #tpu.memory_space<vmem>>) semaphore(%run_scoped3A_91 : memref<!tpu.dma_semaphore, #tpu.memory_space<semaphore_mem>>) {add = true}
          %dma_wait3A_102 = arith.constant 0 : i32
          %dma_wait3A_103 = arith.constant 0 : i32
          %dma_wait3A_104 = tpu.memref_slice %arg9[%run_scoped3A, %dma_wait3A_102, %dma_wait3A_103] : memref<2x128x128xf32, #tpu.memory_space<vmem>> -> memref<1x128x128xf32, #tpu.memory_space<vmem>>
          %dma_wait3A_105 = tpu.memref_squeeze %dma_wait3A_104 : memref<1x128x128xf32, #tpu.memory_space<vmem>> -> memref<128x128xf32, #tpu.memory_space<vmem>>
          %dma_wait3A_106 = arith.constant 0 : i32
          %dma_wait3A_107 = tpu.memref_slice %arg8[%add3A_53, %dma_wait3A_106] : memref<40x128xi32, #tpu.memory_space<vmem>> -> memref<1x128xi32, #tpu.memory_space<vmem>>
          %dma_wait3A_108 = tpu.memref_squeeze %dma_wait3A_107 : memref<1x128xi32, #tpu.memory_space<vmem>> -> memref<128xi32, #tpu.memory_space<vmem>>
          %dma_wait3A_109 = arith.constant 0 : i32
          %dma_wait3A_110 = arith.constant 0 : i32
          %dma_wait3A_111 = tpu.memref_slice %arg10[%dma_wait3A_109, %dma_wait3A_110] : memref<10240x128xf32, #tpu.memory_space<vmem_shared>> -> memref<10240x128xf32, #tpu.memory_space<vmem_shared>>
          tpu.wait_indirect_dma semaphore(%run_scoped3A_91 : memref<!tpu.dma_semaphore, #tpu.memory_space<semaphore_mem>>) src(%dma_wait3A_105 : memref<128x128xf32, #tpu.memory_space<vmem>>) dst(%dma_wait3A_111 : memref<10240x128xf32, #tpu.memory_space<vmem_shared>>)
          tpu.yield
        }) : () -> ()
        %add3A_64 = arith.constant 2 : i32
        %add3A_65 = arith.addi %add3A_53, %add3A_64 : i32
        %lt3A = arith.constant 40 : i32
        %lt3A_66 = arith.cmpi slt, %add3A_65, %lt3A : i32
        %convert_element_type3A = arith.extui %lt3A_66 : i1 to i32
        %cond3A = arith.constant 0 : i32
        %cond3A_67 = arith.cmpi ne, %convert_element_type3A, %cond3A : i32
        scf.if %cond3A_67 {
          %add3A_91 = arith.constant 2 : i32
          %add3A_92 = arith.addi %add3A_53, %add3A_91 : i32
          %dma_start3A_93 = arith.constant 0 : i32
          %dma_start3A_94 = arith.constant 0 : i32
          %dma_start3A_95 = arith.constant 0 : i32
          %dma_start3A_96 = tpu.memref_slice %arg9[%dma_start3A_93, %dma_start3A_94, %dma_start3A_95] : memref<2x128x128xf32, #tpu.memory_space<vmem>> -> memref<1x128x128xf32, #tpu.memory_space<vmem>>
          %dma_start3A_97 = tpu.memref_squeeze %dma_start3A_96 : memref<1x128x128xf32, #tpu.memory_space<vmem>> -> memref<128x128xf32, #tpu.memory_space<vmem>>
          %dma_start3A_98 = arith.constant 0 : i32
          %dma_start3A_99 = tpu.memref_slice %arg7[%add3A_92, %dma_start3A_98] : memref<40x128xi32, #tpu.memory_space<vmem>> -> memref<1x128xi32, #tpu.memory_space<vmem>>
          %dma_start3A_100 = tpu.memref_squeeze %dma_start3A_99 : memref<1x128xi32, #tpu.memory_space<vmem>> -> memref<128xi32, #tpu.memory_space<vmem>>
          %dma_start3A_101 = arith.constant 0 : i32
          %dma_start3A_102 = arith.constant 0 : i32
          %dma_start3A_103 = tpu.memref_slice %arg4[%dma_start3A_101, %dma_start3A_102] : memref<10240x128xf32, #tpu.memory_space<hbm>> -> memref<10240x128xf32, #tpu.memory_space<hbm>>
          tpu.enqueue_indirect_dma source(%dma_start3A_103 : memref<10240x128xf32, #tpu.memory_space<hbm>>) target(%dma_start3A_97 : memref<128x128xf32, #tpu.memory_space<vmem>>) offsets(%dma_start3A_100 : memref<128xi32, #tpu.memory_space<vmem>>) semaphore(%arg11 : memref<!tpu.dma_semaphore, #tpu.memory_space<semaphore_mem>>)
        } else {
        }
        %add3A_68 = arith.constant 1 : i32
        %add3A_69 = arith.addi %add3A_53, %add3A_68 : i32
        %dma_wait3A_70 = arith.constant 1 : i32
        %dma_wait3A_71 = arith.constant 0 : i32
        %dma_wait3A_72 = arith.constant 0 : i32
        %dma_wait3A_73 = tpu.memref_slice %arg9[%dma_wait3A_70, %dma_wait3A_71, %dma_wait3A_72] : memref<2x128x128xf32, #tpu.memory_space<vmem>> -> memref<1x128x128xf32, #tpu.memory_space<vmem>>
        %dma_wait3A_74 = tpu.memref_squeeze %dma_wait3A_73 : memref<1x128x128xf32, #tpu.memory_space<vmem>> -> memref<128x128xf32, #tpu.memory_space<vmem>>
        %dma_wait3A_75 = arith.constant 0 : i32
        %dma_wait3A_76 = tpu.memref_slice %arg7[%add3A_69, %dma_wait3A_75] : memref<40x128xi32, #tpu.memory_space<vmem>> -> memref<1x128xi32, #tpu.memory_space<vmem>>
        %dma_wait3A_77 = tpu.memref_squeeze %dma_wait3A_76 : memref<1x128xi32, #tpu.memory_space<vmem>> -> memref<128xi32, #tpu.memory_space<vmem>>
        %dma_wait3A_78 = arith.constant 0 : i32
        %dma_wait3A_79 = arith.constant 0 : i32
        %dma_wait3A_80 = tpu.memref_slice %arg4[%dma_wait3A_78, %dma_wait3A_79] : memref<10240x128xf32, #tpu.memory_space<hbm>> -> memref<10240x128xf32, #tpu.memory_space<hbm>>
        tpu.wait_indirect_dma semaphore(%arg12 : memref<!tpu.dma_semaphore, #tpu.memory_space<semaphore_mem>>) src(%dma_wait3A_80 : memref<10240x128xf32, #tpu.memory_space<hbm>>) dst(%dma_wait3A_74 : memref<128x128xf32, #tpu.memory_space<vmem>>)
        %add3A_81 = arith.constant 1 : i32
        %add3A_82 = arith.addi %add3A_53, %add3A_81 : i32
        %run_scoped3A_83 = arith.constant 1 : i32
        "tpu.region"() ({
          %run_scoped3A_91 = tpu.sem_alloc : memref<!tpu.dma_semaphore, #tpu.memory_space<semaphore_mem>>
          %dma_start3A_92 = arith.constant 0 : i32
          %dma_start3A_93 = arith.constant 0 : i32
          %dma_start3A_94 = tpu.memref_slice %arg9[%run_scoped3A_83, %dma_start3A_92, %dma_start3A_93] : memref<2x128x128xf32, #tpu.memory_space<vmem>> -> memref<1x128x128xf32, #tpu.memory_space<vmem>>
          %dma_start3A_95 = tpu.memref_squeeze %dma_start3A_94 : memref<1x128x128xf32, #tpu.memory_space<vmem>> -> memref<128x128xf32, #tpu.memory_space<vmem>>
          %dma_start3A_96 = arith.constant 0 : i32
          %dma_start3A_97 = tpu.memref_slice %arg8[%add3A_82, %dma_start3A_96] : memref<40x128xi32, #tpu.memory_space<vmem>> -> memref<1x128xi32, #tpu.memory_space<vmem>>
          %dma_start3A_98 = tpu.memref_squeeze %dma_start3A_97 : memref<1x128xi32, #tpu.memory_space<vmem>> -> memref<128xi32, #tpu.memory_space<vmem>>
          %dma_start3A_99 = arith.constant 0 : i32
          %dma_start3A_100 = arith.constant 0 : i32
          %dma_start3A_101 = tpu.memref_slice %arg10[%dma_start3A_99, %dma_start3A_100] : memref<10240x128xf32, #tpu.memory_space<vmem_shared>> -> memref<10240x128xf32, #tpu.memory_space<vmem_shared>>
          tpu.enqueue_indirect_dma source(%dma_start3A_95 : memref<128x128xf32, #tpu.memory_space<vmem>>) target(%dma_start3A_101 : memref<10240x128xf32, #tpu.memory_space<vmem_shared>>) offsets(%dma_start3A_98 : memref<128xi32, #tpu.memory_space<vmem>>) semaphore(%run_scoped3A_91 : memref<!tpu.dma_semaphore, #tpu.memory_space<semaphore_mem>>) {add = true}
          %dma_wait3A_102 = arith.constant 0 : i32
          %dma_wait3A_103 = arith.constant 0 : i32
          %dma_wait3A_104 = tpu.memref_slice %arg9[%run_scoped3A_83, %dma_wait3A_102, %dma_wait3A_103] : memref<2x128x128xf32, #tpu.memory_space<vmem>> -> memref<1x128x128xf32, #tpu.memory_space<vmem>>
          %dma_wait3A_105 = tpu.memref_squeeze %dma_wait3A_104 : memref<1x128x128xf32, #tpu.memory_space<vmem>> -> memref<128x128xf32, #tpu.memory_space<vmem>>
          %dma_wait3A_106 = arith.constant 0 : i32
          %dma_wait3A_107 = tpu.memref_slice %arg8[%add3A_82, %dma_wait3A_106] : memref<40x128xi32, #tpu.memory_space<vmem>> -> memref<1x128xi32, #tpu.memory_space<vmem>>
          %dma_wait3A_108 = tpu.memref_squeeze %dma_wait3A_107 : memref<1x128xi32, #tpu.memory_space<vmem>> -> memref<128xi32, #tpu.memory_space<vmem>>
          %dma_wait3A_109 = arith.constant 0 : i32
          %dma_wait3A_110 = arith.constant 0 : i32
          %dma_wait3A_111 = tpu.memref_slice %arg10[%dma_wait3A_109, %dma_wait3A_110] : memref<10240x128xf32, #tpu.memory_space<vmem_shared>> -> memref<10240x128xf32, #tpu.memory_space<vmem_shared>>
          tpu.wait_indirect_dma semaphore(%run_scoped3A_91 : memref<!tpu.dma_semaphore, #tpu.memory_space<semaphore_mem>>) src(%dma_wait3A_105 : memref<128x128xf32, #tpu.memory_space<vmem>>) dst(%dma_wait3A_111 : memref<10240x128xf32, #tpu.memory_space<vmem_shared>>)
          tpu.yield
        }) : () -> ()
        %add3A_84 = arith.constant 3 : i32
        %add3A_85 = arith.addi %add3A_53, %add3A_84 : i32
        %lt3A_86 = arith.constant 40 : i32
        %lt3A_87 = arith.cmpi slt, %add3A_85, %lt3A_86 : i32
        %convert_element_type3A_88 = arith.extui %lt3A_87 : i1 to i32
        %cond3A_89 = arith.constant 0 : i32
        %cond3A_90 = arith.cmpi ne, %convert_element_type3A_88, %cond3A_89 : i32
        scf.if %cond3A_90 {
          %add3A_91 = arith.constant 3 : i32
          %add3A_92 = arith.addi %add3A_53, %add3A_91 : i32
          %dma_start3A_93 = arith.constant 1 : i32
          %dma_start3A_94 = arith.constant 0 : i32
          %dma_start3A_95 = arith.constant 0 : i32
          %dma_start3A_96 = tpu.memref_slice %arg9[%dma_start3A_93, %dma_start3A_94, %dma_start3A_95] : memref<2x128x128xf32, #tpu.memory_space<vmem>> -> memref<1x128x128xf32, #tpu.memory_space<vmem>>
          %dma_start3A_97 = tpu.memref_squeeze %dma_start3A_96 : memref<1x128x128xf32, #tpu.memory_space<vmem>> -> memref<128x128xf32, #tpu.memory_space<vmem>>
          %dma_start3A_98 = arith.constant 0 : i32
          %dma_start3A_99 = tpu.memref_slice %arg7[%add3A_92, %dma_start3A_98] : memref<40x128xi32, #tpu.memory_space<vmem>> -> memref<1x128xi32, #tpu.memory_space<vmem>>
          %dma_start3A_100 = tpu.memref_squeeze %dma_start3A_99 : memref<1x128xi32, #tpu.memory_space<vmem>> -> memref<128xi32, #tpu.memory_space<vmem>>
          %dma_start3A_101 = arith.constant 0 : i32
          %dma_start3A_102 = arith.constant 0 : i32
          %dma_start3A_103 = tpu.memref_slice %arg4[%dma_start3A_101, %dma_start3A_102] : memref<10240x128xf32, #tpu.memory_space<hbm>> -> memref<10240x128xf32, #tpu.memory_space<hbm>>
          tpu.enqueue_indirect_dma source(%dma_start3A_103 : memref<10240x128xf32, #tpu.memory_space<hbm>>) target(%dma_start3A_97 : memref<128x128xf32, #tpu.memory_space<vmem>>) offsets(%dma_start3A_100 : memref<128xi32, #tpu.memory_space<vmem>>) semaphore(%arg12 : memref<!tpu.dma_semaphore, #tpu.memory_space<semaphore_mem>>)
        } else {
        }
      }
      %scan3A_48 = arith.constant 20 : i32
    }
    %scan3A_6 = arith.constant 2 : i32
    %barrier3A_7 = arith.constant 0 : index
    tpu.barrier barrier_id(%barrier3A_7)
    %mul3A_8 = arith.constant 640 : i32
    %mul3A_9 = arith.muli %arg1, %mul3A_8 : i32
    %mul3A_10 = arith.constant 640 : i32
    %mul3A_11 = arith.muli %arg1, %mul3A_10 : i32
    "tpu.region"() ({
      %run_scoped3A = tpu.sem_alloc : memref<!tpu.dma_semaphore, #tpu.memory_space<semaphore_mem>>
      %dma_start3A = arith.constant 0 : i32
      %dma_start3A_12 = tpu.memref_slice %arg6[%arg0, %mul3A_11, %dma_start3A] : memref<2x10240x128xf32, #tpu.memory_space<hbm>> -> memref<1x640x128xf32, #tpu.memory_space<hbm>>
      %dma_start3A_13 = tpu.memref_squeeze %dma_start3A_12 : memref<1x640x128xf32, #tpu.memory_space<hbm>> -> memref<640x128xf32, #tpu.memory_space<hbm>>
      %dma_start3A_14 = arith.constant 0 : i32
      %dma_start3A_15 = tpu.memref_slice %arg10[%mul3A_9, %dma_start3A_14] : memref<10240x128xf32, #tpu.memory_space<vmem_shared>> -> memref<640x128xf32, #tpu.memory_space<vmem_shared>>
      tpu.enqueue_dma source(%dma_start3A_15 : memref<640x128xf32, #tpu.memory_space<vmem_shared>>) target(%dma_start3A_13 : memref<640x128xf32, #tpu.memory_space<hbm>>) target_semaphore(%run_scoped3A : memref<!tpu.dma_semaphore, #tpu.memory_space<semaphore_mem>>)
      %dma_wait3A = arith.constant 0 : i32
      %dma_wait3A_16 = tpu.memref_slice %arg6[%arg0, %mul3A_11, %dma_wait3A] : memref<2x10240x128xf32, #tpu.memory_space<hbm>> -> memref<1x640x128xf32, #tpu.memory_space<hbm>>
      %dma_wait3A_17 = tpu.memref_squeeze %dma_wait3A_16 : memref<1x640x128xf32, #tpu.memory_space<hbm>> -> memref<640x128xf32, #tpu.memory_space<hbm>>
      %dma_wait3A_18 = arith.constant 0 : i32
      %dma_wait3A_19 = tpu.memref_slice %arg10[%mul3A_9, %dma_wait3A_18] : memref<10240x128xf32, #tpu.memory_space<vmem_shared>> -> memref<640x128xf32, #tpu.memory_space<vmem_shared>>
      tpu.wait_dma2 semaphore(%run_scoped3A : memref<!tpu.dma_semaphore, #tpu.memory_space<semaphore_mem>>) src(%dma_wait3A_19 : memref<640x128xf32, #tpu.memory_space<vmem_shared>>) dst(%dma_wait3A_17 : memref<640x128xf32, #tpu.memory_space<hbm>>)
      tpu.yield
    }) : () -> ()
    return
  }
}

#map = affine_map<(d0, d1) -> (0, 0, 0)>
#map1 = affine_map<(d0, d1) -> (0, 0)>
module attributes {stable_mosaic.version = 14 : i64} {
  func.func @_gather_body(%arg0: i32, %arg1: i32, %arg2: memref<32x4x128xi32, #tpu.memory_space<hbm>>, %arg3: memref<10240x128xf32, #tpu.memory_space<hbm>>, %arg4: memref<4096x128xf32, #tpu.memory_space<hbm>>, %arg5: memref<4096x128xf32, #tpu.memory_space<hbm>>, %arg6: memref<4096x128xf32, #tpu.memory_space<hbm>>, %arg7: memref<4096x128xf32, #tpu.memory_space<hbm>>, %arg8: memref<4x128xi32, #tpu.memory_space<vmem>>, %arg9: memref<128x128xf32, #tpu.memory_space<vmem>>) attributes {dimension_semantics = [#tpu.dimension_semantics<core_parallel>, #tpu.dimension_semantics<subcore_parallel>], iteration_bounds = array<i64: 2, 16>, scalar_prefetch = 0 : i64, scratch_operands = 2 : i64, tpu.core_type = #tpu.core_type<sc_vector_subcore>, window_params = [{transform_indices = #map}, {transform_indices = #map1}, {transform_indices = #map1}, {transform_indices = #map1}, {transform_indices = #map1}, {transform_indices = #map1}]} {
    %mul3A = arith.constant 16 : i32
    %mul3A_0 = arith.muli %arg0, %mul3A : i32
    %add3A = arith.addi %mul3A_0, %arg1 : i32
    "tpu.region"() ({
      %run_scoped3A = tpu.sem_alloc : memref<!tpu.dma_semaphore, #tpu.memory_space<semaphore_mem>>
      %dma_start3A = arith.constant 0 : i32
      %dma_start3A_5 = arith.constant 0 : i32
      %dma_start3A_6 = tpu.memref_slice %arg2[%add3A, %dma_start3A, %dma_start3A_5] : memref<32x4x128xi32, #tpu.memory_space<hbm>> -> memref<1x4x128xi32, #tpu.memory_space<hbm>>
      %dma_start3A_7 = tpu.memref_squeeze %dma_start3A_6 : memref<1x4x128xi32, #tpu.memory_space<hbm>> -> memref<4x128xi32, #tpu.memory_space<hbm>>
      %dma_start3A_8 = arith.constant 0 : i32
      %dma_start3A_9 = arith.constant 0 : i32
      %dma_start3A_10 = tpu.memref_slice %arg2[%add3A, %dma_start3A_8, %dma_start3A_9] : memref<32x4x128xi32, #tpu.memory_space<hbm>> -> memref<1x4x128xi32, #tpu.memory_space<hbm>>
      %dma_start3A_11 = tpu.memref_squeeze %dma_start3A_10 : memref<1x4x128xi32, #tpu.memory_space<hbm>> -> memref<4x128xi32, #tpu.memory_space<hbm>>
      tpu.enqueue_dma source(%dma_start3A_11 : memref<4x128xi32, #tpu.memory_space<hbm>>) target(%arg8 : memref<4x128xi32, #tpu.memory_space<vmem>>) target_semaphore(%run_scoped3A : memref<!tpu.dma_semaphore, #tpu.memory_space<semaphore_mem>>)
      %dma_wait3A = arith.constant 0 : i32
      %dma_wait3A_12 = arith.constant 0 : i32
      %dma_wait3A_13 = tpu.memref_slice %arg2[%add3A, %dma_wait3A, %dma_wait3A_12] : memref<32x4x128xi32, #tpu.memory_space<hbm>> -> memref<1x4x128xi32, #tpu.memory_space<hbm>>
      %dma_wait3A_14 = tpu.memref_squeeze %dma_wait3A_13 : memref<1x4x128xi32, #tpu.memory_space<hbm>> -> memref<4x128xi32, #tpu.memory_space<hbm>>
      %dma_wait3A_15 = arith.constant 0 : i32
      %dma_wait3A_16 = arith.constant 0 : i32
      %dma_wait3A_17 = tpu.memref_slice %arg2[%add3A, %dma_wait3A_15, %dma_wait3A_16] : memref<32x4x128xi32, #tpu.memory_space<hbm>> -> memref<1x4x128xi32, #tpu.memory_space<hbm>>
      %dma_wait3A_18 = tpu.memref_squeeze %dma_wait3A_17 : memref<1x4x128xi32, #tpu.memory_space<hbm>> -> memref<4x128xi32, #tpu.memory_space<hbm>>
      tpu.wait_dma2 semaphore(%run_scoped3A : memref<!tpu.dma_semaphore, #tpu.memory_space<semaphore_mem>>) src(%dma_wait3A_18 : memref<4x128xi32, #tpu.memory_space<hbm>>) dst(%arg8 : memref<4x128xi32, #tpu.memory_space<vmem>>)
      tpu.yield
    }) : () -> ()
    %scan3A = arith.constant 0 : i32
    %scan3A_1 = arith.constant 4 : i32
    %scan3A_2 = arith.addi %scan3A, %scan3A_1 : i32
    %scan3A_3 = arith.constant 1 : i32
    scf.for %scan3A_5 = %scan3A to %scan3A_2 step %scan3A_3  : i32 {
      %mul3A_6 = arith.constant 1 : i32
      %mul3A_7 = arith.muli %scan3A_5, %mul3A_6 : i32
      %add3A_8 = arith.constant 0 : i32
      %add3A_9 = arith.addi %add3A_8, %mul3A_7 : i32
      "tpu.region"() ({
        %run_scoped3A = tpu.sem_alloc : memref<!tpu.dma_semaphore, #tpu.memory_space<semaphore_mem>>
        %dma_start3A = arith.constant 0 : i32
        %dma_start3A_115 = tpu.memref_slice %arg8[%add3A_9, %dma_start3A] : memref<4x128xi32, #tpu.memory_space<vmem>> -> memref<1x128xi32, #tpu.memory_space<vmem>>
        %dma_start3A_116 = tpu.memref_squeeze %dma_start3A_115 : memref<1x128xi32, #tpu.memory_space<vmem>> -> memref<128xi32, #tpu.memory_space<vmem>>
        %dma_start3A_117 = arith.constant 0 : i32
        %dma_start3A_118 = arith.constant 0 : i32
        %dma_start3A_119 = tpu.memref_slice %arg3[%dma_start3A_117, %dma_start3A_118] : memref<10240x128xf32, #tpu.memory_space<hbm>> -> memref<10240x128xf32, #tpu.memory_space<hbm>>
        tpu.enqueue_indirect_dma source(%dma_start3A_119 : memref<10240x128xf32, #tpu.memory_space<hbm>>) target(%arg9 : memref<128x128xf32, #tpu.memory_space<vmem>>) offsets(%dma_start3A_116 : memref<128xi32, #tpu.memory_space<vmem>>) semaphore(%run_scoped3A : memref<!tpu.dma_semaphore, #tpu.memory_space<semaphore_mem>>)
        %dma_wait3A = arith.constant 0 : i32
        %dma_wait3A_120 = tpu.memref_slice %arg8[%add3A_9, %dma_wait3A] : memref<4x128xi32, #tpu.memory_space<vmem>> -> memref<1x128xi32, #tpu.memory_space<vmem>>
        %dma_wait3A_121 = tpu.memref_squeeze %dma_wait3A_120 : memref<1x128xi32, #tpu.memory_space<vmem>> -> memref<128xi32, #tpu.memory_space<vmem>>
        %dma_wait3A_122 = arith.constant 0 : i32
        %dma_wait3A_123 = arith.constant 0 : i32
        %dma_wait3A_124 = tpu.memref_slice %arg3[%dma_wait3A_122, %dma_wait3A_123] : memref<10240x128xf32, #tpu.memory_space<hbm>> -> memref<10240x128xf32, #tpu.memory_space<hbm>>
        tpu.wait_indirect_dma semaphore(%run_scoped3A : memref<!tpu.dma_semaphore, #tpu.memory_space<semaphore_mem>>) src(%dma_wait3A_124 : memref<10240x128xf32, #tpu.memory_space<hbm>>) dst(%arg9 : memref<128x128xf32, #tpu.memory_space<vmem>>)
        tpu.yield
      }) : () -> ()
      %jit3A = arith.constant 8 : i32
      %div3A = arith.divsi %add3A, %jit3A : i32
      %sign3A = arith.constant 0 : i32
      %sign3A_10 = arith.cmpi sgt, %add3A, %sign3A : i32
      %sign3A_11 = arith.extui %sign3A_10 : i1 to i32
      %sign3A_12 = arith.constant 0 : i32
      %sign3A_13 = arith.cmpi slt, %add3A, %sign3A_12 : i32
      %sign3A_14 = arith.extui %sign3A_13 : i1 to i32
      %sign3A_15 = arith.subi %sign3A_11, %sign3A_14 : i32
      %sign3A_16 = arith.constant 0 : i32
      %sign3A_17 = arith.cmpi sgt, %jit3A, %sign3A_16 : i32
      %sign3A_18 = arith.extui %sign3A_17 : i1 to i32
      %sign3A_19 = arith.constant 0 : i32
      %sign3A_20 = arith.cmpi slt, %jit3A, %sign3A_19 : i32
      %sign3A_21 = arith.extui %sign3A_20 : i1 to i32
      %sign3A_22 = arith.subi %sign3A_18, %sign3A_21 : i32
      %ne3A = arith.cmpi ne, %sign3A_15, %sign3A_22 : i32
      %rem3A = arith.remsi %add3A, %jit3A : i32
      %ne3A_23 = arith.constant 0 : i32
      %ne3A_24 = arith.cmpi ne, %rem3A, %ne3A_23 : i32
      %and3A = arith.andi %ne3A, %ne3A_24 : i1
      %sub3A = arith.constant 1 : i32
      %sub3A_25 = arith.subi %div3A, %sub3A : i32
      %select_n3A = arith.select %and3A, %sub3A_25, %div3A : i32
      %eq3A = arith.constant 0 : i32
      %eq3A_26 = arith.cmpi eq, %select_n3A, %eq3A : i32
      %convert_element_type3A = arith.extui %eq3A_26 : i1 to i32
      %cond3A = arith.constant 0 : i32
      %cond3A_27 = arith.cmpi ne, %convert_element_type3A, %cond3A : i32
      scf.if %cond3A_27 {
        %sub3A_115 = arith.constant 0 : i32
        %sub3A_116 = arith.subi %add3A, %sub3A_115 : i32
        %mul3A_117 = arith.constant 512 : i32
        %mul3A_118 = arith.muli %sub3A_116, %mul3A_117 : i32
        %mul3A_119 = arith.constant 128 : i32
        %mul3A_120 = arith.muli %add3A_9, %mul3A_119 : i32
        %add3A_121 = arith.addi %mul3A_118, %mul3A_120 : i32
        "tpu.region"() ({
          %run_scoped3A = tpu.sem_alloc : memref<!tpu.dma_semaphore, #tpu.memory_space<semaphore_mem>>
          %dma_start3A = arith.constant 0 : i32
          %dma_start3A_122 = tpu.memref_slice %arg4[%add3A_121, %dma_start3A] : memref<4096x128xf32, #tpu.memory_space<hbm>> -> memref<128x128xf32, #tpu.memory_space<hbm>>
          %dma_start3A_123 = arith.constant 0 : i32
          %dma_start3A_124 = tpu.memref_slice %arg4[%add3A_121, %dma_start3A_123] : memref<4096x128xf32, #tpu.memory_space<hbm>> -> memref<128x128xf32, #tpu.memory_space<hbm>>
          tpu.enqueue_dma source(%arg9 : memref<128x128xf32, #tpu.memory_space<vmem>>) target(%dma_start3A_124 : memref<128x128xf32, #tpu.memory_space<hbm>>) target_semaphore(%run_scoped3A : memref<!tpu.dma_semaphore, #tpu.memory_space<semaphore_mem>>)
          %dma_wait3A = arith.constant 0 : i32
          %dma_wait3A_125 = tpu.memref_slice %arg4[%add3A_121, %dma_wait3A] : memref<4096x128xf32, #tpu.memory_space<hbm>> -> memref<128x128xf32, #tpu.memory_space<hbm>>
          %dma_wait3A_126 = arith.constant 0 : i32
          %dma_wait3A_127 = tpu.memref_slice %arg4[%add3A_121, %dma_wait3A_126] : memref<4096x128xf32, #tpu.memory_space<hbm>> -> memref<128x128xf32, #tpu.memory_space<hbm>>
          tpu.wait_dma2 semaphore(%run_scoped3A : memref<!tpu.dma_semaphore, #tpu.memory_space<semaphore_mem>>) src(%arg9 : memref<128x128xf32, #tpu.memory_space<vmem>>) dst(%dma_wait3A_127 : memref<128x128xf32, #tpu.memory_space<hbm>>)
          tpu.yield
        }) : () -> ()
      } else {
      }
      %jit3A_28 = arith.constant 8 : i32
      %div3A_29 = arith.divsi %add3A, %jit3A_28 : i32
      %sign3A_30 = arith.constant 0 : i32
      %sign3A_31 = arith.cmpi sgt, %add3A, %sign3A_30 : i32
      %sign3A_32 = arith.extui %sign3A_31 : i1 to i32
      %sign3A_33 = arith.constant 0 : i32
      %sign3A_34 = arith.cmpi slt, %add3A, %sign3A_33 : i32
      %sign3A_35 = arith.extui %sign3A_34 : i1 to i32
      %sign3A_36 = arith.subi %sign3A_32, %sign3A_35 : i32
      %sign3A_37 = arith.constant 0 : i32
      %sign3A_38 = arith.cmpi sgt, %jit3A_28, %sign3A_37 : i32
      %sign3A_39 = arith.extui %sign3A_38 : i1 to i32
      %sign3A_40 = arith.constant 0 : i32
      %sign3A_41 = arith.cmpi slt, %jit3A_28, %sign3A_40 : i32
      %sign3A_42 = arith.extui %sign3A_41 : i1 to i32
      %sign3A_43 = arith.subi %sign3A_39, %sign3A_42 : i32
      %ne3A_44 = arith.cmpi ne, %sign3A_36, %sign3A_43 : i32
      %rem3A_45 = arith.remsi %add3A, %jit3A_28 : i32
      %ne3A_46 = arith.constant 0 : i32
      %ne3A_47 = arith.cmpi ne, %rem3A_45, %ne3A_46 : i32
      %and3A_48 = arith.andi %ne3A_44, %ne3A_47 : i1
      %sub3A_49 = arith.constant 1 : i32
      %sub3A_50 = arith.subi %div3A_29, %sub3A_49 : i32
      %select_n3A_51 = arith.select %and3A_48, %sub3A_50, %div3A_29 : i32
      %eq3A_52 = arith.constant 1 : i32
      %eq3A_53 = arith.cmpi eq, %select_n3A_51, %eq3A_52 : i32
      %convert_element_type3A_54 = arith.extui %eq3A_53 : i1 to i32
      %cond3A_55 = arith.constant 0 : i32
      %cond3A_56 = arith.cmpi ne, %convert_element_type3A_54, %cond3A_55 : i32
      scf.if %cond3A_56 {
        %sub3A_115 = arith.constant 8 : i32
        %sub3A_116 = arith.subi %add3A, %sub3A_115 : i32
        %mul3A_117 = arith.constant 512 : i32
        %mul3A_118 = arith.muli %sub3A_116, %mul3A_117 : i32
        %mul3A_119 = arith.constant 128 : i32
        %mul3A_120 = arith.muli %add3A_9, %mul3A_119 : i32
        %add3A_121 = arith.addi %mul3A_118, %mul3A_120 : i32
        "tpu.region"() ({
          %run_scoped3A = tpu.sem_alloc : memref<!tpu.dma_semaphore, #tpu.memory_space<semaphore_mem>>
          %dma_start3A = arith.constant 0 : i32
          %dma_start3A_122 = tpu.memref_slice %arg5[%add3A_121, %dma_start3A] : memref<4096x128xf32, #tpu.memory_space<hbm>> -> memref<128x128xf32, #tpu.memory_space<hbm>>
          %dma_start3A_123 = arith.constant 0 : i32
          %dma_start3A_124 = tpu.memref_slice %arg5[%add3A_121, %dma_start3A_123] : memref<4096x128xf32, #tpu.memory_space<hbm>> -> memref<128x128xf32, #tpu.memory_space<hbm>>
          tpu.enqueue_dma source(%arg9 : memref<128x128xf32, #tpu.memory_space<vmem>>) target(%dma_start3A_124 : memref<128x128xf32, #tpu.memory_space<hbm>>) target_semaphore(%run_scoped3A : memref<!tpu.dma_semaphore, #tpu.memory_space<semaphore_mem>>)
          %dma_wait3A = arith.constant 0 : i32
          %dma_wait3A_125 = tpu.memref_slice %arg5[%add3A_121, %dma_wait3A] : memref<4096x128xf32, #tpu.memory_space<hbm>> -> memref<128x128xf32, #tpu.memory_space<hbm>>
          %dma_wait3A_126 = arith.constant 0 : i32
          %dma_wait3A_127 = tpu.memref_slice %arg5[%add3A_121, %dma_wait3A_126] : memref<4096x128xf32, #tpu.memory_space<hbm>> -> memref<128x128xf32, #tpu.memory_space<hbm>>
          tpu.wait_dma2 semaphore(%run_scoped3A : memref<!tpu.dma_semaphore, #tpu.memory_space<semaphore_mem>>) src(%arg9 : memref<128x128xf32, #tpu.memory_space<vmem>>) dst(%dma_wait3A_127 : memref<128x128xf32, #tpu.memory_space<hbm>>)
          tpu.yield
        }) : () -> ()
      } else {
      }
      %jit3A_57 = arith.constant 8 : i32
      %div3A_58 = arith.divsi %add3A, %jit3A_57 : i32
      %sign3A_59 = arith.constant 0 : i32
      %sign3A_60 = arith.cmpi sgt, %add3A, %sign3A_59 : i32
      %sign3A_61 = arith.extui %sign3A_60 : i1 to i32
      %sign3A_62 = arith.constant 0 : i32
      %sign3A_63 = arith.cmpi slt, %add3A, %sign3A_62 : i32
      %sign3A_64 = arith.extui %sign3A_63 : i1 to i32
      %sign3A_65 = arith.subi %sign3A_61, %sign3A_64 : i32
      %sign3A_66 = arith.constant 0 : i32
      %sign3A_67 = arith.cmpi sgt, %jit3A_57, %sign3A_66 : i32
      %sign3A_68 = arith.extui %sign3A_67 : i1 to i32
      %sign3A_69 = arith.constant 0 : i32
      %sign3A_70 = arith.cmpi slt, %jit3A_57, %sign3A_69 : i32
      %sign3A_71 = arith.extui %sign3A_70 : i1 to i32
      %sign3A_72 = arith.subi %sign3A_68, %sign3A_71 : i32
      %ne3A_73 = arith.cmpi ne, %sign3A_65, %sign3A_72 : i32
      %rem3A_74 = arith.remsi %add3A, %jit3A_57 : i32
      %ne3A_75 = arith.constant 0 : i32
      %ne3A_76 = arith.cmpi ne, %rem3A_74, %ne3A_75 : i32
      %and3A_77 = arith.andi %ne3A_73, %ne3A_76 : i1
      %sub3A_78 = arith.constant 1 : i32
      %sub3A_79 = arith.subi %div3A_58, %sub3A_78 : i32
      %select_n3A_80 = arith.select %and3A_77, %sub3A_79, %div3A_58 : i32
      %eq3A_81 = arith.constant 2 : i32
      %eq3A_82 = arith.cmpi eq, %select_n3A_80, %eq3A_81 : i32
      %convert_element_type3A_83 = arith.extui %eq3A_82 : i1 to i32
      %cond3A_84 = arith.constant 0 : i32
      %cond3A_85 = arith.cmpi ne, %convert_element_type3A_83, %cond3A_84 : i32
      scf.if %cond3A_85 {
        %sub3A_115 = arith.constant 16 : i32
        %sub3A_116 = arith.subi %add3A, %sub3A_115 : i32
        %mul3A_117 = arith.constant 512 : i32
        %mul3A_118 = arith.muli %sub3A_116, %mul3A_117 : i32
        %mul3A_119 = arith.constant 128 : i32
        %mul3A_120 = arith.muli %add3A_9, %mul3A_119 : i32
        %add3A_121 = arith.addi %mul3A_118, %mul3A_120 : i32
        "tpu.region"() ({
          %run_scoped3A = tpu.sem_alloc : memref<!tpu.dma_semaphore, #tpu.memory_space<semaphore_mem>>
          %dma_start3A = arith.constant 0 : i32
          %dma_start3A_122 = tpu.memref_slice %arg6[%add3A_121, %dma_start3A] : memref<4096x128xf32, #tpu.memory_space<hbm>> -> memref<128x128xf32, #tpu.memory_space<hbm>>
          %dma_start3A_123 = arith.constant 0 : i32
          %dma_start3A_124 = tpu.memref_slice %arg6[%add3A_121, %dma_start3A_123] : memref<4096x128xf32, #tpu.memory_space<hbm>> -> memref<128x128xf32, #tpu.memory_space<hbm>>
          tpu.enqueue_dma source(%arg9 : memref<128x128xf32, #tpu.memory_space<vmem>>) target(%dma_start3A_124 : memref<128x128xf32, #tpu.memory_space<hbm>>) target_semaphore(%run_scoped3A : memref<!tpu.dma_semaphore, #tpu.memory_space<semaphore_mem>>)
          %dma_wait3A = arith.constant 0 : i32
          %dma_wait3A_125 = tpu.memref_slice %arg6[%add3A_121, %dma_wait3A] : memref<4096x128xf32, #tpu.memory_space<hbm>> -> memref<128x128xf32, #tpu.memory_space<hbm>>
          %dma_wait3A_126 = arith.constant 0 : i32
          %dma_wait3A_127 = tpu.memref_slice %arg6[%add3A_121, %dma_wait3A_126] : memref<4096x128xf32, #tpu.memory_space<hbm>> -> memref<128x128xf32, #tpu.memory_space<hbm>>
          tpu.wait_dma2 semaphore(%run_scoped3A : memref<!tpu.dma_semaphore, #tpu.memory_space<semaphore_mem>>) src(%arg9 : memref<128x128xf32, #tpu.memory_space<vmem>>) dst(%dma_wait3A_127 : memref<128x128xf32, #tpu.memory_space<hbm>>)
          tpu.yield
        }) : () -> ()
      } else {
      }
      %jit3A_86 = arith.constant 8 : i32
      %div3A_87 = arith.divsi %add3A, %jit3A_86 : i32
      %sign3A_88 = arith.constant 0 : i32
      %sign3A_89 = arith.cmpi sgt, %add3A, %sign3A_88 : i32
      %sign3A_90 = arith.extui %sign3A_89 : i1 to i32
      %sign3A_91 = arith.constant 0 : i32
      %sign3A_92 = arith.cmpi slt, %add3A, %sign3A_91 : i32
      %sign3A_93 = arith.extui %sign3A_92 : i1 to i32
      %sign3A_94 = arith.subi %sign3A_90, %sign3A_93 : i32
      %sign3A_95 = arith.constant 0 : i32
      %sign3A_96 = arith.cmpi sgt, %jit3A_86, %sign3A_95 : i32
      %sign3A_97 = arith.extui %sign3A_96 : i1 to i32
      %sign3A_98 = arith.constant 0 : i32
      %sign3A_99 = arith.cmpi slt, %jit3A_86, %sign3A_98 : i32
      %sign3A_100 = arith.extui %sign3A_99 : i1 to i32
      %sign3A_101 = arith.subi %sign3A_97, %sign3A_100 : i32
      %ne3A_102 = arith.cmpi ne, %sign3A_94, %sign3A_101 : i32
      %rem3A_103 = arith.remsi %add3A, %jit3A_86 : i32
      %ne3A_104 = arith.constant 0 : i32
      %ne3A_105 = arith.cmpi ne, %rem3A_103, %ne3A_104 : i32
      %and3A_106 = arith.andi %ne3A_102, %ne3A_105 : i1
      %sub3A_107 = arith.constant 1 : i32
      %sub3A_108 = arith.subi %div3A_87, %sub3A_107 : i32
      %select_n3A_109 = arith.select %and3A_106, %sub3A_108, %div3A_87 : i32
      %eq3A_110 = arith.constant 3 : i32
      %eq3A_111 = arith.cmpi eq, %select_n3A_109, %eq3A_110 : i32
      %convert_element_type3A_112 = arith.extui %eq3A_111 : i1 to i32
      %cond3A_113 = arith.constant 0 : i32
      %cond3A_114 = arith.cmpi ne, %convert_element_type3A_112, %cond3A_113 : i32
      scf.if %cond3A_114 {
        %sub3A_115 = arith.constant 24 : i32
        %sub3A_116 = arith.subi %add3A, %sub3A_115 : i32
        %mul3A_117 = arith.constant 512 : i32
        %mul3A_118 = arith.muli %sub3A_116, %mul3A_117 : i32
        %mul3A_119 = arith.constant 128 : i32
        %mul3A_120 = arith.muli %add3A_9, %mul3A_119 : i32
        %add3A_121 = arith.addi %mul3A_118, %mul3A_120 : i32
        "tpu.region"() ({
          %run_scoped3A = tpu.sem_alloc : memref<!tpu.dma_semaphore, #tpu.memory_space<semaphore_mem>>
          %dma_start3A = arith.constant 0 : i32
          %dma_start3A_122 = tpu.memref_slice %arg7[%add3A_121, %dma_start3A] : memref<4096x128xf32, #tpu.memory_space<hbm>> -> memref<128x128xf32, #tpu.memory_space<hbm>>
          %dma_start3A_123 = arith.constant 0 : i32
          %dma_start3A_124 = tpu.memref_slice %arg7[%add3A_121, %dma_start3A_123] : memref<4096x128xf32, #tpu.memory_space<hbm>> -> memref<128x128xf32, #tpu.memory_space<hbm>>
          tpu.enqueue_dma source(%arg9 : memref<128x128xf32, #tpu.memory_space<vmem>>) target(%dma_start3A_124 : memref<128x128xf32, #tpu.memory_space<hbm>>) target_semaphore(%run_scoped3A : memref<!tpu.dma_semaphore, #tpu.memory_space<semaphore_mem>>)
          %dma_wait3A = arith.constant 0 : i32
          %dma_wait3A_125 = tpu.memref_slice %arg7[%add3A_121, %dma_wait3A] : memref<4096x128xf32, #tpu.memory_space<hbm>> -> memref<128x128xf32, #tpu.memory_space<hbm>>
          %dma_wait3A_126 = arith.constant 0 : i32
          %dma_wait3A_127 = tpu.memref_slice %arg7[%add3A_121, %dma_wait3A_126] : memref<4096x128xf32, #tpu.memory_space<hbm>> -> memref<128x128xf32, #tpu.memory_space<hbm>>
          tpu.wait_dma2 semaphore(%run_scoped3A : memref<!tpu.dma_semaphore, #tpu.memory_space<semaphore_mem>>) src(%arg9 : memref<128x128xf32, #tpu.memory_space<vmem>>) dst(%dma_wait3A_127 : memref<128x128xf32, #tpu.memory_space<hbm>>)
          tpu.yield
        }) : () -> ()
      } else {
      }
    }
    %scan3A_4 = arith.constant 4 : i32
    return
  }
}

module attributes {stable_mosaic.version = 14 : i64} {
  func.func @_pre_body(%arg0: i32, %arg1: memref<2048x128xf32, #tpu.memory_space<vmem>>, %arg2: memref<2x16x128xf32, #tpu.memory_space<vmem>>, %arg3: memref<2048x1xf32, #tpu.memory_space<vmem>>, %arg4: memref<2048x128xf32, #tpu.memory_space<vmem>>) attributes {dimension_semantics = [#tpu.dimension_semantics<arbitrary>], iteration_bounds = array<i64: 5>, scalar_prefetch = 0 : i64, scratch_operands = 0 : i64, tpu.core_type = #tpu.core_type<tc>, window_params = [{transform_indices = @transform_0, window_bounds = array<i64: 2048, 128>}, {transform_indices = @transform_1, window_bounds = array<i64: 2, 16, 128>}, {transform_indices = @transform_2, window_bounds = array<i64: 2048, 1>}, {transform_indices = @transform_3, window_bounds = array<i64: 2048, 128>}]} {
    %get3A = arith.constant 0 : index
    %get3A_0 = arith.constant 0 : index
    %get3A_1 = arith.constant 0 : index
    %get3A_2 = vector.load %arg2[%get3A, %get3A_0, %get3A_1] : memref<2x16x128xf32, #tpu.memory_space<vmem>>, vector<1x16x128xf32>
    %get3A_3 = vector.shape_cast %get3A_2 : vector<1x16x128xf32> to vector<16x128xf32>
    %get3A_4 = arith.constant 1 : index
    %get3A_5 = arith.constant 0 : index
    %get3A_6 = arith.constant 0 : index
    %get3A_7 = vector.load %arg2[%get3A_4, %get3A_5, %get3A_6] : memref<2x16x128xf32, #tpu.memory_space<vmem>>, vector<1x16x128xf32>
    %get3A_8 = vector.shape_cast %get3A_7 : vector<1x16x128xf32> to vector<16x128xf32>
    %add3A = arith.addf %get3A_3, %get3A_8 : vector<16x128xf32>
    %add3A_9 = arith.constant 1.000000e+00 : f32
    %add3A_10 = vector.broadcast %add3A_9 : f32 to vector<16x128xf32>
    %add3A_11 = arith.addf %add3A, %add3A_10 : vector<16x128xf32>
    %rsqrt3A = math.rsqrt %add3A_11 : vector<16x128xf32>
    %transpose3A = tpu.transpose %rsqrt3A, [1, 0] : vector<16x128xf32> -> vector<128x16xf32>
    %slice3A = vector.extract_strided_slice %transpose3A {offsets = [0, 0], sizes = [128, 1], strides = [1, 1]} : vector<128x16xf32> to vector<128x1xf32>
    %swap3A = arith.constant 0 : index
    %swap3A_12 = arith.constant 0 : index
    %swap3A_13 = vector.load %arg3[%swap3A, %swap3A_12] : memref<2048x1xf32, #tpu.memory_space<vmem>>, vector<128x1xf32>
    tpu.vector_store %arg3[%swap3A, %swap3A_12], %slice3A {strides = array<i32>} : memref<2048x1xf32, #tpu.memory_space<vmem>>, vector<128x1xf32>,
    %get3A_14 = arith.constant 0 : index
    %get3A_15 = arith.constant 0 : index
    %get3A_16 = vector.load %arg1[%get3A_14, %get3A_15] : memref<2048x128xf32, #tpu.memory_space<vmem>>, vector<128x128xf32>
    %mul3A = vector.broadcast %slice3A : vector<128x1xf32> to vector<128x128xf32>
    %mul3A_17 = arith.mulf %get3A_16, %mul3A : vector<128x128xf32>
    %swap3A_18 = arith.constant 0 : index
    %swap3A_19 = arith.constant 0 : index
    %swap3A_20 = vector.load %arg4[%swap3A_18, %swap3A_19] : memref<2048x128xf32, #tpu.memory_space<vmem>>, vector<128x128xf32>
    tpu.vector_store %arg4[%swap3A_18, %swap3A_19], %mul3A_17 {strides = array<i32>} : memref<2048x128xf32, #tpu.memory_space<vmem>>, vector<128x128xf32>,
    %slice3A_21 = vector.extract_strided_slice %transpose3A {offsets = [0, 1], sizes = [128, 1], strides = [1, 1]} : vector<128x16xf32> to vector<128x1xf32>
    %swap3A_22 = arith.constant 128 : index
    %swap3A_23 = arith.constant 0 : index
    %swap3A_24 = vector.load %arg3[%swap3A_22, %swap3A_23] : memref<2048x1xf32, #tpu.memory_space<vmem>>, vector<128x1xf32>
    tpu.vector_store %arg3[%swap3A_22, %swap3A_23], %slice3A_21 {strides = array<i32>} : memref<2048x1xf32, #tpu.memory_space<vmem>>, vector<128x1xf32>,
    %get3A_25 = arith.constant 128 : index
    %get3A_26 = arith.constant 0 : index
    %get3A_27 = vector.load %arg1[%get3A_25, %get3A_26] : memref<2048x128xf32, #tpu.memory_space<vmem>>, vector<128x128xf32>
    %mul3A_28 = vector.broadcast %slice3A_21 : vector<128x1xf32> to vector<128x128xf32>
    %mul3A_29 = arith.mulf %get3A_27, %mul3A_28 : vector<128x128xf32>
    %swap3A_30 = arith.constant 128 : index
    %swap3A_31 = arith.constant 0 : index
    %swap3A_32 = vector.load %arg4[%swap3A_30, %swap3A_31] : memref<2048x128xf32, #tpu.memory_space<vmem>>, vector<128x128xf32>
    tpu.vector_store %arg4[%swap3A_30, %swap3A_31], %mul3A_29 {strides = array<i32>} : memref<2048x128xf32, #tpu.memory_space<vmem>>, vector<128x128xf32>,
    %slice3A_33 = vector.extract_strided_slice %transpose3A {offsets = [0, 2], sizes = [128, 1], strides = [1, 1]} : vector<128x16xf32> to vector<128x1xf32>
    %swap3A_34 = arith.constant 256 : index
    %swap3A_35 = arith.constant 0 : index
    %swap3A_36 = vector.load %arg3[%swap3A_34, %swap3A_35] : memref<2048x1xf32, #tpu.memory_space<vmem>>, vector<128x1xf32>
    tpu.vector_store %arg3[%swap3A_34, %swap3A_35], %slice3A_33 {strides = array<i32>} : memref<2048x1xf32, #tpu.memory_space<vmem>>, vector<128x1xf32>,
    %get3A_37 = arith.constant 256 : index
    %get3A_38 = arith.constant 0 : index
    %get3A_39 = vector.load %arg1[%get3A_37, %get3A_38] : memref<2048x128xf32, #tpu.memory_space<vmem>>, vector<128x128xf32>
    %mul3A_40 = vector.broadcast %slice3A_33 : vector<128x1xf32> to vector<128x128xf32>
    %mul3A_41 = arith.mulf %get3A_39, %mul3A_40 : vector<128x128xf32>
    %swap3A_42 = arith.constant 256 : index
    %swap3A_43 = arith.constant 0 : index
    %swap3A_44 = vector.load %arg4[%swap3A_42, %swap3A_43] : memref<2048x128xf32, #tpu.memory_space<vmem>>, vector<128x128xf32>
    tpu.vector_store %arg4[%swap3A_42, %swap3A_43], %mul3A_41 {strides = array<i32>} : memref<2048x128xf32, #tpu.memory_space<vmem>>, vector<128x128xf32>,
    %slice3A_45 = vector.extract_strided_slice %transpose3A {offsets = [0, 3], sizes = [128, 1], strides = [1, 1]} : vector<128x16xf32> to vector<128x1xf32>
    %swap3A_46 = arith.constant 384 : index
    %swap3A_47 = arith.constant 0 : index
    %swap3A_48 = vector.load %arg3[%swap3A_46, %swap3A_47] : memref<2048x1xf32, #tpu.memory_space<vmem>>, vector<128x1xf32>
    tpu.vector_store %arg3[%swap3A_46, %swap3A_47], %slice3A_45 {strides = array<i32>} : memref<2048x1xf32, #tpu.memory_space<vmem>>, vector<128x1xf32>,
    %get3A_49 = arith.constant 384 : index
    %get3A_50 = arith.constant 0 : index
    %get3A_51 = vector.load %arg1[%get3A_49, %get3A_50] : memref<2048x128xf32, #tpu.memory_space<vmem>>, vector<128x128xf32>
    %mul3A_52 = vector.broadcast %slice3A_45 : vector<128x1xf32> to vector<128x128xf32>
    %mul3A_53 = arith.mulf %get3A_51, %mul3A_52 : vector<128x128xf32>
    %swap3A_54 = arith.constant 384 : index
    %swap3A_55 = arith.constant 0 : index
    %swap3A_56 = vector.load %arg4[%swap3A_54, %swap3A_55] : memref<2048x128xf32, #tpu.memory_space<vmem>>, vector<128x128xf32>
    tpu.vector_store %arg4[%swap3A_54, %swap3A_55], %mul3A_53 {strides = array<i32>} : memref<2048x128xf32, #tpu.memory_space<vmem>>, vector<128x128xf32>,
    %slice3A_57 = vector.extract_strided_slice %transpose3A {offsets = [0, 4], sizes = [128, 1], strides = [1, 1]} : vector<128x16xf32> to vector<128x1xf32>
    %swap3A_58 = arith.constant 512 : index
    %swap3A_59 = arith.constant 0 : index
    %swap3A_60 = vector.load %arg3[%swap3A_58, %swap3A_59] : memref<2048x1xf32, #tpu.memory_space<vmem>>, vector<128x1xf32>
    tpu.vector_store %arg3[%swap3A_58, %swap3A_59], %slice3A_57 {strides = array<i32>} : memref<2048x1xf32, #tpu.memory_space<vmem>>, vector<128x1xf32>,
    %get3A_61 = arith.constant 512 : index
    %get3A_62 = arith.constant 0 : index
    %get3A_63 = vector.load %arg1[%get3A_61, %get3A_62] : memref<2048x128xf32, #tpu.memory_space<vmem>>, vector<128x128xf32>
    %mul3A_64 = vector.broadcast %slice3A_57 : vector<128x1xf32> to vector<128x128xf32>
    %mul3A_65 = arith.mulf %get3A_63, %mul3A_64 : vector<128x128xf32>
    %swap3A_66 = arith.constant 512 : index
    %swap3A_67 = arith.constant 0 : index
    %swap3A_68 = vector.load %arg4[%swap3A_66, %swap3A_67] : memref<2048x128xf32, #tpu.memory_space<vmem>>, vector<128x128xf32>
    tpu.vector_store %arg4[%swap3A_66, %swap3A_67], %mul3A_65 {strides = array<i32>} : memref<2048x128xf32, #tpu.memory_space<vmem>>, vector<128x128xf32>,
    %slice3A_69 = vector.extract_strided_slice %transpose3A {offsets = [0, 5], sizes = [128, 1], strides = [1, 1]} : vector<128x16xf32> to vector<128x1xf32>
    %swap3A_70 = arith.constant 640 : index
    %swap3A_71 = arith.constant 0 : index
    %swap3A_72 = vector.load %arg3[%swap3A_70, %swap3A_71] : memref<2048x1xf32, #tpu.memory_space<vmem>>, vector<128x1xf32>
    tpu.vector_store %arg3[%swap3A_70, %swap3A_71], %slice3A_69 {strides = array<i32>} : memref<2048x1xf32, #tpu.memory_space<vmem>>, vector<128x1xf32>,
    %get3A_73 = arith.constant 640 : index
    %get3A_74 = arith.constant 0 : index
    %get3A_75 = vector.load %arg1[%get3A_73, %get3A_74] : memref<2048x128xf32, #tpu.memory_space<vmem>>, vector<128x128xf32>
    %mul3A_76 = vector.broadcast %slice3A_69 : vector<128x1xf32> to vector<128x128xf32>
    %mul3A_77 = arith.mulf %get3A_75, %mul3A_76 : vector<128x128xf32>
    %swap3A_78 = arith.constant 640 : index
    %swap3A_79 = arith.constant 0 : index
    %swap3A_80 = vector.load %arg4[%swap3A_78, %swap3A_79] : memref<2048x128xf32, #tpu.memory_space<vmem>>, vector<128x128xf32>
    tpu.vector_store %arg4[%swap3A_78, %swap3A_79], %mul3A_77 {strides = array<i32>} : memref<2048x128xf32, #tpu.memory_space<vmem>>, vector<128x128xf32>,
    %slice3A_81 = vector.extract_strided_slice %transpose3A {offsets = [0, 6], sizes = [128, 1], strides = [1, 1]} : vector<128x16xf32> to vector<128x1xf32>
    %swap3A_82 = arith.constant 768 : index
    %swap3A_83 = arith.constant 0 : index
    %swap3A_84 = vector.load %arg3[%swap3A_82, %swap3A_83] : memref<2048x1xf32, #tpu.memory_space<vmem>>, vector<128x1xf32>
    tpu.vector_store %arg3[%swap3A_82, %swap3A_83], %slice3A_81 {strides = array<i32>} : memref<2048x1xf32, #tpu.memory_space<vmem>>, vector<128x1xf32>,
    %get3A_85 = arith.constant 768 : index
    %get3A_86 = arith.constant 0 : index
    %get3A_87 = vector.load %arg1[%get3A_85, %get3A_86] : memref<2048x128xf32, #tpu.memory_space<vmem>>, vector<128x128xf32>
    %mul3A_88 = vector.broadcast %slice3A_81 : vector<128x1xf32> to vector<128x128xf32>
    %mul3A_89 = arith.mulf %get3A_87, %mul3A_88 : vector<128x128xf32>
    %swap3A_90 = arith.constant 768 : index
    %swap3A_91 = arith.constant 0 : index
    %swap3A_92 = vector.load %arg4[%swap3A_90, %swap3A_91] : memref<2048x128xf32, #tpu.memory_space<vmem>>, vector<128x128xf32>
    tpu.vector_store %arg4[%swap3A_90, %swap3A_91], %mul3A_89 {strides = array<i32>} : memref<2048x128xf32, #tpu.memory_space<vmem>>, vector<128x128xf32>,
    %slice3A_93 = vector.extract_strided_slice %transpose3A {offsets = [0, 7], sizes = [128, 1], strides = [1, 1]} : vector<128x16xf32> to vector<128x1xf32>
    %swap3A_94 = arith.constant 896 : index
    %swap3A_95 = arith.constant 0 : index
    %swap3A_96 = vector.load %arg3[%swap3A_94, %swap3A_95] : memref<2048x1xf32, #tpu.memory_space<vmem>>, vector<128x1xf32>
    tpu.vector_store %arg3[%swap3A_94, %swap3A_95], %slice3A_93 {strides = array<i32>} : memref<2048x1xf32, #tpu.memory_space<vmem>>, vector<128x1xf32>,
    %get3A_97 = arith.constant 896 : index
    %get3A_98 = arith.constant 0 : index
    %get3A_99 = vector.load %arg1[%get3A_97, %get3A_98] : memref<2048x128xf32, #tpu.memory_space<vmem>>, vector<128x128xf32>
    %mul3A_100 = vector.broadcast %slice3A_93 : vector<128x1xf32> to vector<128x128xf32>
    %mul3A_101 = arith.mulf %get3A_99, %mul3A_100 : vector<128x128xf32>
    %swap3A_102 = arith.constant 896 : index
    %swap3A_103 = arith.constant 0 : index
    %swap3A_104 = vector.load %arg4[%swap3A_102, %swap3A_103] : memref<2048x128xf32, #tpu.memory_space<vmem>>, vector<128x128xf32>
    tpu.vector_store %arg4[%swap3A_102, %swap3A_103], %mul3A_101 {strides = array<i32>} : memref<2048x128xf32, #tpu.memory_space<vmem>>, vector<128x128xf32>,
    %slice3A_105 = vector.extract_strided_slice %transpose3A {offsets = [0, 8], sizes = [128, 1], strides = [1, 1]} : vector<128x16xf32> to vector<128x1xf32>
    %swap3A_106 = arith.constant 1024 : index
    %swap3A_107 = arith.constant 0 : index
    %swap3A_108 = vector.load %arg3[%swap3A_106, %swap3A_107] : memref<2048x1xf32, #tpu.memory_space<vmem>>, vector<128x1xf32>
    tpu.vector_store %arg3[%swap3A_106, %swap3A_107], %slice3A_105 {strides = array<i32>} : memref<2048x1xf32, #tpu.memory_space<vmem>>, vector<128x1xf32>,
    %get3A_109 = arith.constant 1024 : index
    %get3A_110 = arith.constant 0 : index
    %get3A_111 = vector.load %arg1[%get3A_109, %get3A_110] : memref<2048x128xf32, #tpu.memory_space<vmem>>, vector<128x128xf32>
    %mul3A_112 = vector.broadcast %slice3A_105 : vector<128x1xf32> to vector<128x128xf32>
    %mul3A_113 = arith.mulf %get3A_111, %mul3A_112 : vector<128x128xf32>
    %swap3A_114 = arith.constant 1024 : index
    %swap3A_115 = arith.constant 0 : index
    %swap3A_116 = vector.load %arg4[%swap3A_114, %swap3A_115] : memref<2048x128xf32, #tpu.memory_space<vmem>>, vector<128x128xf32>
    tpu.vector_store %arg4[%swap3A_114, %swap3A_115], %mul3A_113 {strides = array<i32>} : memref<2048x128xf32, #tpu.memory_space<vmem>>, vector<128x128xf32>,
    %slice3A_117 = vector.extract_strided_slice %transpose3A {offsets = [0, 9], sizes = [128, 1], strides = [1, 1]} : vector<128x16xf32> to vector<128x1xf32>
    %swap3A_118 = arith.constant 1152 : index
    %swap3A_119 = arith.constant 0 : index
    %swap3A_120 = vector.load %arg3[%swap3A_118, %swap3A_119] : memref<2048x1xf32, #tpu.memory_space<vmem>>, vector<128x1xf32>
    tpu.vector_store %arg3[%swap3A_118, %swap3A_119], %slice3A_117 {strides = array<i32>} : memref<2048x1xf32, #tpu.memory_space<vmem>>, vector<128x1xf32>,
    %get3A_121 = arith.constant 1152 : index
    %get3A_122 = arith.constant 0 : index
    %get3A_123 = vector.load %arg1[%get3A_121, %get3A_122] : memref<2048x128xf32, #tpu.memory_space<vmem>>, vector<128x128xf32>
    %mul3A_124 = vector.broadcast %slice3A_117 : vector<128x1xf32> to vector<128x128xf32>
    %mul3A_125 = arith.mulf %get3A_123, %mul3A_124 : vector<128x128xf32>
    %swap3A_126 = arith.constant 1152 : index
    %swap3A_127 = arith.constant 0 : index
    %swap3A_128 = vector.load %arg4[%swap3A_126, %swap3A_127] : memref<2048x128xf32, #tpu.memory_space<vmem>>, vector<128x128xf32>
    tpu.vector_store %arg4[%swap3A_126, %swap3A_127], %mul3A_125 {strides = array<i32>} : memref<2048x128xf32, #tpu.memory_space<vmem>>, vector<128x128xf32>,
    %slice3A_129 = vector.extract_strided_slice %transpose3A {offsets = [0, 10], sizes = [128, 1], strides = [1, 1]} : vector<128x16xf32> to vector<128x1xf32>
    %swap3A_130 = arith.constant 1280 : index
    %swap3A_131 = arith.constant 0 : index
    %swap3A_132 = vector.load %arg3[%swap3A_130, %swap3A_131] : memref<2048x1xf32, #tpu.memory_space<vmem>>, vector<128x1xf32>
    tpu.vector_store %arg3[%swap3A_130, %swap3A_131], %slice3A_129 {strides = array<i32>} : memref<2048x1xf32, #tpu.memory_space<vmem>>, vector<128x1xf32>,
    %get3A_133 = arith.constant 1280 : index
    %get3A_134 = arith.constant 0 : index
    %get3A_135 = vector.load %arg1[%get3A_133, %get3A_134] : memref<2048x128xf32, #tpu.memory_space<vmem>>, vector<128x128xf32>
    %mul3A_136 = vector.broadcast %slice3A_129 : vector<128x1xf32> to vector<128x128xf32>
    %mul3A_137 = arith.mulf %get3A_135, %mul3A_136 : vector<128x128xf32>
    %swap3A_138 = arith.constant 1280 : index
    %swap3A_139 = arith.constant 0 : index
    %swap3A_140 = vector.load %arg4[%swap3A_138, %swap3A_139] : memref<2048x128xf32, #tpu.memory_space<vmem>>, vector<128x128xf32>
    tpu.vector_store %arg4[%swap3A_138, %swap3A_139], %mul3A_137 {strides = array<i32>} : memref<2048x128xf32, #tpu.memory_space<vmem>>, vector<128x128xf32>,
    %slice3A_141 = vector.extract_strided_slice %transpose3A {offsets = [0, 11], sizes = [128, 1], strides = [1, 1]} : vector<128x16xf32> to vector<128x1xf32>
    %swap3A_142 = arith.constant 1408 : index
    %swap3A_143 = arith.constant 0 : index
    %swap3A_144 = vector.load %arg3[%swap3A_142, %swap3A_143] : memref<2048x1xf32, #tpu.memory_space<vmem>>, vector<128x1xf32>
    tpu.vector_store %arg3[%swap3A_142, %swap3A_143], %slice3A_141 {strides = array<i32>} : memref<2048x1xf32, #tpu.memory_space<vmem>>, vector<128x1xf32>,
    %get3A_145 = arith.constant 1408 : index
    %get3A_146 = arith.constant 0 : index
    %get3A_147 = vector.load %arg1[%get3A_145, %get3A_146] : memref<2048x128xf32, #tpu.memory_space<vmem>>, vector<128x128xf32>
    %mul3A_148 = vector.broadcast %slice3A_141 : vector<128x1xf32> to vector<128x128xf32>
    %mul3A_149 = arith.mulf %get3A_147, %mul3A_148 : vector<128x128xf32>
    %swap3A_150 = arith.constant 1408 : index
    %swap3A_151 = arith.constant 0 : index
    %swap3A_152 = vector.load %arg4[%swap3A_150, %swap3A_151] : memref<2048x128xf32, #tpu.memory_space<vmem>>, vector<128x128xf32>
    tpu.vector_store %arg4[%swap3A_150, %swap3A_151], %mul3A_149 {strides = array<i32>} : memref<2048x128xf32, #tpu.memory_space<vmem>>, vector<128x128xf32>,
    %slice3A_153 = vector.extract_strided_slice %transpose3A {offsets = [0, 12], sizes = [128, 1], strides = [1, 1]} : vector<128x16xf32> to vector<128x1xf32>
    %swap3A_154 = arith.constant 1536 : index
    %swap3A_155 = arith.constant 0 : index
    %swap3A_156 = vector.load %arg3[%swap3A_154, %swap3A_155] : memref<2048x1xf32, #tpu.memory_space<vmem>>, vector<128x1xf32>
    tpu.vector_store %arg3[%swap3A_154, %swap3A_155], %slice3A_153 {strides = array<i32>} : memref<2048x1xf32, #tpu.memory_space<vmem>>, vector<128x1xf32>,
    %get3A_157 = arith.constant 1536 : index
    %get3A_158 = arith.constant 0 : index
    %get3A_159 = vector.load %arg1[%get3A_157, %get3A_158] : memref<2048x128xf32, #tpu.memory_space<vmem>>, vector<128x128xf32>
    %mul3A_160 = vector.broadcast %slice3A_153 : vector<128x1xf32> to vector<128x128xf32>
    %mul3A_161 = arith.mulf %get3A_159, %mul3A_160 : vector<128x128xf32>
    %swap3A_162 = arith.constant 1536 : index
    %swap3A_163 = arith.constant 0 : index
    %swap3A_164 = vector.load %arg4[%swap3A_162, %swap3A_163] : memref<2048x128xf32, #tpu.memory_space<vmem>>, vector<128x128xf32>
    tpu.vector_store %arg4[%swap3A_162, %swap3A_163], %mul3A_161 {strides = array<i32>} : memref<2048x128xf32, #tpu.memory_space<vmem>>, vector<128x128xf32>,
    %slice3A_165 = vector.extract_strided_slice %transpose3A {offsets = [0, 13], sizes = [128, 1], strides = [1, 1]} : vector<128x16xf32> to vector<128x1xf32>
    %swap3A_166 = arith.constant 1664 : index
    %swap3A_167 = arith.constant 0 : index
    %swap3A_168 = vector.load %arg3[%swap3A_166, %swap3A_167] : memref<2048x1xf32, #tpu.memory_space<vmem>>, vector<128x1xf32>
    tpu.vector_store %arg3[%swap3A_166, %swap3A_167], %slice3A_165 {strides = array<i32>} : memref<2048x1xf32, #tpu.memory_space<vmem>>, vector<128x1xf32>,
    %get3A_169 = arith.constant 1664 : index
    %get3A_170 = arith.constant 0 : index
    %get3A_171 = vector.load %arg1[%get3A_169, %get3A_170] : memref<2048x128xf32, #tpu.memory_space<vmem>>, vector<128x128xf32>
    %mul3A_172 = vector.broadcast %slice3A_165 : vector<128x1xf32> to vector<128x128xf32>
    %mul3A_173 = arith.mulf %get3A_171, %mul3A_172 : vector<128x128xf32>
    %swap3A_174 = arith.constant 1664 : index
    %swap3A_175 = arith.constant 0 : index
    %swap3A_176 = vector.load %arg4[%swap3A_174, %swap3A_175] : memref<2048x128xf32, #tpu.memory_space<vmem>>, vector<128x128xf32>
    tpu.vector_store %arg4[%swap3A_174, %swap3A_175], %mul3A_173 {strides = array<i32>} : memref<2048x128xf32, #tpu.memory_space<vmem>>, vector<128x128xf32>,
    %slice3A_177 = vector.extract_strided_slice %transpose3A {offsets = [0, 14], sizes = [128, 1], strides = [1, 1]} : vector<128x16xf32> to vector<128x1xf32>
    %swap3A_178 = arith.constant 1792 : index
    %swap3A_179 = arith.constant 0 : index
    %swap3A_180 = vector.load %arg3[%swap3A_178, %swap3A_179] : memref<2048x1xf32, #tpu.memory_space<vmem>>, vector<128x1xf32>
    tpu.vector_store %arg3[%swap3A_178, %swap3A_179], %slice3A_177 {strides = array<i32>} : memref<2048x1xf32, #tpu.memory_space<vmem>>, vector<128x1xf32>,
    %get3A_181 = arith.constant 1792 : index
    %get3A_182 = arith.constant 0 : index
    %get3A_183 = vector.load %arg1[%get3A_181, %get3A_182] : memref<2048x128xf32, #tpu.memory_space<vmem>>, vector<128x128xf32>
    %mul3A_184 = vector.broadcast %slice3A_177 : vector<128x1xf32> to vector<128x128xf32>
    %mul3A_185 = arith.mulf %get3A_183, %mul3A_184 : vector<128x128xf32>
    %swap3A_186 = arith.constant 1792 : index
    %swap3A_187 = arith.constant 0 : index
    %swap3A_188 = vector.load %arg4[%swap3A_186, %swap3A_187] : memref<2048x128xf32, #tpu.memory_space<vmem>>, vector<128x128xf32>
    tpu.vector_store %arg4[%swap3A_186, %swap3A_187], %mul3A_185 {strides = array<i32>} : memref<2048x128xf32, #tpu.memory_space<vmem>>, vector<128x128xf32>,
    %slice3A_189 = vector.extract_strided_slice %transpose3A {offsets = [0, 15], sizes = [128, 1], strides = [1, 1]} : vector<128x16xf32> to vector<128x1xf32>
    %swap3A_190 = arith.constant 1920 : index
    %swap3A_191 = arith.constant 0 : index
    %swap3A_192 = vector.load %arg3[%swap3A_190, %swap3A_191] : memref<2048x1xf32, #tpu.memory_space<vmem>>, vector<128x1xf32>
    tpu.vector_store %arg3[%swap3A_190, %swap3A_191], %slice3A_189 {strides = array<i32>} : memref<2048x1xf32, #tpu.memory_space<vmem>>, vector<128x1xf32>,
    %get3A_193 = arith.constant 1920 : index
    %get3A_194 = arith.constant 0 : index
    %get3A_195 = vector.load %arg1[%get3A_193, %get3A_194] : memref<2048x128xf32, #tpu.memory_space<vmem>>, vector<128x128xf32>
    %mul3A_196 = vector.broadcast %slice3A_189 : vector<128x1xf32> to vector<128x128xf32>
    %mul3A_197 = arith.mulf %get3A_195, %mul3A_196 : vector<128x128xf32>
    %swap3A_198 = arith.constant 1920 : index
    %swap3A_199 = arith.constant 0 : index
    %swap3A_200 = vector.load %arg4[%swap3A_198, %swap3A_199] : memref<2048x128xf32, #tpu.memory_space<vmem>>, vector<128x128xf32>
    tpu.vector_store %arg4[%swap3A_198, %swap3A_199], %mul3A_197 {strides = array<i32>} : memref<2048x128xf32, #tpu.memory_space<vmem>>, vector<128x128xf32>,
    return
  }
  func.func @transform_0(%arg0: i32) -> (i32, i32) {
    %c0_i32 = arith.constant 0 : i32
    %c0_i32_0 = arith.constant 0 : i32
    return %arg0, %c0_i32 : i32, i32
  }
  func.func @transform_1(%arg0: i32) -> (i32, i32, i32) {
    %c0_i32 = arith.constant 0 : i32
    %c0_i32_0 = arith.constant 0 : i32
    %c0_i32_1 = arith.constant 0 : i32
    return %c0_i32, %arg0, %c0_i32_0 : i32, i32, i32
  }
  func.func @transform_2(%arg0: i32) -> (i32, i32) {
    %c0_i32 = arith.constant 0 : i32
    %c0_i32_0 = arith.constant 0 : i32
    return %arg0, %c0_i32 : i32, i32
  }
  func.func @transform_3(%arg0: i32) -> (i32, i32) {
    %c0_i32 = arith.constant 0 : i32
    %c0_i32_0 = arith.constant 0 : i32
    return %arg0, %c0_i32 : i32, i32
  }
}

module attributes {stable_mosaic.version = 14 : i64} {
  func.func @_layer_body(%arg0: i32, %arg1: memref<2x2048x128xf32, #tpu.memory_space<vmem>>, %arg2: memref<2048x128xf32, #tpu.memory_space<vmem>>, %arg3: memref<2048x1xf32, #tpu.memory_space<vmem>>, %arg4: memref<128x128xf32, #tpu.memory_space<vmem>>, %arg5: memref<1x128xf32, #tpu.memory_space<vmem>>, %arg6: memref<1x128xf32, #tpu.memory_space<vmem>>, %arg7: memref<1x128xf32, #tpu.memory_space<vmem>>, %arg8: memref<2048x128xf32, #tpu.memory_space<vmem>>, %arg9: memref<2048x128xf32, #tpu.memory_space<vmem>>) attributes {dimension_semantics = [#tpu.dimension_semantics<arbitrary>], iteration_bounds = array<i64: 5>, scalar_prefetch = 0 : i64, scratch_operands = 0 : i64, tpu.core_type = #tpu.core_type<tc>, window_params = [{transform_indices = @transform_0, window_bounds = array<i64: 2, 2048, 128>}, {transform_indices = @transform_1, window_bounds = array<i64: 2048, 128>}, {transform_indices = @transform_2, window_bounds = array<i64: 2048, 1>}, {pipeline_mode = #tpu.pipeline_mode<synchronous>, transform_indices = @transform_3, window_bounds = array<i64: 128, 128>}, {pipeline_mode = #tpu.pipeline_mode<synchronous>, transform_indices = @transform_4, window_bounds = array<i64: 1, 128>}, {pipeline_mode = #tpu.pipeline_mode<synchronous>, transform_indices = @transform_5, window_bounds = array<i64: 1, 128>}, {pipeline_mode = #tpu.pipeline_mode<synchronous>, transform_indices = @transform_6, window_bounds = array<i64: 1, 128>}, {transform_indices = @transform_7, window_bounds = array<i64: 2048, 128>}, {transform_indices = @transform_8, window_bounds = array<i64: 2048, 128>}]} {
    %get3A = arith.constant 0 : index
    %get3A_0 = arith.constant 0 : index
    %get3A_1 = vector.load %arg3[%get3A, %get3A_0] : memref<2048x1xf32, #tpu.memory_space<vmem>>, vector<2048x1xf32>
    %get3A_2 = arith.constant 0 : index
    %get3A_3 = arith.constant 0 : index
    %get3A_4 = vector.load %arg2[%get3A_2, %get3A_3] : memref<2048x128xf32, #tpu.memory_space<vmem>>, vector<2048x128xf32>
    %get3A_5 = arith.constant 0 : index
    %get3A_6 = arith.constant 0 : index
    %get3A_7 = arith.constant 0 : index
    %get3A_8 = vector.load %arg1[%get3A_5, %get3A_6, %get3A_7] : memref<2x2048x128xf32, #tpu.memory_space<vmem>>, vector<1x2048x128xf32>
    %get3A_9 = vector.shape_cast %get3A_8 : vector<1x2048x128xf32> to vector<2048x128xf32>
    %get3A_10 = arith.constant 1 : index
    %get3A_11 = arith.constant 0 : index
    %get3A_12 = arith.constant 0 : index
    %get3A_13 = vector.load %arg1[%get3A_10, %get3A_11, %get3A_12] : memref<2x2048x128xf32, #tpu.memory_space<vmem>>, vector<1x2048x128xf32>
    %get3A_14 = vector.shape_cast %get3A_13 : vector<1x2048x128xf32> to vector<2048x128xf32>
    %add3A = arith.addf %get3A_9, %get3A_14 : vector<2048x128xf32>
    %mul3A = vector.broadcast %get3A_1 : vector<2048x1xf32> to vector<2048x128xf32>
    %mul3A_15 = arith.mulf %get3A_4, %mul3A : vector<2048x128xf32>
    %add3A_16 = arith.addf %add3A, %mul3A_15 : vector<2048x128xf32>
    %mul3A_17 = vector.broadcast %get3A_1 : vector<2048x1xf32> to vector<2048x128xf32>
    %mul3A_18 = arith.mulf %add3A_16, %mul3A_17 : vector<2048x128xf32>
    %get3A_19 = arith.constant 0 : index
    %get3A_20 = arith.constant 0 : index
    %get3A_21 = vector.load %arg4[%get3A_19, %get3A_20] : memref<128x128xf32, #tpu.memory_space<vmem>>, vector<128x128xf32>
    %dot_general3A = arith.constant dense<0.000000e+00> : vector<2048x128xf32>
    %dot_general3A_22 = tpu.matmul %mul3A_18, %get3A_21, %dot_general3A {dimension_numbers = #tpu.dot_dimension_numbers<[1], [1], [0], [0], [0, 0, 1, 0], [], []>, transpose_lhs_hint = false} : vector<2048x128xf32>, vector<128x128xf32>, vector<2048x128xf32> -> vector<2048x128xf32>
    %get3A_23 = arith.constant 0 : index
    %get3A_24 = arith.constant 0 : index
    %get3A_25 = vector.load %arg5[%get3A_23, %get3A_24] : memref<1x128xf32, #tpu.memory_space<vmem>>, vector<1x128xf32>
    %add3A_26 = vector.broadcast %get3A_25 : vector<1x128xf32> to vector<2048x128xf32>
    %add3A_27 = arith.addf %dot_general3A_22, %add3A_26 : vector<2048x128xf32>
    %max3A = arith.constant 0.000000e+00 : f32
    %max3A_28 = vector.broadcast %max3A : f32 to vector<2048x128xf32>
    %max3A_29 = arith.maximumf %add3A_27, %max3A_28 : vector<2048x128xf32>
    %get3A_30 = arith.constant 0 : index
    %get3A_31 = arith.constant 0 : index
    %get3A_32 = vector.load %arg6[%get3A_30, %get3A_31] : memref<1x128xf32, #tpu.memory_space<vmem>>, vector<1x128xf32>
    %get3A_33 = arith.constant 0 : index
    %get3A_34 = arith.constant 0 : index
    %get3A_35 = vector.load %arg7[%get3A_33, %get3A_34] : memref<1x128xf32, #tpu.memory_space<vmem>>, vector<1x128xf32>
    %reduce_sum3A = arith.constant dense<0.000000e+00> : vector<2048xf32>
    %reduce_sum3A_36 = vector.multi_reduction <add>, %max3A_29, %reduce_sum3A [1] : vector<2048x128xf32> to vector<2048xf32>
    %broadcast_in_dim3A = vector.shape_cast %reduce_sum3A_36 : vector<2048xf32> to vector<2048x1xf32>
    %div3A = arith.constant 1.280000e+02 : f32
    %div3A_37 = vector.broadcast %div3A : f32 to vector<2048x1xf32>
    %div3A_38 = arith.divf %broadcast_in_dim3A, %div3A_37 : vector<2048x1xf32>
    %sub3A = vector.broadcast %div3A_38 : vector<2048x1xf32> to vector<2048x128xf32>
    %sub3A_39 = arith.subf %max3A_29, %sub3A : vector<2048x128xf32>
    %integer_pow3A = arith.mulf %sub3A_39, %sub3A_39 : vector<2048x128xf32>
    %reduce_sum3A_40 = arith.constant dense<0.000000e+00> : vector<2048xf32>
    %reduce_sum3A_41 = vector.multi_reduction <add>, %integer_pow3A, %reduce_sum3A_40 [1] : vector<2048x128xf32> to vector<2048xf32>
    %broadcast_in_dim3A_42 = vector.shape_cast %reduce_sum3A_41 : vector<2048xf32> to vector<2048x1xf32>
    %div3A_43 = arith.constant 1.280000e+02 : f32
    %div3A_44 = vector.broadcast %div3A_43 : f32 to vector<2048x1xf32>
    %div3A_45 = arith.divf %broadcast_in_dim3A_42, %div3A_44 : vector<2048x1xf32>
    %sub3A_46 = vector.broadcast %div3A_38 : vector<2048x1xf32> to vector<2048x128xf32>
    %sub3A_47 = arith.subf %max3A_29, %sub3A_46 : vector<2048x128xf32>
    %add3A_48 = arith.constant 9.99999974E-6 : f32
    %add3A_49 = vector.broadcast %add3A_48 : f32 to vector<2048x1xf32>
    %add3A_50 = arith.addf %div3A_45, %add3A_49 : vector<2048x1xf32>
    %rsqrt3A = math.rsqrt %add3A_50 : vector<2048x1xf32>
    %mul3A_51 = vector.broadcast %rsqrt3A : vector<2048x1xf32> to vector<2048x128xf32>
    %mul3A_52 = arith.mulf %sub3A_47, %mul3A_51 : vector<2048x128xf32>
    %mul3A_53 = vector.broadcast %get3A_32 : vector<1x128xf32> to vector<2048x128xf32>
    %mul3A_54 = arith.mulf %mul3A_52, %mul3A_53 : vector<2048x128xf32>
    %add3A_55 = vector.broadcast %get3A_35 : vector<1x128xf32> to vector<2048x128xf32>
    %add3A_56 = arith.addf %mul3A_54, %add3A_55 : vector<2048x128xf32>
    %add3A_57 = arith.addf %get3A_4, %add3A_56 : vector<2048x128xf32>
    %swap3A = arith.constant 0 : index
    %swap3A_58 = arith.constant 0 : index
    %swap3A_59 = vector.load %arg8[%swap3A, %swap3A_58] : memref<2048x128xf32, #tpu.memory_space<vmem>>, vector<2048x128xf32>
    tpu.vector_store %arg8[%swap3A, %swap3A_58], %add3A_57 {strides = array<i32>} : memref<2048x128xf32, #tpu.memory_space<vmem>>, vector<2048x128xf32>,
    %mul3A_60 = vector.broadcast %get3A_1 : vector<2048x1xf32> to vector<2048x128xf32>
    %mul3A_61 = arith.mulf %add3A_57, %mul3A_60 : vector<2048x128xf32>
    %swap3A_62 = arith.constant 0 : index
    %swap3A_63 = arith.constant 0 : index
    %swap3A_64 = vector.load %arg9[%swap3A_62, %swap3A_63] : memref<2048x128xf32, #tpu.memory_space<vmem>>, vector<2048x128xf32>
    tpu.vector_store %arg9[%swap3A_62, %swap3A_63], %mul3A_61 {strides = array<i32>} : memref<2048x128xf32, #tpu.memory_space<vmem>>, vector<2048x128xf32>,
    return
  }
  func.func @transform_0(%arg0: i32) -> (i32, i32, i32) {
    %c0_i32 = arith.constant 0 : i32
    %c0_i32_0 = arith.constant 0 : i32
    %c0_i32_1 = arith.constant 0 : i32
    return %c0_i32, %arg0, %c0_i32_0 : i32, i32, i32
  }
  func.func @transform_1(%arg0: i32) -> (i32, i32) {
    %c0_i32 = arith.constant 0 : i32
    %c0_i32_0 = arith.constant 0 : i32
    return %arg0, %c0_i32 : i32, i32
  }
  func.func @transform_2(%arg0: i32) -> (i32, i32) {
    %c0_i32 = arith.constant 0 : i32
    %c0_i32_0 = arith.constant 0 : i32
    return %arg0, %c0_i32 : i32, i32
  }
  func.func @transform_3(%arg0: i32) -> (i32, i32) {
    %c0_i32 = arith.constant 0 : i32
    %c0_i32_0 = arith.constant 0 : i32
    %c0_i32_1 = arith.constant 0 : i32
    return %c0_i32, %c0_i32_0 : i32, i32
  }
  func.func @transform_4(%arg0: i32) -> (i32, i32) {
    %c0_i32 = arith.constant 0 : i32
    %c0_i32_0 = arith.constant 0 : i32
    %c0_i32_1 = arith.constant 0 : i32
    return %c0_i32, %c0_i32_0 : i32, i32
  }
  func.func @transform_5(%arg0: i32) -> (i32, i32) {
    %c0_i32 = arith.constant 0 : i32
    %c0_i32_0 = arith.constant 0 : i32
    %c0_i32_1 = arith.constant 0 : i32
    return %c0_i32, %c0_i32_0 : i32, i32
  }
  func.func @transform_6(%arg0: i32) -> (i32, i32) {
    %c0_i32 = arith.constant 0 : i32
    %c0_i32_0 = arith.constant 0 : i32
    %c0_i32_1 = arith.constant 0 : i32
    return %c0_i32, %c0_i32_0 : i32, i32
  }
  func.func @transform_7(%arg0: i32) -> (i32, i32) {
    %c0_i32 = arith.constant 0 : i32
    %c0_i32_0 = arith.constant 0 : i32
    return %arg0, %c0_i32 : i32, i32
  }
  func.func @transform_8(%arg0: i32) -> (i32, i32) {
    %c0_i32 = arith.constant 0 : i32
    %c0_i32_0 = arith.constant 0 : i32
    return %arg0, %c0_i32 : i32, i32
  }
}

module attributes {stable_mosaic.version = 14 : i64} {
  func.func @_final_body(%arg0: i32, %arg1: memref<2x2048x128xf32, #tpu.memory_space<vmem>>, %arg2: memref<2048x128xf32, #tpu.memory_space<vmem>>, %arg3: memref<2048x128xf32, #tpu.memory_space<vmem>>, %arg4: memref<2048x1xf32, #tpu.memory_space<vmem>>, %arg5: memref<128x128xf32, #tpu.memory_space<vmem>>, %arg6: memref<1x128xf32, #tpu.memory_space<vmem>>, %arg7: memref<1x128xf32, #tpu.memory_space<vmem>>, %arg8: memref<1x128xf32, #tpu.memory_space<vmem>>, %arg9: memref<128x128xf32, #tpu.memory_space<vmem>>, %arg10: memref<128x128xf32, #tpu.memory_space<vmem>>, %arg11: memref<128x128xf32, #tpu.memory_space<vmem>>, %arg12: memref<128x128xf32, #tpu.memory_space<vmem>>, %arg13: memref<1x128xf32, #tpu.memory_space<vmem>>, %arg14: memref<2048x128xf32, #tpu.memory_space<vmem>>) attributes {dimension_semantics = [#tpu.dimension_semantics<arbitrary>], iteration_bounds = array<i64: 5>, scalar_prefetch = 0 : i64, scratch_operands = 0 : i64, tpu.core_type = #tpu.core_type<tc>, window_params = [{transform_indices = @transform_0, window_bounds = array<i64: 2, 2048, 128>}, {transform_indices = @transform_1, window_bounds = array<i64: 2048, 128>}, {transform_indices = @transform_2, window_bounds = array<i64: 2048, 128>}, {transform_indices = @transform_3, window_bounds = array<i64: 2048, 1>}, {pipeline_mode = #tpu.pipeline_mode<synchronous>, transform_indices = @transform_4, window_bounds = array<i64: 128, 128>}, {pipeline_mode = #tpu.pipeline_mode<synchronous>, transform_indices = @transform_5, window_bounds = array<i64: 1, 128>}, {pipeline_mode = #tpu.pipeline_mode<synchronous>, transform_indices = @transform_6, window_bounds = array<i64: 1, 128>}, {pipeline_mode = #tpu.pipeline_mode<synchronous>, transform_indices = @transform_7, window_bounds = array<i64: 1, 128>}, {pipeline_mode = #tpu.pipeline_mode<synchronous>, transform_indices = @transform_8, window_bounds = array<i64: 128, 128>}, {pipeline_mode = #tpu.pipeline_mode<synchronous>, transform_indices = @transform_9, window_bounds = array<i64: 128, 128>}, {pipeline_mode = #tpu.pipeline_mode<synchronous>, transform_indices = @transform_10, window_bounds = array<i64: 128, 128>}, {pipeline_mode = #tpu.pipeline_mode<synchronous>, transform_indices = @transform_11, window_bounds = array<i64: 128, 128>}, {pipeline_mode = #tpu.pipeline_mode<synchronous>, transform_indices = @transform_12, window_bounds = array<i64: 1, 128>}, {transform_indices = @transform_13, window_bounds = array<i64: 2048, 128>}]} {
    %get3A = arith.constant 0 : index
    %get3A_0 = arith.constant 0 : index
    %get3A_1 = vector.load %arg4[%get3A, %get3A_0] : memref<2048x1xf32, #tpu.memory_space<vmem>>, vector<2048x1xf32>
    %get3A_2 = arith.constant 0 : index
    %get3A_3 = arith.constant 0 : index
    %get3A_4 = vector.load %arg3[%get3A_2, %get3A_3] : memref<2048x128xf32, #tpu.memory_space<vmem>>, vector<2048x128xf32>
    %get3A_5 = arith.constant 0 : index
    %get3A_6 = arith.constant 0 : index
    %get3A_7 = vector.load %arg7[%get3A_5, %get3A_6] : memref<1x128xf32, #tpu.memory_space<vmem>>, vector<1x128xf32>
    %get3A_8 = arith.constant 0 : index
    %get3A_9 = arith.constant 0 : index
    %get3A_10 = vector.load %arg8[%get3A_8, %get3A_9] : memref<1x128xf32, #tpu.memory_space<vmem>>, vector<1x128xf32>
    %get3A_11 = arith.constant 0 : index
    %get3A_12 = arith.constant 0 : index
    %get3A_13 = arith.constant 0 : index
    %get3A_14 = vector.load %arg1[%get3A_11, %get3A_12, %get3A_13] : memref<2x2048x128xf32, #tpu.memory_space<vmem>>, vector<1x2048x128xf32>
    %get3A_15 = vector.shape_cast %get3A_14 : vector<1x2048x128xf32> to vector<2048x128xf32>
    %get3A_16 = arith.constant 1 : index
    %get3A_17 = arith.constant 0 : index
    %get3A_18 = arith.constant 0 : index
    %get3A_19 = vector.load %arg1[%get3A_16, %get3A_17, %get3A_18] : memref<2x2048x128xf32, #tpu.memory_space<vmem>>, vector<1x2048x128xf32>
    %get3A_20 = vector.shape_cast %get3A_19 : vector<1x2048x128xf32> to vector<2048x128xf32>
    %add3A = arith.addf %get3A_15, %get3A_20 : vector<2048x128xf32>
    %mul3A = vector.broadcast %get3A_1 : vector<2048x1xf32> to vector<2048x128xf32>
    %mul3A_21 = arith.mulf %get3A_4, %mul3A : vector<2048x128xf32>
    %add3A_22 = arith.addf %add3A, %mul3A_21 : vector<2048x128xf32>
    %mul3A_23 = vector.broadcast %get3A_1 : vector<2048x1xf32> to vector<2048x128xf32>
    %mul3A_24 = arith.mulf %add3A_22, %mul3A_23 : vector<2048x128xf32>
    %get3A_25 = arith.constant 0 : index
    %get3A_26 = arith.constant 0 : index
    %get3A_27 = vector.load %arg5[%get3A_25, %get3A_26] : memref<128x128xf32, #tpu.memory_space<vmem>>, vector<128x128xf32>
    %dot_general3A = arith.constant dense<0.000000e+00> : vector<2048x128xf32>
    %dot_general3A_28 = tpu.matmul %mul3A_24, %get3A_27, %dot_general3A {dimension_numbers = #tpu.dot_dimension_numbers<[1], [1], [0], [0], [0, 0, 1, 0], [], []>, transpose_lhs_hint = false} : vector<2048x128xf32>, vector<128x128xf32>, vector<2048x128xf32> -> vector<2048x128xf32>
    %get3A_29 = arith.constant 0 : index
    %get3A_30 = arith.constant 0 : index
    %get3A_31 = vector.load %arg6[%get3A_29, %get3A_30] : memref<1x128xf32, #tpu.memory_space<vmem>>, vector<1x128xf32>
    %add3A_32 = vector.broadcast %get3A_31 : vector<1x128xf32> to vector<2048x128xf32>
    %add3A_33 = arith.addf %dot_general3A_28, %add3A_32 : vector<2048x128xf32>
    %max3A = arith.constant 0.000000e+00 : f32
    %max3A_34 = vector.broadcast %max3A : f32 to vector<2048x128xf32>
    %max3A_35 = arith.maximumf %add3A_33, %max3A_34 : vector<2048x128xf32>
    %reduce_sum3A = arith.constant dense<0.000000e+00> : vector<2048xf32>
    %reduce_sum3A_36 = vector.multi_reduction <add>, %max3A_35, %reduce_sum3A [1] : vector<2048x128xf32> to vector<2048xf32>
    %broadcast_in_dim3A = vector.shape_cast %reduce_sum3A_36 : vector<2048xf32> to vector<2048x1xf32>
    %div3A = arith.constant 1.280000e+02 : f32
    %div3A_37 = vector.broadcast %div3A : f32 to vector<2048x1xf32>
    %div3A_38 = arith.divf %broadcast_in_dim3A, %div3A_37 : vector<2048x1xf32>
    %sub3A = vector.broadcast %div3A_38 : vector<2048x1xf32> to vector<2048x128xf32>
    %sub3A_39 = arith.subf %max3A_35, %sub3A : vector<2048x128xf32>
    %integer_pow3A = arith.mulf %sub3A_39, %sub3A_39 : vector<2048x128xf32>
    %reduce_sum3A_40 = arith.constant dense<0.000000e+00> : vector<2048xf32>
    %reduce_sum3A_41 = vector.multi_reduction <add>, %integer_pow3A, %reduce_sum3A_40 [1] : vector<2048x128xf32> to vector<2048xf32>
    %broadcast_in_dim3A_42 = vector.shape_cast %reduce_sum3A_41 : vector<2048xf32> to vector<2048x1xf32>
    %div3A_43 = arith.constant 1.280000e+02 : f32
    %div3A_44 = vector.broadcast %div3A_43 : f32 to vector<2048x1xf32>
    %div3A_45 = arith.divf %broadcast_in_dim3A_42, %div3A_44 : vector<2048x1xf32>
    %sub3A_46 = vector.broadcast %div3A_38 : vector<2048x1xf32> to vector<2048x128xf32>
    %sub3A_47 = arith.subf %max3A_35, %sub3A_46 : vector<2048x128xf32>
    %add3A_48 = arith.constant 9.99999974E-6 : f32
    %add3A_49 = vector.broadcast %add3A_48 : f32 to vector<2048x1xf32>
    %add3A_50 = arith.addf %div3A_45, %add3A_49 : vector<2048x1xf32>
    %rsqrt3A = math.rsqrt %add3A_50 : vector<2048x1xf32>
    %mul3A_51 = vector.broadcast %rsqrt3A : vector<2048x1xf32> to vector<2048x128xf32>
    %mul3A_52 = arith.mulf %sub3A_47, %mul3A_51 : vector<2048x128xf32>
    %mul3A_53 = vector.broadcast %get3A_7 : vector<1x128xf32> to vector<2048x128xf32>
    %mul3A_54 = arith.mulf %mul3A_52, %mul3A_53 : vector<2048x128xf32>
    %add3A_55 = vector.broadcast %get3A_10 : vector<1x128xf32> to vector<2048x128xf32>
    %add3A_56 = arith.addf %mul3A_54, %add3A_55 : vector<2048x128xf32>
    %add3A_57 = arith.addf %get3A_4, %add3A_56 : vector<2048x128xf32>
    %get3A_58 = arith.constant 0 : index
    %get3A_59 = arith.constant 0 : index
    %get3A_60 = vector.load %arg2[%get3A_58, %get3A_59] : memref<2048x128xf32, #tpu.memory_space<vmem>>, vector<2048x128xf32>
    %get3A_61 = arith.constant 0 : index
    %get3A_62 = arith.constant 0 : index
    %get3A_63 = vector.load %arg9[%get3A_61, %get3A_62] : memref<128x128xf32, #tpu.memory_space<vmem>>, vector<128x128xf32>
    %dot_general3A_64 = arith.constant dense<0.000000e+00> : vector<2048x128xf32>
    %dot_general3A_65 = tpu.matmul %add3A_57, %get3A_63, %dot_general3A_64 {dimension_numbers = #tpu.dot_dimension_numbers<[1], [1], [0], [0], [0, 0, 1, 0], [], []>, transpose_lhs_hint = false} : vector<2048x128xf32>, vector<128x128xf32>, vector<2048x128xf32> -> vector<2048x128xf32>
    %iota3A = tpu.iota {dimensions = array<i32: 0>} : vector<128x128xi32>
    %jit3A = arith.constant 16 : i32
    %div3A_66 = vector.broadcast %jit3A : i32 to vector<128x128xi32>
    %div3A_67 = arith.divsi %iota3A, %div3A_66 : vector<128x128xi32>
    %sign3A = arith.constant 0 : i32
    %sign3A_68 = vector.broadcast %sign3A : i32 to vector<128x128xi32>
    %sign3A_69 = arith.cmpi sgt, %iota3A, %sign3A_68 : vector<128x128xi32>
    %sign3A_70 = arith.extui %sign3A_69 : vector<128x128xi1> to vector<128x128xi32>
    %sign3A_71 = arith.constant 0 : i32
    %sign3A_72 = vector.broadcast %sign3A_71 : i32 to vector<128x128xi32>
    %sign3A_73 = arith.cmpi slt, %iota3A, %sign3A_72 : vector<128x128xi32>
    %sign3A_74 = arith.extui %sign3A_73 : vector<128x128xi1> to vector<128x128xi32>
    %sign3A_75 = arith.subi %sign3A_70, %sign3A_74 : vector<128x128xi32>
    %sign3A_76 = arith.constant 0 : i32
    %sign3A_77 = arith.cmpi sgt, %jit3A, %sign3A_76 : i32
    %sign3A_78 = arith.extui %sign3A_77 : i1 to i32
    %sign3A_79 = arith.constant 0 : i32
    %sign3A_80 = arith.cmpi slt, %jit3A, %sign3A_79 : i32
    %sign3A_81 = arith.extui %sign3A_80 : i1 to i32
    %sign3A_82 = arith.subi %sign3A_78, %sign3A_81 : i32
    %ne3A = vector.broadcast %sign3A_82 : i32 to vector<128x128xi32>
    %ne3A_83 = arith.cmpi ne, %sign3A_75, %ne3A : vector<128x128xi32>
    %rem3A = vector.broadcast %jit3A : i32 to vector<128x128xi32>
    %rem3A_84 = arith.remsi %iota3A, %rem3A : vector<128x128xi32>
    %ne3A_85 = arith.constant 0 : i32
    %ne3A_86 = vector.broadcast %ne3A_85 : i32 to vector<128x128xi32>
    %ne3A_87 = arith.cmpi ne, %rem3A_84, %ne3A_86 : vector<128x128xi32>
    %and3A = arith.andi %ne3A_83, %ne3A_87 : vector<128x128xi1>
    %sub3A_88 = arith.constant 1 : i32
    %sub3A_89 = vector.broadcast %sub3A_88 : i32 to vector<128x128xi32>
    %sub3A_90 = arith.subi %div3A_67, %sub3A_89 : vector<128x128xi32>
    %select_n3A = arith.select %and3A, %sub3A_90, %div3A_67 : vector<128x128xi1>, vector<128x128xi32>
    %iota3A_91 = tpu.iota {dimensions = array<i32: 1>} : vector<128x128xi32>
    %jit3A_92 = arith.constant 16 : i32
    %div3A_93 = vector.broadcast %jit3A_92 : i32 to vector<128x128xi32>
    %div3A_94 = arith.divsi %iota3A_91, %div3A_93 : vector<128x128xi32>
    %sign3A_95 = arith.constant 0 : i32
    %sign3A_96 = vector.broadcast %sign3A_95 : i32 to vector<128x128xi32>
    %sign3A_97 = arith.cmpi sgt, %iota3A_91, %sign3A_96 : vector<128x128xi32>
    %sign3A_98 = arith.extui %sign3A_97 : vector<128x128xi1> to vector<128x128xi32>
    %sign3A_99 = arith.constant 0 : i32
    %sign3A_100 = vector.broadcast %sign3A_99 : i32 to vector<128x128xi32>
    %sign3A_101 = arith.cmpi slt, %iota3A_91, %sign3A_100 : vector<128x128xi32>
    %sign3A_102 = arith.extui %sign3A_101 : vector<128x128xi1> to vector<128x128xi32>
    %sign3A_103 = arith.subi %sign3A_98, %sign3A_102 : vector<128x128xi32>
    %sign3A_104 = arith.constant 0 : i32
    %sign3A_105 = arith.cmpi sgt, %jit3A_92, %sign3A_104 : i32
    %sign3A_106 = arith.extui %sign3A_105 : i1 to i32
    %sign3A_107 = arith.constant 0 : i32
    %sign3A_108 = arith.cmpi slt, %jit3A_92, %sign3A_107 : i32
    %sign3A_109 = arith.extui %sign3A_108 : i1 to i32
    %sign3A_110 = arith.subi %sign3A_106, %sign3A_109 : i32
    %ne3A_111 = vector.broadcast %sign3A_110 : i32 to vector<128x128xi32>
    %ne3A_112 = arith.cmpi ne, %sign3A_103, %ne3A_111 : vector<128x128xi32>
    %rem3A_113 = vector.broadcast %jit3A_92 : i32 to vector<128x128xi32>
    %rem3A_114 = arith.remsi %iota3A_91, %rem3A_113 : vector<128x128xi32>
    %ne3A_115 = arith.constant 0 : i32
    %ne3A_116 = vector.broadcast %ne3A_115 : i32 to vector<128x128xi32>
    %ne3A_117 = arith.cmpi ne, %rem3A_114, %ne3A_116 : vector<128x128xi32>
    %and3A_118 = arith.andi %ne3A_112, %ne3A_117 : vector<128x128xi1>
    %sub3A_119 = arith.constant 1 : i32
    %sub3A_120 = vector.broadcast %sub3A_119 : i32 to vector<128x128xi32>
    %sub3A_121 = arith.subi %div3A_94, %sub3A_120 : vector<128x128xi32>
    %select_n3A_122 = arith.select %and3A_118, %sub3A_121, %div3A_94 : vector<128x128xi1>, vector<128x128xi32>
    %eq3A = arith.cmpi eq, %select_n3A, %select_n3A_122 : vector<128x128xi32>
    %jit3A_123 = arith.constant 1.000000e+00 : f32
    %jit3A_124 = arith.constant 0.000000e+00 : f32
    %broadcast_in_dim3A_125 = vector.broadcast %jit3A_123 : f32 to vector<128x128xf32>
    %broadcast_in_dim3A_126 = vector.broadcast %jit3A_124 : f32 to vector<128x128xf32>
    %select_n3A_127 = arith.select %eq3A, %broadcast_in_dim3A_125, %broadcast_in_dim3A_126 : vector<128x128xi1>, vector<128x128xf32>
    %get3A_128 = arith.constant 0 : index
    %get3A_129 = arith.constant 0 : index
    %get3A_130 = vector.load %arg10[%get3A_128, %get3A_129] : memref<128x128xf32, #tpu.memory_space<vmem>>, vector<128x128xf32>
    %dot_general3A_131 = arith.constant dense<0.000000e+00> : vector<2048x128xf32>
    %dot_general3A_132 = tpu.matmul %get3A_60, %get3A_130, %dot_general3A_131 {dimension_numbers = #tpu.dot_dimension_numbers<[1], [1], [0], [0], [0, 0, 1, 0], [], []>, transpose_lhs_hint = false} : vector<2048x128xf32>, vector<128x128xf32>, vector<2048x128xf32> -> vector<2048x128xf32>
    %get3A_133 = arith.constant 0 : index
    %get3A_134 = arith.constant 0 : index
    %get3A_135 = vector.load %arg11[%get3A_133, %get3A_134] : memref<128x128xf32, #tpu.memory_space<vmem>>, vector<128x128xf32>
    %dot_general3A_136 = arith.constant dense<0.000000e+00> : vector<2048x128xf32>
    %dot_general3A_137 = tpu.matmul %get3A_60, %get3A_135, %dot_general3A_136 {dimension_numbers = #tpu.dot_dimension_numbers<[1], [1], [0], [0], [0, 0, 1, 0], [], []>, transpose_lhs_hint = false} : vector<2048x128xf32>, vector<128x128xf32>, vector<2048x128xf32> -> vector<2048x128xf32>
    %mul3A_138 = arith.mulf %dot_general3A_65, %dot_general3A_132 : vector<2048x128xf32>
    %dot_general3A_139 = arith.constant dense<0.000000e+00> : vector<2048x128xf32>
    %dot_general3A_140 = tpu.matmul %mul3A_138, %select_n3A_127, %dot_general3A_139 {dimension_numbers = #tpu.dot_dimension_numbers<[1], [0], [0], [1], [0, 0, 1, 1], [], []>, transpose_lhs_hint = false} : vector<2048x128xf32>, vector<128x128xf32>, vector<2048x128xf32> -> vector<2048x128xf32>
    %mul3A_141 = arith.constant 2.500000e-01 : f32
    %mul3A_142 = vector.broadcast %mul3A_141 : f32 to vector<2048x128xf32>
    %mul3A_143 = arith.mulf %dot_general3A_140, %mul3A_142 : vector<2048x128xf32>
    %get3A_144 = arith.constant 0 : index
    %get3A_145 = arith.constant 0 : index
    %get3A_146 = vector.load %arg10[%get3A_144, %get3A_145] : memref<128x128xf32, #tpu.memory_space<vmem>>, vector<128x128xf32>
    %dot_general3A_147 = arith.constant dense<0.000000e+00> : vector<2048x128xf32>
    %dot_general3A_148 = tpu.matmul %get3A_4, %get3A_146, %dot_general3A_147 {dimension_numbers = #tpu.dot_dimension_numbers<[1], [1], [0], [0], [0, 0, 1, 0], [], []>, transpose_lhs_hint = false} : vector<2048x128xf32>, vector<128x128xf32>, vector<2048x128xf32> -> vector<2048x128xf32>
    %get3A_149 = arith.constant 0 : index
    %get3A_150 = arith.constant 0 : index
    %get3A_151 = vector.load %arg11[%get3A_149, %get3A_150] : memref<128x128xf32, #tpu.memory_space<vmem>>, vector<128x128xf32>
    %dot_general3A_152 = arith.constant dense<0.000000e+00> : vector<2048x128xf32>
    %dot_general3A_153 = tpu.matmul %get3A_4, %get3A_151, %dot_general3A_152 {dimension_numbers = #tpu.dot_dimension_numbers<[1], [1], [0], [0], [0, 0, 1, 0], [], []>, transpose_lhs_hint = false} : vector<2048x128xf32>, vector<128x128xf32>, vector<2048x128xf32> -> vector<2048x128xf32>
    %mul3A_154 = arith.mulf %dot_general3A_65, %dot_general3A_148 : vector<2048x128xf32>
    %dot_general3A_155 = arith.constant dense<0.000000e+00> : vector<2048x128xf32>
    %dot_general3A_156 = tpu.matmul %mul3A_154, %select_n3A_127, %dot_general3A_155 {dimension_numbers = #tpu.dot_dimension_numbers<[1], [0], [0], [1], [0, 0, 1, 1], [], []>, transpose_lhs_hint = false} : vector<2048x128xf32>, vector<128x128xf32>, vector<2048x128xf32> -> vector<2048x128xf32>
    %mul3A_157 = arith.constant 2.500000e-01 : f32
    %mul3A_158 = vector.broadcast %mul3A_157 : f32 to vector<2048x128xf32>
    %mul3A_159 = arith.mulf %dot_general3A_156, %mul3A_158 : vector<2048x128xf32>
    %get3A_160 = arith.constant 0 : index
    %get3A_161 = arith.constant 0 : index
    %get3A_162 = vector.load %arg10[%get3A_160, %get3A_161] : memref<128x128xf32, #tpu.memory_space<vmem>>, vector<128x128xf32>
    %dot_general3A_163 = arith.constant dense<0.000000e+00> : vector<2048x128xf32>
    %dot_general3A_164 = tpu.matmul %add3A_57, %get3A_162, %dot_general3A_163 {dimension_numbers = #tpu.dot_dimension_numbers<[1], [1], [0], [0], [0, 0, 1, 0], [], []>, transpose_lhs_hint = false} : vector<2048x128xf32>, vector<128x128xf32>, vector<2048x128xf32> -> vector<2048x128xf32>
    %get3A_165 = arith.constant 0 : index
    %get3A_166 = arith.constant 0 : index
    %get3A_167 = vector.load %arg11[%get3A_165, %get3A_166] : memref<128x128xf32, #tpu.memory_space<vmem>>, vector<128x128xf32>
    %dot_general3A_168 = arith.constant dense<0.000000e+00> : vector<2048x128xf32>
    %dot_general3A_169 = tpu.matmul %add3A_57, %get3A_167, %dot_general3A_168 {dimension_numbers = #tpu.dot_dimension_numbers<[1], [1], [0], [0], [0, 0, 1, 0], [], []>, transpose_lhs_hint = false} : vector<2048x128xf32>, vector<128x128xf32>, vector<2048x128xf32> -> vector<2048x128xf32>
    %mul3A_170 = arith.mulf %dot_general3A_65, %dot_general3A_164 : vector<2048x128xf32>
    %dot_general3A_171 = arith.constant dense<0.000000e+00> : vector<2048x128xf32>
    %dot_general3A_172 = tpu.matmul %mul3A_170, %select_n3A_127, %dot_general3A_171 {dimension_numbers = #tpu.dot_dimension_numbers<[1], [0], [0], [1], [0, 0, 1, 1], [], []>, transpose_lhs_hint = false} : vector<2048x128xf32>, vector<128x128xf32>, vector<2048x128xf32> -> vector<2048x128xf32>
    %mul3A_173 = arith.constant 2.500000e-01 : f32
    %mul3A_174 = vector.broadcast %mul3A_173 : f32 to vector<2048x128xf32>
    %mul3A_175 = arith.mulf %dot_general3A_172, %mul3A_174 : vector<2048x128xf32>
    %max3A_176 = arith.maximumf %mul3A_143, %mul3A_159 : vector<2048x128xf32>
    %max3A_177 = arith.maximumf %max3A_176, %mul3A_175 : vector<2048x128xf32>
    %sub3A_178 = arith.subf %mul3A_143, %max3A_177 : vector<2048x128xf32>
    %exp3A = math.exp %sub3A_178 : vector<2048x128xf32>
    %sub3A_179 = arith.subf %mul3A_159, %max3A_177 : vector<2048x128xf32>
    %exp3A_180 = math.exp %sub3A_179 : vector<2048x128xf32>
    %sub3A_181 = arith.subf %mul3A_175, %max3A_177 : vector<2048x128xf32>
    %exp3A_182 = math.exp %sub3A_181 : vector<2048x128xf32>
    %mul3A_183 = arith.mulf %exp3A, %dot_general3A_137 : vector<2048x128xf32>
    %mul3A_184 = arith.mulf %exp3A_180, %dot_general3A_153 : vector<2048x128xf32>
    %add3A_185 = arith.addf %mul3A_183, %mul3A_184 : vector<2048x128xf32>
    %mul3A_186 = arith.mulf %exp3A_182, %dot_general3A_169 : vector<2048x128xf32>
    %add3A_187 = arith.addf %add3A_185, %mul3A_186 : vector<2048x128xf32>
    %add3A_188 = arith.addf %exp3A, %exp3A_180 : vector<2048x128xf32>
    %add3A_189 = arith.addf %add3A_188, %exp3A_182 : vector<2048x128xf32>
    %div3A_190 = arith.divf %add3A_187, %add3A_189 : vector<2048x128xf32>
    %reduce_sum3A_191 = arith.constant dense<0.000000e+00> : vector<2048xf32>
    %reduce_sum3A_192 = vector.multi_reduction <add>, %div3A_190, %reduce_sum3A_191 [1] : vector<2048x128xf32> to vector<2048xf32>
    %broadcast_in_dim3A_193 = vector.shape_cast %reduce_sum3A_192 : vector<2048xf32> to vector<2048x1xf32>
    %div3A_194 = arith.constant 1.280000e+02 : f32
    %div3A_195 = vector.broadcast %div3A_194 : f32 to vector<2048x1xf32>
    %div3A_196 = arith.divf %broadcast_in_dim3A_193, %div3A_195 : vector<2048x1xf32>
    %sub3A_197 = vector.broadcast %div3A_196 : vector<2048x1xf32> to vector<2048x128xf32>
    %sub3A_198 = arith.subf %div3A_190, %sub3A_197 : vector<2048x128xf32>
    %integer_pow3A_199 = arith.mulf %sub3A_198, %sub3A_198 : vector<2048x128xf32>
    %reduce_sum3A_200 = arith.constant dense<0.000000e+00> : vector<2048xf32>
    %reduce_sum3A_201 = vector.multi_reduction <add>, %integer_pow3A_199, %reduce_sum3A_200 [1] : vector<2048x128xf32> to vector<2048xf32>
    %broadcast_in_dim3A_202 = vector.shape_cast %reduce_sum3A_201 : vector<2048xf32> to vector<2048x1xf32>
    %div3A_203 = arith.constant 1.280000e+02 : f32
    %div3A_204 = vector.broadcast %div3A_203 : f32 to vector<2048x1xf32>
    %div3A_205 = arith.divf %broadcast_in_dim3A_202, %div3A_204 : vector<2048x1xf32>
    %sub3A_206 = vector.broadcast %div3A_196 : vector<2048x1xf32> to vector<2048x128xf32>
    %sub3A_207 = arith.subf %div3A_190, %sub3A_206 : vector<2048x128xf32>
    %add3A_208 = arith.constant 9.99999974E-6 : f32
    %add3A_209 = vector.broadcast %add3A_208 : f32 to vector<2048x1xf32>
    %add3A_210 = arith.addf %div3A_205, %add3A_209 : vector<2048x1xf32>
    %rsqrt3A_211 = math.rsqrt %add3A_210 : vector<2048x1xf32>
    %mul3A_212 = vector.broadcast %rsqrt3A_211 : vector<2048x1xf32> to vector<2048x128xf32>
    %mul3A_213 = arith.mulf %sub3A_207, %mul3A_212 : vector<2048x128xf32>
    %mul3A_214 = vector.broadcast %get3A_7 : vector<1x128xf32> to vector<2048x128xf32>
    %mul3A_215 = arith.mulf %mul3A_213, %mul3A_214 : vector<2048x128xf32>
    %add3A_216 = vector.broadcast %get3A_10 : vector<1x128xf32> to vector<2048x128xf32>
    %add3A_217 = arith.addf %mul3A_215, %add3A_216 : vector<2048x128xf32>
    %get3A_218 = arith.constant 0 : index
    %get3A_219 = arith.constant 0 : index
    %get3A_220 = vector.load %arg12[%get3A_218, %get3A_219] : memref<128x128xf32, #tpu.memory_space<vmem>>, vector<128x128xf32>
    %dot_general3A_221 = arith.constant dense<0.000000e+00> : vector<2048x128xf32>
    %dot_general3A_222 = tpu.matmul %add3A_217, %get3A_220, %dot_general3A_221 {dimension_numbers = #tpu.dot_dimension_numbers<[1], [1], [0], [0], [0, 0, 1, 0], [], []>, transpose_lhs_hint = false} : vector<2048x128xf32>, vector<128x128xf32>, vector<2048x128xf32> -> vector<2048x128xf32>
    %get3A_223 = arith.constant 0 : index
    %get3A_224 = arith.constant 0 : index
    %get3A_225 = vector.load %arg13[%get3A_223, %get3A_224] : memref<1x128xf32, #tpu.memory_space<vmem>>, vector<1x128xf32>
    %add3A_226 = vector.broadcast %get3A_225 : vector<1x128xf32> to vector<2048x128xf32>
    %add3A_227 = arith.addf %dot_general3A_222, %add3A_226 : vector<2048x128xf32>
    %swap3A = arith.constant 0 : index
    %swap3A_228 = arith.constant 0 : index
    %swap3A_229 = vector.load %arg14[%swap3A, %swap3A_228] : memref<2048x128xf32, #tpu.memory_space<vmem>>, vector<2048x128xf32>
    tpu.vector_store %arg14[%swap3A, %swap3A_228], %add3A_227 {strides = array<i32>} : memref<2048x128xf32, #tpu.memory_space<vmem>>, vector<2048x128xf32>,
    return
  }
  func.func @transform_0(%arg0: i32) -> (i32, i32, i32) {
    %c0_i32 = arith.constant 0 : i32
    %c0_i32_0 = arith.constant 0 : i32
    %c0_i32_1 = arith.constant 0 : i32
    return %c0_i32, %arg0, %c0_i32_0 : i32, i32, i32
  }
  func.func @transform_1(%arg0: i32) -> (i32, i32) {
    %c0_i32 = arith.constant 0 : i32
    %c0_i32_0 = arith.constant 0 : i32
    return %arg0, %c0_i32 : i32, i32
  }
  func.func @transform_2(%arg0: i32) -> (i32, i32) {
    %c0_i32 = arith.constant 0 : i32
    %c0_i32_0 = arith.constant 0 : i32
    return %arg0, %c0_i32 : i32, i32
  }
  func.func @transform_3(%arg0: i32) -> (i32, i32) {
    %c0_i32 = arith.constant 0 : i32
    %c0_i32_0 = arith.constant 0 : i32
    return %arg0, %c0_i32 : i32, i32
  }
  func.func @transform_4(%arg0: i32) -> (i32, i32) {
    %c0_i32 = arith.constant 0 : i32
    %c0_i32_0 = arith.constant 0 : i32
    %c0_i32_1 = arith.constant 0 : i32
    return %c0_i32, %c0_i32_0 : i32, i32
  }
  func.func @transform_5(%arg0: i32) -> (i32, i32) {
    %c0_i32 = arith.constant 0 : i32
    %c0_i32_0 = arith.constant 0 : i32
    %c0_i32_1 = arith.constant 0 : i32
    return %c0_i32, %c0_i32_0 : i32, i32
  }
  func.func @transform_6(%arg0: i32) -> (i32, i32) {
    %c0_i32 = arith.constant 0 : i32
    %c0_i32_0 = arith.constant 0 : i32
    %c0_i32_1 = arith.constant 0 : i32
    return %c0_i32, %c0_i32_0 : i32, i32
  }
  func.func @transform_7(%arg0: i32) -> (i32, i32) {
    %c0_i32 = arith.constant 0 : i32
    %c0_i32_0 = arith.constant 0 : i32
    %c0_i32_1 = arith.constant 0 : i32
    return %c0_i32, %c0_i32_0 : i32, i32
  }
  func.func @transform_8(%arg0: i32) -> (i32, i32) {
    %c0_i32 = arith.constant 0 : i32
    %c0_i32_0 = arith.constant 0 : i32
    %c0_i32_1 = arith.constant 0 : i32
    return %c0_i32, %c0_i32_0 : i32, i32
  }
  func.func @transform_9(%arg0: i32) -> (i32, i32) {
    %c0_i32 = arith.constant 0 : i32
    %c0_i32_0 = arith.constant 0 : i32
    %c0_i32_1 = arith.constant 0 : i32
    return %c0_i32, %c0_i32_0 : i32, i32
  }
  func.func @transform_10(%arg0: i32) -> (i32, i32) {
    %c0_i32 = arith.constant 0 : i32
    %c0_i32_0 = arith.constant 0 : i32
    %c0_i32_1 = arith.constant 0 : i32
    return %c0_i32, %c0_i32_0 : i32, i32
  }
  func.func @transform_11(%arg0: i32) -> (i32, i32) {
    %c0_i32 = arith.constant 0 : i32
    %c0_i32_0 = arith.constant 0 : i32
    %c0_i32_1 = arith.constant 0 : i32
    return %c0_i32, %c0_i32_0 : i32, i32
  }
  func.func @transform_12(%arg0: i32) -> (i32, i32) {
    %c0_i32 = arith.constant 0 : i32
    %c0_i32_0 = arith.constant 0 : i32
    %c0_i32_1 = arith.constant 0 : i32
    return %c0_i32, %c0_i32_0 : i32, i32
  }
  func.func @transform_13(%arg0: i32) -> (i32, i32) {
    %c0_i32 = arith.constant 0 : i32
    %c0_i32_0 = arith.constant 0 : i32
    return %arg0, %c0_i32 : i32, i32
  }
}

</mosaic_0001>

<sc_bundles>
// kernel: kernel.11.cloned.1.call-start
scs
__scs_entry_jumppad:
0x0: {  	(pc) =	sbr.rel $0x88, $3  }
0x1: {  	(tag) =	ssettag $0x0;
	lr =	simm.s32 $0x1  }
0x2: {  	[smem:$0x3F8E] =	sst lr;
	_ =	strace $0xD0000000  }
0x3: {  	_ = 	snop  }
0x4: {  	_ = 	snop  }
0x5: {  	_ = 	snop  }
0x6: {  	_ = 	snop  }
0x7: {  	_ = 	snop  }
__scs_overlays_trampoline_lowered:
0x8: {  	[smem:$0x3F9D] =	sst s0  }
0x9: {  	[smem:$0x3F9E] =	sst s1  }
0xa: {  	[smem:$0x3F9F] =	sst s2  }
0xb: {  	[smem:$0x3FA0] =	sst s3  }
0xc: {  	[smem:$0x3FA1] =	sst s4  }
0xd: {  	[smem:$0x3FA2] =	sst s5  }
0xe: {  	[smem:$0x3FA3] =	sst s6  }
0xf: {  	[smem:$0x3FA4] =	sst s7  }
0x10: {  	[smem:$0x3FA5] =	sst s8  }
0x11: {  	[smem:$0x3FA6] =	sst s9;
	s0 =	simm.s32 @!p0 $0x0  }
0x12: {  	s1 =	sld [smem:$0x3F8C];
	s0 =	simm.s32 @p0 $0x1  }
0x13: {  	[smem:$0x3FA7] =	sst s0;
	s0 =	simm.s32 @!p1 $0x0  }
0x14: {  	s2 =	sld [smem:$0x3F8B];
	s0 =	simm.s32 @p1 $0x1  }
0x15: {  	[smem:$0x3FA8] =	sst s0;
	s0 =	simm.s32 @!p2 $0x0  }
0x16: {  	s3 =	sld [smem:$0x3FDB];
	s0 =	simm.s32 @p2 $0x1  }
0x17: {  	s4 =	simm.s32 $0x1BF5;
	[smem:$0x3FAA] =	sst s0  }
0x18: {  	s0 =	sld [smem:$0x3F8D];
	_ =	swait.ge [sflag:s4], $0x0  }
0x19: {  	s7 =	sld [smem:$0x3F8E]  }
0x1a: {  	s8 =	sadd.s32 $0xFFFFE003, lr  }
0x1b: {  	s9 =	sadd.s32 $0xFFFFFEF7, lr;
	s5 =	simm.s32 $0xFFFFFFFF;
	p2 =	slt.u32 s8, $0xFFFFF086  }
0x1c: {  	p1 =	slt.u32 s9, $0xF7A;
	s5 =	simm.s32 @!p2 $0x0  }
0x1d: {  	s5 =	simm.s32 @p1 $0x1;
	p0 =	seq.s32 s7, s2  }
0x1e: {  	s7 =	smul.u32 @!p0 $0xF7A, s2;
	p2 =	seq.s32 @!p0 s5, $0x0  }
0x1f: {  	s9 =	smul.u32 $0xF7A, s1;
	s8 =	simm.s32 @!p0 $0x1BF5;
	p2 =	por !p2, p0  }
0x20: {  	[sflag:s8] =	ssyncset.s32 @!p0 $0xFFFFF086;
	s6 =	sadd.s32 @!p0 s3, s7;
	s7 =	simm.s32 @!p0 $0x108  }
0x21: {  	s3 =	sadd.s32 s3, s9;
	s6 =	sadd.s32 @!p0 $0x88, s6;
	s7 =	simm.s32 @p2 $0x1082  }
0x22: {  	[simem:s7], [sflag:s8] =	dma.local @!p0 [hbm:s6], $0xF7A  }
0x23: {  	s9 =	sor.u32 $0xD0000000, s2;
	s6 =	simm.s32 $0x108;
	_ =	swait.ge @!p0 [sflag:s8], $0x0  }
0x24: {  	s3 =	sadd.s32 $0x88, s3;
	s6 =	simm.s32 @!p1 $0x1082;
	[sflag:s4] =	ssyncset.s32 $0xFFFFF086  }
0x25: {  	[simem:s6], [sflag:s4] =	dma.local [hbm:s3], $0xF7A  }
0x26: {  	[smem:$0x3F8E] =	sst s1;
	(tag) =	ssettag s2;
	_ =	strace s9  }
0x27: {  	s1 =	sld [smem:$0x3F9E]  }
0x28: {  	s2 =	sld [smem:$0x3F9F]  }
0x29: {  	s4 =	sld [smem:$0x3FA1]  }
0x2a: {  	p0 =	seq.s32 s5, $0x0;
	s5 =	sld [smem:$0x3FA2]  }
0x2b: {  	s6 =	sld [smem:$0x3FA3]  }
0x2c: {  	s7 =	sld [smem:$0x3FA4]  }
0x2d: {  	s3 =	simm.s32 $0x108;
	s8 =	sld [smem:$0x3FA5]  }
0x2e: {  	s3 =	simm.s32 @!p0 $0x1082;
	s9 =	sld [smem:$0x3FA6]  }
0x2f: {  	lr =	sadd.s32 s0, s3;
	s0 =	sld [smem:$0x3F9D]  }
0x30: {  	s3 =	sld [smem:$0x3FA0]  }
0x31: {  	[smem:$0x3FA9] =	sst s10  }
0x32: {  	s10 =	sld [smem:$0x3FA7];
	_ =	sdelay $0x3  }
0x33: {  	p0 =	seq.s32 s10, $0x1;
	s10 =	sld [smem:$0x3FA9];
	_ =	sdelay $0x3  }
0x34: {  	[smem:$0x3FA9] =	sst s10  }
0x35: {  	s10 =	sld [smem:$0x3FA8];
	_ =	sdelay $0x3  }
0x36: {  	p1 =	seq.s32 s10, $0x1;
	s10 =	sld [smem:$0x3FA9];
	_ =	sdelay $0x3  }
0x37: {  	[smem:$0x3FA9] =	sst s10  }
0x38: {  	s10 =	sld [smem:$0x3FAA]  }
0x39: {  	_ = 	snop;
	(pc) =	sbr.ind lr, $3  }
0x3a: {  	_ = 	snop  }
0x3b: {  	_ = 	snop  }
0x3c: {  	p2 =	seq.s32 s10, $0x1;
	s10 =	sld [smem:$0x3FA9]  }
0x3d: {  	_ =	shalt  }
0x3e: {  	_ =	shalt  }
0x3f: {  	_ =	shalt  }
0x40: {  	_ =	shalt  }
0x41: {  	_ =	shalt  }
0x42: {  	_ =	shalt  }
0x43: {  	_ =	shalt  }
0x44: {  	_ =	shalt  }
0x45: {  	_ =	shalt  }
0x46: {  	_ =	shalt  }
0x47: {  	_ =	shalt  }
0x48: {  	_ =	shalt  }
0x49: {  	_ =	shalt  }
0x4a: {  	_ =	shalt  }
0x4b: {  	_ =	shalt  }
0x4c: {  	_ =	shalt  }
0x4d: {  	_ =	shalt  }
0x4e: {  	_ =	shalt  }
0x4f: {  	_ =	shalt  }
0x50: {  	_ =	shalt  }
0x51: {  	_ =	shalt  }
0x52: {  	_ =	shalt  }
0x53: {  	_ =	shalt  }
0x54: {  	_ =	shalt  }
0x55: {  	_ =	shalt  }
0x56: {  	_ =	shalt  }
0x57: {  	_ =	shalt  }
0x58: {  	_ =	shalt  }
0x59: {  	_ =	shalt  }
0x5a: {  	_ =	shalt  }
0x5b: {  	_ =	shalt  }
0x5c: {  	_ =	shalt  }
0x5d: {  	_ =	shalt  }
0x5e: {  	_ =	shalt  }
0x5f: {  	_ =	shalt  }
0x60: {  	_ =	shalt  }
0x61: {  	_ =	shalt  }
0x62: {  	_ =	shalt  }
0x63: {  	_ =	shalt  }
0x64: {  	_ =	shalt  }
0x65: {  	_ =	shalt  }
0x66: {  	_ =	shalt  }
0x67: {  	_ =	shalt  }
0x68: {  	_ =	shalt  }
0x69: {  	_ =	shalt  }
0x6a: {  	_ =	shalt  }
0x6b: {  	_ =	shalt  }
0x6c: {  	_ =	shalt  }
0x6d: {  	_ =	shalt  }
0x6e: {  	_ =	shalt  }
0x6f: {  	_ =	shalt  }
0x70: {  	_ =	shalt  }
0x71: {  	_ =	shalt  }
0x72: {  	_ =	shalt  }
0x73: {  	_ =	shalt  }
0x74: {  	_ =	shalt  }
0x75: {  	_ =	shalt  }
0x76: {  	_ =	shalt  }
0x77: {  	_ =	shalt  }
0x78: {  	_ =	shalt  }
0x79: {  	_ =	shalt  }
0x7a: {  	_ =	shalt  }
0x7b: {  	_ =	shalt  }
0x7c: {  	_ =	shalt  }
0x7d: {  	_ =	shalt  }
0x7e: {  	_ =	shalt  }
0x7f: {  	_ =	shalt  }
0x80: {  	_ =	shalt  }
0x81: {  	_ =	shalt  }
0x82: {  	_ =	shalt  }
0x83: {  	_ =	shalt  }
0x84: {  	_ =	shalt  }
0x85: {  	_ =	shalt  }
0x86: {  	_ =	shalt  }
0x87: {  	_ =	shalt  }
.Lfunc_end0:
.L_simem_size_0:
called_computation_lowered:
.L_overlay_start_0:
0x88: {  	s2 =	sld [smem:$0x3FD9]  }
0x89: {  	s3 =	sld [smem:$0x3FFE];
	_ =	sdelay $0x1  }
0x8a: {  	s1 =	srdreg.scid  }
0x8b: {  	s0 =	sand.u32 $0x1, s1  }
0x8c: {  	s14 =	sshll.u32 s0, $0xA;
	s2 =	sadd.s32 s3, s2  }
0x8d: {  	s2 =	sadd.s32 s2, s14  }
0x8e: {  	[smem:$0x3FB5] =	sst s2  }
0x8f: {  	_ = 	snop  }
0x90: {  	s2 =	sld [smem:$0x3FD0];
	_ =	sdelay $0x2  }
0x91: {  	s15 =	simm.s32 $0xA;
	s4 =	simm.s32 $0x10  }
0x92: {  	[smem:s4], [sflag:s15] =	dma.local [hbm:s2], $0x1  }
0x93: {  	_ =	swait.eq [sflag:s15], $0x1  }
0x94: {  	s16 =	sld [smem:$0x10];
	[sflag:s15] =	ssyncset.done $0x0  }
0x95: {  	s17 =	sld [smem:$0x11];
	[sflag:s15] =	ssyncadd.s32 $0xFFFFFFFF  }
0x96: {  	s18 =	sld [smem:$0x13];
	(tm) =	ssettm $0x1  }
0x97: {  	s5 =	sld [smem:$0x3FFB];
	_ =	sdelay $0x3  }
0x98: {  	_ =	strace s5  }
0x99: {  	s5 =	sld [smem:$0x3FFC];
	_ =	sdelay $0x3  }
0x9a: {  	_ =	strace s5  }
0x9b: {  	s5 =	sld [smem:$0x3FFD];
	_ =	sdelay $0x3  }
0x9c: {  	_ =	strace s5  }
0x9d: {  	_ =	strace $0x8FFFFFFF  }
0x9e: {  	s19 =	sld [smem:$0x3FDB];
	_ =	sdelay $0x1  }
0x9f: {  	s6 =	simm.s32 $_scs_section_size  }
0xa0: {  	s7 =	simm.s32 $_size__tile_overlayer_lowered;
	s8 =	simm.s32 $_tile_overlayer_lowered  }
0xa1: {  	s22 =	simm.s32 $0x1BFF;
	s21 =	sshll.u32 s8, $0x1;
	s5 =	sadd.s32 s6, s19  }
0xa2: {  	s9 =	simm.s32 $0x0;
	s20 =	sshll.u32 s7, $0x1;
	s7 =	sadd.s32 s21, s5  }
0xa3: {  	[timem:s9], [sflag:s22] =	dma.local [hbm:s7], s20  }
0xa4: {  	_ =	swait.ge [sflag:s22], s20  }
0xa5: {  	s6 =	ssub.s32 $0x0, s20;
	[sflag:s22] =	ssyncset.done $0x0  }
0xa6: {  	[sflag:s22] =	ssyncadd.s32 s6;
	_ =	sdelay $0x1  }
0xa7: {  	s23 =	simm.s32 $0x1B8B  }
0xa8: {  	_ =	swait.ge [sflag:s23], $0x1  }
0xa9: {  	[sflag:s23] =	ssyncset.done $0x0  }
0xaa: {  	s25 =	simm.s32 $0x1B8E;
	s24 =	sld [smem:$0x3FFE];
	[sflag:s23] =	ssyncadd.s32 $0xFFFFFFFF  }
0xab: {  	s26 =	simm.s32 $execute0_lowered;
	[smem:$0x3FD2] =	sst s25  }
0xac: {  	s7 =	sshll.u32 s26, $0x1;
	_ =	strace $0x80000046;
	[dreg:$0x1] =	wrdreg $0xFFFFFFFF  }
0xad: {  	s28 =	simm.s32 $_size_execute0_lowered;
	s5 =	sadd.s32 s5, s7;
	[dreg:$0x0] =	wrdreg $0x0  }
0xae: {  	s7 =	sshll.u32 s28, $0x1;
	[dreg:$0x2] =	wrdreg s5  }
0xaf: {  	[dreg:$0x3] =	wrdreg s7  }
0xb0: {  	[dreg:$0x4] =	wrdreg $0xC0  }
0xb1: {  	_ =	task [dreg:s9], $0x5FFFF  }
0xb2: {  	[dreg:$0x1] =	wrdreg $0xFFFFFFFF  }
0xb3: {  	[dreg:$0x0] =	wrdreg $0x60  }
0xb4: {  	[dreg:$0x2] =	wrdreg s18  }
0xb5: {  	[dreg:$0x3] =	wrdreg s17  }
0xb6: {  	[dreg:$0x4] =	wrdreg s24  }
0xb7: {  	[dreg:$0x5] =	wrdreg s16  }
0xb8: {  	[dreg:$0x6] =	wrdreg $0x50800  }
0xb9: {  	[dreg:$0x7] =	wrdreg $0x9  }
0xba: {  	_ =	task.clear_ibuf [dreg:s9], $0x8FFFF;
	_ =	strace $0x90000046  }
0xbb: {  	s29 =	simm.s32 $0x9;
	_ =	strace $0x80000048  }
0xbc: {  	_ =	swait.ge [sflag:s29], $0x1  }
0xbd: {  	[sflag:s29] =	ssyncadd.s32 $0xFFFFFFFF  }
0xbe: {  	_ =	strace $0x90000048  }
0xbf: {  	_ =	sfence  }
0xc0: {  	s30 =	sld [smem:$0x0];
	_ =	sdelay $0x2  }
0xc1: {  	s31 =	sshll.u32 s1, $0xD;
	s1 =	sshrl.u32 s1, $0x2  }
0xc2: {  	s3 =	sand.u32 $0x4000, s31;
	s1 =	sadd.s32 s1, s30  }
0xc3: {  	s0 =	sor.u32 s3, s0;
	s1 =	sshll.u32 s1, $0x11  }
0xc4: {  	s0 =	sor.u32 s1, s0  }
0xc5: {  	s0 =	sadd.s32 $0x8F2B, s0  }
0xc6: {  	[sflag:s0] =	ssyncadd.remote.s32 $0x1  }
0xc7: {  	_ =	sfence.sel $0xFFFF  }
0xc8: {  	[dreg:$0x0] =	wrdreg $0xFFFFFFFF;
	(pc) =	sbr.abs _section_cstart, $3  }
0xc9: {  	[dreg:$0x1] =	wrdreg $0xFFFFFFFF  }
0xca: {  	_ =	task.clear_ibuf [dreg:s9], $0x2FFFF;
	_ =	strace $0x9FFFFFFF  }
0xcb: {  	(tm) =	ssettm $0x7FFFFFFF  }
tec
execute0_lowered:
.L_overlay_start_1:
0x0: {  	(tag) =	ssettag $0x1  }
0x1: {  	s6 =	rddreg [dreg:$0x0]  }
0x2: {  	s1 =	rddreg [dreg:$0x1]  }
0x3: {  	s4 =	rddreg [dreg:$0x2]  }
0x4: {  	s7 =	rddreg [dreg:$0x3]  }
0x5: {  	s2 =	rddreg [dreg:$0x4]  }
0x6: {  	s0 =	rddreg [dreg:$0x5]  }
0x7: {  	s3 =	simm.s32 $0x0;
	s8 =	srdreg.scid;
	s13 =	simm.s32 $0x5000  }
0x8: {  	s14 =	simm.s32 $0x50;
	s15 =	simm.s32 $0x0;
	[smem:$0x7FF] =	sst s3  }
0x9: {  	s5 =	sadd.s32 $0x4A00, s4;
	s8 =	sand.u32 $0x1, s8;
	s4 =	stileid.u32  }
0xa: {  	_ =	strace $0x80000047;
	s9 =	sshll.u32 s8, $0x4;
	s10 =	smul.u32 $0x2800, s8  }
0xb: {  	s8 =	ssub.s32 $0x2, s8;
	s11 =	sshll.u32 s4, $0xA;
	s9 =	sor.u32 s4, s9  }
0xc: {  	p0 =	sgt.u32 s4, $0x9;
	s12 =	sshrl.u32 s8, $0x1;
	s9 =	smul.u32 $0x500, s9  }
0xd: {  	s10 =	sadd.s32 s11, s10;
	s8 =	ssub.s32 s8, s12;
	s12 =	sadd.s32 s11, s2  }
0xe: {  	s11 =	sshll.u32 @!p0 s4, $0x6;
	s10 =	sshrl.u32 s10, $0x3;
	s8 =	smax.u32 s8, $0x1  }
0xf: {  	s11 =	sor.u32 @!p0 $0x1C01, s11;
	s12 =	sshrl.u32 @!p0 s12, $0x3;
	s6 =	sadd.s32 s6, s9  }
0x10: {  	v0 =	vimm.f32 $1.000000000e+00;
	s7 =	sadd.s32 s7, s10;
	s9 =	simm.s32 $0x2800;
	s10 =	simm.s32 $0x1  }
.LBB2_1:
0x11: {  	[tilespmem:s9], [sflag:$0x1] =	stream.linear.gather [hbm4b:s1+s3], $0x2800, $0x38;
	[tilespmem:$0x5300] =	vst v63  }
0x12: {  	_ =	swait.ge [sflag:s10], $0x2800  }
0x13: {  	[sflag:s10] =	ssyncset.done $0x0  }
0x14: {  	s16 =	simm.s32 @!p0 $0x1;
	[sflag:s10] =	ssyncadd.s32 $0xFFFFD800  }
0x15: {  	[spmem:s12], [sflag:s11] =	dma.local @!p0 [hbm:s1], $0x80  }
0x16: {  	_ =	swait.ge @!p0 [sflag:s16], $0x80  }
0x17: {  	[sflag:s16] =	ssyncset.done @!p0 $0x0  }
0x18: {  	[sflag:s16] =	ssyncadd.s32 @!p0 $0xFFFFFF80  }
0x19: {  	[tilespmem:s3], [sflag:$0x1] =	stream.linear.gather [hbm4b:s6+s3], $0x2800, $0x38;
	[tilespmem:$0x5300] =	vst v63  }
0x1a: {  	_ =	swait.ge [sflag:s10], $0x2800  }
0x1b: {  	[sflag:s10] =	ssyncset.done $0x0  }
0x1c: {  	[sflag:s10] =	ssyncadd.s32 $0xFFFFD800  }
0x1d: {  	[tilespmem:s13], [sflag:$0x1] =	stream.linear.gather [hbm4b:s5+s3], $0x80, $0x38;
	[tilespmem:$0x5300] =	vst v63  }
0x1e: {  	_ =	swait.ge [sflag:s10], $0x80  }
0x1f: {  	[sflag:s10] =	ssyncset.done $0x0  }
0x20: {  	[sflag:s10] =	ssyncadd.s32 $0xFFFFFF80  }
0x21: {  	s16 =	simm.s32 $0x0;
	[bflag:$0x0] =	sbarrier.arrive $0xFFFF  }
.LBB2_2:
0x22: {  	s17 =	sshra.s32 s16, $0x2  }
0x23: {  	v1 =	vld [tilespmem:s17+$0x0];
	_ =	sdelay $0x7  }
0x24: {  	[tilespmem:v1+s9+$0x0] =	vst.idx.add.f32.msk $0xffff, v0  }
0x25: {  	v1 =	vld [tilespmem:s17+$0x10];
	_ =	sdelay $0x7  }
0x26: {  	[tilespmem:v1+s9+$0x0] =	vst.idx.add.f32.msk $0xffff, v0  }
0x27: {  	v1 =	vld [tilespmem:s17+$0x20];
	_ =	sdelay $0x7  }
0x28: {  	[tilespmem:v1+s9+$0x0] =	vst.idx.add.f32.msk $0xffff, v0  }
0x29: {  	v1 =	vld [tilespmem:s17+$0x30];
	_ =	sdelay $0x7  }
0x2a: {  	[tilespmem:v1+s9+$0x0] =	vst.idx.add.f32.msk $0xffff, v0  }
0x2b: {  	v1 =	vld [tilespmem:s17+$0x40];
	_ =	sdelay $0x7  }
0x2c: {  	[tilespmem:v1+s9+$0x0] =	vst.idx.add.f32.msk $0xffff, v0  }
0x2d: {  	v1 =	vld [tilespmem:s17+$0x50];
	_ =	sdelay $0x7  }
0x2e: {  	[tilespmem:v1+s9+$0x0] =	vst.idx.add.f32.msk $0xffff, v0  }
0x2f: {  	v1 =	vld [tilespmem:s17+$0x60];
	_ =	sdelay $0x7  }
0x30: {  	[tilespmem:v1+s9+$0x0] =	vst.idx.add.f32.msk $0xffff, v0  }
0x31: {  	v1 =	vld [tilespmem:s17+$0x70];
	_ =	sdelay $0x2  }
0x32: {  	p1 =	sne.s32 s16, $0x9E00  }
.Ltmp0:
0x33: {  	_ = 	snop;
	(pc) =	sbr.rel @p1 .LBB2_2-.Ltmp0, $2  }
0x34: {  	_ =	sdelay $0x2  }
0x35: {  	s16 =	sadd.s32 $0x200, s16;
	[tilespmem:v1+s9+$0x0] =	vst.idx.add.f32.msk $0xffff, v0  }
0x36: {  	[spmem:s2] =	stream.indirect.scatter.add.f32 [tilespmem:s9], [sflag:$0x1], $0x80, s13, s14, $0xb8;
	[tilespmem:$0x5300] =	vst v63  }
0x37: {  	_ =	swait.ge [sflag:s10], $0x2800  }
0x38: {  	s15 =	sadd.s32 $0x1, s15;
	[sflag:s10] =	ssyncset.done $0x0  }
0x39: {  	p1 =	sne.s32 s15, s8;
	[sflag:s10] =	ssyncadd.s32 $0xFFFFD800  }
.Ltmp1:
0x3a: {  	s16 =	simm.s32 @!p0 $0x1;
	[bflag:$0x0] =	sbarrier.arrive $0xFFFF;
	(pc) =	sbr.rel @p1 .LBB2_1-.Ltmp1, $4  }
0x3b: {  	[hbm:s7], [sflag:s11] =	dma.local @!p0 [spmem:s12], $0x80  }
0x3c: {  	_ =	swait.ge @!p0 [sflag:s16], $0x80  }
0x3d: {  	[sflag:s16] =	ssyncset.done @!p0 $0x0  }
0x3e: {  	[sflag:s16] =	ssyncadd.s32 @!p0 $0xFFFFFF80  }
0x3f: {  	_ =	sfence.sel $0x180000  }
0x40: {  	[bflag:$0x0] =	sbarrier.arrive $0xFFFF  }
0x41: {  	p0 =	sne.s32 s4, $0x0;
	_ =	strace $0x90000047  }
0x42: {  	s0 =	sadd.s32 @!p0 $0x100000, s0;
	[bflag:$0x2] =	sbarrier.arrive $0xFFFF  }
0x43: {  	[sflag:s0] =	ssyncadd.tile.s32 @!p0 $0x1;
	_ =	shalt  }
.Lfunc_end2:
_tile_overlayer_lowered:
.L_overlay_start_2:
0x44: {  	(tag) =	ssettag $0x2  }
0x45: {  	s0 =	rddreg [dreg:$0x0];
	s2 =	stileid.u32  }
0x46: {  	s1 =	rddreg [dreg:$0x1];
	p0 =	sne.s32 s2, $0x0  }
0x47: {  	s3 =	rddreg [dreg:$0x2];
	[bflag:$0x3] =	sbarrier.arrive $0xFFFF;
	s2 =	simm.s32 @!p0 $0x1C01  }
0x48: {  	[timem:s3], [sflag:s2] =	dma.local @!p0 [hbm:s0], s1  }
0x49: {  	s0 =	simm.s32 @!p0 $0x1  }
0x4a: {  	_ =	swait.ge @!p0 [sflag:s0], s1  }
0x4b: {  	s1 =	ssub.s32 @!p0 $0x0, s1;
	[sflag:s0] =	ssyncset.done @!p0 $0x0  }
0x4c: {  	[sflag:s0] =	ssyncadd.s32 @!p0 s1  }
0x4d: {  	[bflag:$0x3] =	sbarrier.arrive $0xFFFF  }
0x4e: {  	_ =	shalt  }

// kernel: kernel.14.cloned.1.call-start
scs
__scs_entry_jumppad:
0x0: {  	(pc) =	sbr.rel $0x88, $3  }
0x1: {  	(tag) =	ssettag $0x0;
	lr =	simm.s32 $0x1  }
0x2: {  	[smem:$0x3F8E] =	sst lr;
	_ =	strace $0xD0000000  }
0x3: {  	_ = 	snop  }
0x4: {  	_ = 	snop  }
0x5: {  	_ = 	snop  }
0x6: {  	_ = 	snop  }
0x7: {  	_ = 	snop  }
__scs_overlays_trampoline_lowered:
0x8: {  	[smem:$0x3F9D] =	sst s0  }
0x9: {  	[smem:$0x3F9E] =	sst s1  }
0xa: {  	[smem:$0x3F9F] =	sst s2  }
0xb: {  	[smem:$0x3FA0] =	sst s3  }
0xc: {  	[smem:$0x3FA1] =	sst s4  }
0xd: {  	[smem:$0x3FA2] =	sst s5  }
0xe: {  	[smem:$0x3FA3] =	sst s6  }
0xf: {  	[smem:$0x3FA4] =	sst s7  }
0x10: {  	[smem:$0x3FA5] =	sst s8  }
0x11: {  	[smem:$0x3FA6] =	sst s9;
	s0 =	simm.s32 @!p0 $0x0  }
0x12: {  	s1 =	sld [smem:$0x3F8C];
	s0 =	simm.s32 @p0 $0x1  }
0x13: {  	[smem:$0x3FA7] =	sst s0;
	s0 =	simm.s32 @!p1 $0x0  }
0x14: {  	s2 =	sld [smem:$0x3F8B];
	s0 =	simm.s32 @p1 $0x1  }
0x15: {  	[smem:$0x3FA8] =	sst s0;
	s0 =	simm.s32 @!p2 $0x0  }
0x16: {  	s3 =	sld [smem:$0x3FDB];
	s0 =	simm.s32 @p2 $0x1  }
0x17: {  	s4 =	simm.s32 $0x1BF5;
	[smem:$0x3FAA] =	sst s0  }
0x18: {  	s0 =	sld [smem:$0x3F8D];
	_ =	swait.ge [sflag:s4], $0x0  }
0x19: {  	s7 =	sld [smem:$0x3F8E]  }
0x1a: {  	s8 =	sadd.s32 $0xFFFFE003, lr  }
0x1b: {  	s9 =	sadd.s32 $0xFFFFFEF7, lr;
	s5 =	simm.s32 $0xFFFFFFFF;
	p2 =	slt.u32 s8, $0xFFFFF086  }
0x1c: {  	p1 =	slt.u32 s9, $0xF7A;
	s5 =	simm.s32 @!p2 $0x0  }
0x1d: {  	s5 =	simm.s32 @p1 $0x1;
	p0 =	seq.s32 s7, s2  }
0x1e: {  	s7 =	smul.u32 @!p0 $0xF7A, s2;
	p2 =	seq.s32 @!p0 s5, $0x0  }
0x1f: {  	s9 =	smul.u32 $0xF7A, s1;
	s8 =	simm.s32 @!p0 $0x1BF5;
	p2 =	por !p2, p0  }
0x20: {  	[sflag:s8] =	ssyncset.s32 @!p0 $0xFFFFF086;
	s6 =	sadd.s32 @!p0 s3, s7;
	s7 =	simm.s32 @!p0 $0x108  }
0x21: {  	s3 =	sadd.s32 s3, s9;
	s6 =	sadd.s32 @!p0 $0x88, s6;
	s7 =	simm.s32 @p2 $0x1082  }
0x22: {  	[simem:s7], [sflag:s8] =	dma.local @!p0 [hbm:s6], $0xF7A  }
0x23: {  	s9 =	sor.u32 $0xD0000000, s2;
	s6 =	simm.s32 $0x108;
	_ =	swait.ge @!p0 [sflag:s8], $0x0  }
0x24: {  	s3 =	sadd.s32 $0x88, s3;
	s6 =	simm.s32 @!p1 $0x1082;
	[sflag:s4] =	ssyncset.s32 $0xFFFFF086  }
0x25: {  	[simem:s6], [sflag:s4] =	dma.local [hbm:s3], $0xF7A  }
0x26: {  	[smem:$0x3F8E] =	sst s1;
	(tag) =	ssettag s2;
	_ =	strace s9  }
0x27: {  	s1 =	sld [smem:$0x3F9E]  }
0x28: {  	s2 =	sld [smem:$0x3F9F]  }
0x29: {  	s4 =	sld [smem:$0x3FA1]  }
0x2a: {  	p0 =	seq.s32 s5, $0x0;
	s5 =	sld [smem:$0x3FA2]  }
0x2b: {  	s6 =	sld [smem:$0x3FA3]  }
0x2c: {  	s7 =	sld [smem:$0x3FA4]  }
0x2d: {  	s3 =	simm.s32 $0x108;
	s8 =	sld [smem:$0x3FA5]  }
0x2e: {  	s3 =	simm.s32 @!p0 $0x1082;
	s9 =	sld [smem:$0x3FA6]  }
0x2f: {  	lr =	sadd.s32 s0, s3;
	s0 =	sld [smem:$0x3F9D]  }
0x30: {  	s3 =	sld [smem:$0x3FA0]  }
0x31: {  	[smem:$0x3FA9] =	sst s10  }
0x32: {  	s10 =	sld [smem:$0x3FA7];
	_ =	sdelay $0x3  }
0x33: {  	p0 =	seq.s32 s10, $0x1;
	s10 =	sld [smem:$0x3FA9];
	_ =	sdelay $0x3  }
0x34: {  	[smem:$0x3FA9] =	sst s10  }
0x35: {  	s10 =	sld [smem:$0x3FA8];
	_ =	sdelay $0x3  }
0x36: {  	p1 =	seq.s32 s10, $0x1;
	s10 =	sld [smem:$0x3FA9];
	_ =	sdelay $0x3  }
0x37: {  	[smem:$0x3FA9] =	sst s10  }
0x38: {  	s10 =	sld [smem:$0x3FAA]  }
0x39: {  	_ = 	snop;
	(pc) =	sbr.ind lr, $3  }
0x3a: {  	_ = 	snop  }
0x3b: {  	_ = 	snop  }
0x3c: {  	p2 =	seq.s32 s10, $0x1;
	s10 =	sld [smem:$0x3FA9]  }
0x3d: {  	_ =	shalt  }
0x3e: {  	_ =	shalt  }
0x3f: {  	_ =	shalt  }
0x40: {  	_ =	shalt  }
0x41: {  	_ =	shalt  }
0x42: {  	_ =	shalt  }
0x43: {  	_ =	shalt  }
0x44: {  	_ =	shalt  }
0x45: {  	_ =	shalt  }
0x46: {  	_ =	shalt  }
0x47: {  	_ =	shalt  }
0x48: {  	_ =	shalt  }
0x49: {  	_ =	shalt  }
0x4a: {  	_ =	shalt  }
0x4b: {  	_ =	shalt  }
0x4c: {  	_ =	shalt  }
0x4d: {  	_ =	shalt  }
0x4e: {  	_ =	shalt  }
0x4f: {  	_ =	shalt  }
0x50: {  	_ =	shalt  }
0x51: {  	_ =	shalt  }
0x52: {  	_ =	shalt  }
0x53: {  	_ =	shalt  }
0x54: {  	_ =	shalt  }
0x55: {  	_ =	shalt  }
0x56: {  	_ =	shalt  }
0x57: {  	_ =	shalt  }
0x58: {  	_ =	shalt  }
0x59: {  	_ =	shalt  }
0x5a: {  	_ =	shalt  }
0x5b: {  	_ =	shalt  }
0x5c: {  	_ =	shalt  }
0x5d: {  	_ =	shalt  }
0x5e: {  	_ =	shalt  }
0x5f: {  	_ =	shalt  }
0x60: {  	_ =	shalt  }
0x61: {  	_ =	shalt  }
0x62: {  	_ =	shalt  }
0x63: {  	_ =	shalt  }
0x64: {  	_ =	shalt  }
0x65: {  	_ =	shalt  }
0x66: {  	_ =	shalt  }
0x67: {  	_ =	shalt  }
0x68: {  	_ =	shalt  }
0x69: {  	_ =	shalt  }
0x6a: {  	_ =	shalt  }
0x6b: {  	_ =	shalt  }
0x6c: {  	_ =	shalt  }
0x6d: {  	_ =	shalt  }
0x6e: {  	_ =	shalt  }
0x6f: {  	_ =	shalt  }
0x70: {  	_ =	shalt  }
0x71: {  	_ =	shalt  }
0x72: {  	_ =	shalt  }
0x73: {  	_ =	shalt  }
0x74: {  	_ =	shalt  }
0x75: {  	_ =	shalt  }
0x76: {  	_ =	shalt  }
0x77: {  	_ =	shalt  }
0x78: {  	_ =	shalt  }
0x79: {  	_ =	shalt  }
0x7a: {  	_ =	shalt  }
0x7b: {  	_ =	shalt  }
0x7c: {  	_ =	shalt  }
0x7d: {  	_ =	shalt  }
0x7e: {  	_ =	shalt  }
0x7f: {  	_ =	shalt  }
0x80: {  	_ =	shalt  }
0x81: {  	_ =	shalt  }
0x82: {  	_ =	shalt  }
0x83: {  	_ =	shalt  }
0x84: {  	_ =	shalt  }
0x85: {  	_ =	shalt  }
0x86: {  	_ =	shalt  }
0x87: {  	_ =	shalt  }
.Lfunc_end0:
.L_simem_size_0:
called_computation.1_lowered:
.L_overlay_start_0:
0x88: {  	s2 =	sld [smem:$0x3FD9]  }
0x89: {  	s3 =	sld [smem:$0x3FFE];
	_ =	sdelay $0x1  }
0x8a: {  	s1 =	srdreg.scid  }
0x8b: {  	s0 =	sand.u32 $0x1, s1  }
0x8c: {  	s14 =	sshll.u32 s0, $0xA;
	s2 =	sadd.s32 s3, s2  }
0x8d: {  	s2 =	sadd.s32 s2, s14  }
0x8e: {  	[smem:$0x3FB5] =	sst s2  }
0x8f: {  	_ = 	snop  }
0x90: {  	s2 =	sld [smem:$0x3FD0];
	_ =	sdelay $0x2  }
0x91: {  	s15 =	simm.s32 $0xA;
	s4 =	simm.s32 $0x10  }
0x92: {  	[smem:s4], [sflag:s15] =	dma.local [hbm:s2], $0x1  }
0x93: {  	_ =	swait.eq [sflag:s15], $0x1  }
0x94: {  	s16 =	sld [smem:$0x11];
	[sflag:s15] =	ssyncset.done $0x0  }
0x95: {  	s17 =	sld [smem:$0x12];
	[sflag:s15] =	ssyncadd.s32 $0xFFFFFFFF  }
0x96: {  	s18 =	sld [smem:$0x13];
	(tm) =	ssettm $0x1  }
0x97: {  	s5 =	sld [smem:$0x3FFB];
	_ =	sdelay $0x3  }
0x98: {  	_ =	strace s5  }
0x99: {  	s5 =	sld [smem:$0x3FFC];
	_ =	sdelay $0x3  }
0x9a: {  	_ =	strace s5  }
0x9b: {  	s5 =	sld [smem:$0x3FFD];
	_ =	sdelay $0x3  }
0x9c: {  	_ =	strace s5  }
0x9d: {  	_ =	strace $0x8FFFFFFF  }
0x9e: {  	s19 =	sld [smem:$0x3FDB];
	_ =	sdelay $0x1  }
0x9f: {  	s6 =	simm.s32 $_scs_section_size  }
0xa0: {  	s7 =	simm.s32 $_size__tile_overlayer_lowered;
	s8 =	simm.s32 $_tile_overlayer_lowered  }
0xa1: {  	s22 =	simm.s32 $0x1BFF;
	s21 =	sshll.u32 s8, $0x1;
	s5 =	sadd.s32 s6, s19  }
0xa2: {  	s9 =	simm.s32 $0x0;
	s20 =	sshll.u32 s7, $0x1;
	s7 =	sadd.s32 s21, s5  }
0xa3: {  	[timem:s9], [sflag:s22] =	dma.local [hbm:s7], s20  }
0xa4: {  	_ =	swait.ge [sflag:s22], s20  }
0xa5: {  	s6 =	ssub.s32 $0x0, s20;
	[sflag:s22] =	ssyncset.done $0x0  }
0xa6: {  	[sflag:s22] =	ssyncadd.s32 s6;
	_ =	sdelay $0x1  }
0xa7: {  	s23 =	simm.s32 $0x1B8B  }
0xa8: {  	_ =	swait.ge [sflag:s23], $0x1  }
0xa9: {  	[sflag:s23] =	ssyncset.done $0x0  }
0xaa: {  	s25 =	simm.s32 $0x1B8E;
	s24 =	sld [smem:$0x3FFE];
	[sflag:s23] =	ssyncadd.s32 $0xFFFFFFFF  }
0xab: {  	s26 =	simm.s32 $execute0_lowered;
	[smem:$0x3FD2] =	sst s25  }
0xac: {  	s7 =	sshll.u32 s26, $0x1;
	_ =	strace $0x80000049;
	[dreg:$0x1] =	wrdreg $0xFFFFFFFF  }
0xad: {  	s28 =	simm.s32 $_size_execute0_lowered;
	s5 =	sadd.s32 s5, s7;
	[dreg:$0x0] =	wrdreg $0x0  }
0xae: {  	s7 =	sshll.u32 s28, $0x1;
	[dreg:$0x2] =	wrdreg s5  }
0xaf: {  	[dreg:$0x3] =	wrdreg s7  }
0xb0: {  	[dreg:$0x4] =	wrdreg $0xC0  }
0xb1: {  	_ =	task [dreg:s9], $0x5FFFF  }
0xb2: {  	[dreg:$0x1] =	wrdreg $0xFFFFFFFF  }
0xb3: {  	[dreg:$0x0] =	wrdreg $0x60  }
0xb4: {  	[dreg:$0x2] =	wrdreg s17  }
0xb5: {  	[dreg:$0x3] =	wrdreg s18  }
0xb6: {  	[dreg:$0x4] =	wrdreg s24  }
0xb7: {  	[dreg:$0x5] =	wrdreg s16  }
0xb8: {  	[dreg:$0x6] =	wrdreg $0xA8000  }
0xb9: {  	[dreg:$0x7] =	wrdreg $0x9  }
0xba: {  	_ =	task.clear_ibuf [dreg:s9], $0x8FFFF;
	_ =	strace $0x90000049  }
0xbb: {  	s29 =	simm.s32 $0x9;
	_ =	strace $0x8000004B  }
0xbc: {  	_ =	swait.ge [sflag:s29], $0x1  }
0xbd: {  	[sflag:s29] =	ssyncadd.s32 $0xFFFFFFFF  }
0xbe: {  	_ =	strace $0x9000004B  }
0xbf: {  	_ =	sfence  }
0xc0: {  	s30 =	sld [smem:$0x0];
	_ =	sdelay $0x2  }
0xc1: {  	s31 =	sshll.u32 s1, $0xD;
	s1 =	sshrl.u32 s1, $0x2  }
0xc2: {  	s3 =	sand.u32 $0x4000, s31;
	s1 =	sadd.s32 s1, s30  }
0xc3: {  	s0 =	sor.u32 s3, s0;
	s1 =	sshll.u32 s1, $0x11  }
0xc4: {  	s0 =	sor.u32 s1, s0  }
0xc5: {  	s0 =	sadd.s32 $0x8F2B, s0  }
0xc6: {  	[sflag:s0] =	ssyncadd.remote.s32 $0x1  }
0xc7: {  	_ =	sfence.sel $0xFFFF  }
0xc8: {  	[dreg:$0x0] =	wrdreg $0xFFFFFFFF;
	(pc) =	sbr.abs _section_cstart, $3  }
0xc9: {  	[dreg:$0x1] =	wrdreg $0xFFFFFFFF  }
0xca: {  	_ =	task.clear_ibuf [dreg:s9], $0x2FFFF;
	_ =	strace $0x9FFFFFFF  }
0xcb: {  	(tm) =	ssettm $0x7FFFFFFF  }
tec
execute0_lowered:
.L_overlay_start_1:
0x0: {  	(tag) =	ssettag $0x1  }
0x1: {  	s11 =	rddreg [dreg:$0x0]  }
0x2: {  	s12 =	rddreg [dreg:$0x1]  }
0x3: {  	s6 =	rddreg [dreg:$0x2]  }
0x4: {  	s2 =	rddreg [dreg:$0x3]  }
0x5: {  	s0 =	srdreg.scid;
	s3 =	rddreg [dreg:$0x4]  }
0x6: {  	s1 =	stileid.u32;
	s4 =	simm.s32 $0x0;
	s15 =	simm.s32 $0x1400  }
0x7: {  	s16 =	simm.s32 $0x80;
	s17 =	simm.s32 $0x2800;
	s18 =	simm.s32 $0x6800  }
0x8: {  	s19 =	simm.s32 $0x1;
	s20 =	simm.s32 $0x2;
	s21 =	simm.s32 $0x2700  }
0x9: {  	s22 =	simm.s32 $0x2780;
	s23 =	simm.s32 $0x0;
	s8 =	smul.u32 $0x14000, s1  }
0xa: {  	s7 =	sand.u32 $0x1, s0;
	s0 =	rddreg [dreg:$0x5];
	s10 =	smul.u32 $0x50000, s1  }
0xb: {  	[smem:$0x7FF] =	sst s4;
	s29 =	sshll.u32 s1, $0x6;
	s5 =	smul.u32 $0x140000, s7  }
0xc: {  	_ =	strace $0x8000004A;
	s9 =	sshll.u32 s7, $0x4;
	s7 =	ssub.s32 $0x2, s7  }
0xd: {  	s9 =	sor.u32 s1, s9;
	s26 =	sshrl.u32 s7, $0x1;
	s28 =	sshrl.u32 s10, $0x2  }
0xe: {  	s8 =	sadd.s32 s8, s5;
	s5 =	sadd.s32 $0x4A00, s6;
	s9 =	smul.u32 $0x2800, s9  }
0xf: {  	s13 =	ssub.s32 s7, s26;
	s14 =	sadd.s32 s28, s3;
	s8 =	sshrl.u32 s8, $0x3  }
0x10: {  	s8 =	sadd.s32 s8, s6;
	s6 =	sor.u32 $0x1C03, s29;
	s30 =	sshrl.u32 s9, $0x3  }
0x11: {  	s7 =	sadd.s32 $0x2CA00, s8;
	s8 =	smax.u32 s13, $0x1;
	s31 =	sadd.s32 $0x280, s30  }
0x12: {  	s9 =	sadd.s32 s11, s30;
	s10 =	sadd.s32 s12, s30;
	s13 =	sshrl.u32 s14, $0x3  }
0x13: {  	s14 =	simm.s32 $0x3;
	s11 =	sadd.s32 s11, s31;
	s12 =	sadd.s32 s12, s31  }
.LBB2_1:
0x14: {  	[spmem:s13], [sflag:s6] =	dma.local [hbm:s2], $0x2800  }
0x15: {  	_ =	swait.ge [sflag:s14], $0x2800  }
0x16: {  	[sflag:s14] =	ssyncset.done $0x0  }
0x17: {  	[sflag:s14] =	ssyncadd.s32 $0xFFFFD800  }
0x18: {  	[bflag:$0x0] =	sbarrier.arrive $0xFFFF  }
0x19: {  	[tilespmem:s4], [sflag:$0x3] =	stream.linear.gather [hbm4b:s9+s4], $0x1400, $0x38;
	[tilespmem:$0x1E800] =	vst v63  }
0x1a: {  	_ =	swait.ge [sflag:s14], $0x1400  }
0x1b: {  	[sflag:s14] =	ssyncset.done $0x0  }
0x1c: {  	[sflag:s14] =	ssyncadd.s32 $0xFFFFEC00  }
0x1d: {  	[tilespmem:s15], [sflag:$0x3] =	stream.linear.gather [hbm4b:s10+s4], $0x1400, $0x38;
	[tilespmem:$0x1E800] =	vst v63  }
0x1e: {  	_ =	swait.ge [sflag:s14], $0x1400  }
0x1f: {  	[sflag:s14] =	ssyncset.done $0x0  }
0x20: {  	[sflag:s14] =	ssyncadd.s32 $0xFFFFEC00  }
0x21: {  	[tilespmem:s17], [sflag:$0x1] =	stream.indirect.gather [hbm4b:s5+s16], $0x80, s4, s16, $0xb8;
	[tilespmem:$0x1E800] =	vst v63  }
0x22: {  	_ = 	snop  }
0x23: {  	[tilespmem:s18], [sflag:$0x2] =	stream.indirect.gather [hbm4b:s5+s16], $0x80, s16, s16, $0xb8;
	[tilespmem:$0x1E800] =	vst v63  }
0x24: {  	_ =	swait.ge [sflag:s19], $0x4000  }
0x25: {  	[sflag:s19] =	ssyncset.done $0x0  }
0x26: {  	s24 =	simm.s32 $0x1400;
	[sflag:s19] =	ssyncadd.s32 $0xFFFFC000  }
0x27: {  	[spmem:s3] =	stream.indirect.scatter.add.f32 [tilespmem:s17], [sflag:$0x3], $0x80, s24, s16, $0xb8;
	[tilespmem:$0x1E800] =	vst v63  }
0x28: {  	_ =	swait.ge [sflag:s14], $0x4000  }
0x29: {  	[sflag:s14] =	ssyncset.done $0x0  }
0x2a: {  	s30 =	simm.s32 $0x100;
	[sflag:s14] =	ssyncadd.s32 $0xFFFFC000  }
0x2b: {  	[tilespmem:s17], [sflag:$0x1] =	stream.indirect.gather [hbm4b:s5+s16], $0x80, s30, s16, $0xb8;
	[tilespmem:$0x1E800] =	vst v63  }
0x2c: {  	_ =	swait.ge [sflag:s20], $0x4000  }
0x2d: {  	[sflag:s20] =	ssyncset.done $0x0  }
0x2e: {  	s31 =	simm.s32 $0x1480;
	[sflag:s20] =	ssyncadd.s32 $0xFFFFC000  }
0x2f: {  	[spmem:s3] =	stream.indirect.scatter.add.f32 [tilespmem:s18], [sflag:$0x3], $0x80, s31, s16, $0xb8;
	[tilespmem:$0x1E800] =	vst v63  }
0x30: {  	_ =	swait.ge [sflag:s14], $0x4000  }
0x31: {  	[sflag:s14] =	ssyncset.done $0x0  }
0x32: {  	s25 =	simm.s32 $0x180;
	s24 =	simm.s32 $0x400;
	[sflag:s14] =	ssyncadd.s32 $0xFFFFC000  }
.LBB2_2:
0x33: {  	[tilespmem:s18], [sflag:$0x2] =	stream.indirect.gather [hbm4b:s5+s16], $0x80, s25, s16, $0xb8;
	[tilespmem:$0x1E800] =	vst v63  }
0x34: {  	s25 =	smov.u32 s24  }
0x35: {  	p0 =	sne.s32 s24, $0x4800;
	s24 =	sadd.s32 $0x400, s24;
	_ =	swait.ge [sflag:s19], $0x4000  }
0x36: {  	s25 =	sshra.s32 s25, $0x2;
	[sflag:s19] =	ssyncset.done $0x0  }
0x37: {  	s26 =	sadd.s32 $0x1400, s25;
	[sflag:s19] =	ssyncadd.s32 $0xFFFFC000  }
0x38: {  	[spmem:s3] =	stream.indirect.scatter.add.f32 [tilespmem:s17], [sflag:$0x3], $0x80, s26, s16, $0xb8;
	[tilespmem:$0x1E800] =	vst v63  }
0x39: {  	_ =	swait.ge [sflag:s14], $0x4000  }
0x3a: {  	[sflag:s14] =	ssyncset.done $0x0  }
0x3b: {  	s26 =	sadd.s32 $0x100, s25;
	[sflag:s14] =	ssyncadd.s32 $0xFFFFC000  }
0x3c: {  	[tilespmem:s17], [sflag:$0x1] =	stream.indirect.gather [hbm4b:s5+s16], $0x80, s26, s16, $0xb8;
	[tilespmem:$0x1E800] =	vst v63  }
0x3d: {  	_ =	swait.ge [sflag:s20], $0x4000  }
0x3e: {  	[sflag:s20] =	ssyncset.done $0x0  }
.Ltmp0:
0x3f: {  	s26 =	sadd.s32 $0x1480, s25;
	[sflag:s20] =	ssyncadd.s32 $0xFFFFC000;
	(pc) =	sbr.rel @p0 .LBB2_2-.Ltmp0, $4  }
0x40: {  	[spmem:s3] =	stream.indirect.scatter.add.f32 [tilespmem:s18], [sflag:$0x3], $0x80, s26, s16, $0xb8;
	[tilespmem:$0x1E800] =	vst v63  }
0x41: {  	_ =	swait.ge [sflag:s14], $0x4000  }
0x42: {  	[sflag:s14] =	ssyncset.done $0x0  }
0x43: {  	s25 =	sadd.s32 $0x180, s25;
	[sflag:s14] =	ssyncadd.s32 $0xFFFFC000  }
0x44: {  	[tilespmem:s18], [sflag:$0x2] =	stream.indirect.gather [hbm4b:s5+s16], $0x80, s25, s16, $0xb8;
	[tilespmem:$0x1E800] =	vst v63  }
0x45: {  	_ =	swait.ge [sflag:s19], $0x4000  }
0x46: {  	[sflag:s19] =	ssyncset.done $0x0  }
0x47: {  	[sflag:s19] =	ssyncadd.s32 $0xFFFFC000  }
0x48: {  	[spmem:s3] =	stream.indirect.scatter.add.f32 [tilespmem:s17], [sflag:$0x3], $0x80, s21, s16, $0xb8;
	[tilespmem:$0x1E800] =	vst v63  }
0x49: {  	_ =	swait.ge [sflag:s14], $0x4000  }
0x4a: {  	[sflag:s14] =	ssyncset.done $0x0  }
0x4b: {  	[sflag:s14] =	ssyncadd.s32 $0xFFFFC000  }
0x4c: {  	_ =	swait.ge [sflag:s20], $0x4000  }
0x4d: {  	[sflag:s20] =	ssyncset.done $0x0  }
0x4e: {  	[sflag:s20] =	ssyncadd.s32 $0xFFFFC000  }
0x4f: {  	[spmem:s3] =	stream.indirect.scatter.add.f32 [tilespmem:s18], [sflag:$0x3], $0x80, s22, s16, $0xb8;
	[tilespmem:$0x1E800] =	vst v63  }
0x50: {  	_ =	swait.ge [sflag:s14], $0x4000  }
0x51: {  	[sflag:s14] =	ssyncset.done $0x0  }
0x52: {  	s24 =	simm.s32 $0x0;
	[sflag:s14] =	ssyncadd.s32 $0xFFFFC000  }
0x53: {  	[tilespmem:s24], [sflag:$0x3] =	stream.linear.gather [hbm4b:s11+s24], $0x1400, $0x38;
	[tilespmem:$0x1E800] =	vst v63  }
0x54: {  	_ =	swait.ge [sflag:s14], $0x1400  }
0x55: {  	[sflag:s14] =	ssyncset.done $0x0  }
0x56: {  	[sflag:s14] =	ssyncadd.s32 $0xFFFFEC00  }
0x57: {  	[tilespmem:s15], [sflag:$0x3] =	stream.linear.gather [hbm4b:s12+s24], $0x1400, $0x38;
	[tilespmem:$0x1E800] =	vst v63  }
0x58: {  	_ =	swait.ge [sflag:s14], $0x1400  }
0x59: {  	[sflag:s14] =	ssyncset.done $0x0  }
0x5a: {  	[sflag:s14] =	ssyncadd.s32 $0xFFFFEC00  }
0x5b: {  	[tilespmem:s17], [sflag:$0x1] =	stream.indirect.gather [hbm4b:s5+s16], $0x80, s24, s16, $0xb8;
	[tilespmem:$0x1E800] =	vst v63  }
0x5c: {  	_ = 	snop  }
0x5d: {  	[tilespmem:s18], [sflag:$0x2] =	stream.indirect.gather [hbm4b:s5+s16], $0x80, s16, s16, $0xb8;
	[tilespmem:$0x1E800] =	vst v63  }
0x5e: {  	_ =	swait.ge [sflag:s19], $0x4000  }
0x5f: {  	[sflag:s19] =	ssyncset.done $0x0  }
0x60: {  	s29 =	simm.s32 $0x1400;
	[sflag:s19] =	ssyncadd.s32 $0xFFFFC000  }
0x61: {  	[spmem:s3] =	stream.indirect.scatter.add.f32 [tilespmem:s17], [sflag:$0x3], $0x80, s29, s16, $0xb8;
	[tilespmem:$0x1E800] =	vst v63  }
0x62: {  	_ =	swait.ge [sflag:s14], $0x4000  }
0x63: {  	[sflag:s14] =	ssyncset.done $0x0  }
0x64: {  	s30 =	simm.s32 $0x100;
	[sflag:s14] =	ssyncadd.s32 $0xFFFFC000  }
0x65: {  	[tilespmem:s17], [sflag:$0x1] =	stream.indirect.gather [hbm4b:s5+s16], $0x80, s30, s16, $0xb8;
	[tilespmem:$0x1E800] =	vst v63  }
0x66: {  	_ =	swait.ge [sflag:s20], $0x4000  }
0x67: {  	[sflag:s20] =	ssyncset.done $0x0  }
0x68: {  	s31 =	simm.s32 $0x1480;
	[sflag:s20] =	ssyncadd.s32 $0xFFFFC000  }
0x69: {  	[spmem:s3] =	stream.indirect.scatter.add.f32 [tilespmem:s18], [sflag:$0x3], $0x80, s31, s16, $0xb8;
	[tilespmem:$0x1E800] =	vst v63  }
0x6a: {  	_ =	swait.ge [sflag:s14], $0x4000  }
0x6b: {  	[sflag:s14] =	ssyncset.done $0x0  }
0x6c: {  	s25 =	simm.s32 $0x180;
	s24 =	simm.s32 $0x400;
	[sflag:s14] =	ssyncadd.s32 $0xFFFFC000  }
.LBB2_4:
0x6d: {  	[tilespmem:s18], [sflag:$0x2] =	stream.indirect.gather [hbm4b:s5+s16], $0x80, s25, s16, $0xb8;
	[tilespmem:$0x1E800] =	vst v63  }
0x6e: {  	s25 =	smov.u32 s24  }
0x6f: {  	p0 =	sne.s32 s24, $0x4800;
	s24 =	sadd.s32 $0x400, s24;
	_ =	swait.ge [sflag:s19], $0x4000  }
0x70: {  	s25 =	sshra.s32 s25, $0x2;
	[sflag:s19] =	ssyncset.done $0x0  }
0x71: {  	s26 =	sadd.s32 $0x1400, s25;
	[sflag:s19] =	ssyncadd.s32 $0xFFFFC000  }
0x72: {  	[spmem:s3] =	stream.indirect.scatter.add.f32 [tilespmem:s17], [sflag:$0x3], $0x80, s26, s16, $0xb8;
	[tilespmem:$0x1E800] =	vst v63  }
0x73: {  	_ =	swait.ge [sflag:s14], $0x4000  }
0x74: {  	[sflag:s14] =	ssyncset.done $0x0  }
0x75: {  	s26 =	sadd.s32 $0x100, s25;
	[sflag:s14] =	ssyncadd.s32 $0xFFFFC000  }
0x76: {  	[tilespmem:s17], [sflag:$0x1] =	stream.indirect.gather [hbm4b:s5+s16], $0x80, s26, s16, $0xb8;
	[tilespmem:$0x1E800] =	vst v63  }
0x77: {  	_ =	swait.ge [sflag:s20], $0x4000  }
0x78: {  	[sflag:s20] =	ssyncset.done $0x0  }
.Ltmp1:
0x79: {  	s26 =	sadd.s32 $0x1480, s25;
	[sflag:s20] =	ssyncadd.s32 $0xFFFFC000;
	(pc) =	sbr.rel @p0 .LBB2_4-.Ltmp1, $4  }
0x7a: {  	[spmem:s3] =	stream.indirect.scatter.add.f32 [tilespmem:s18], [sflag:$0x3], $0x80, s26, s16, $0xb8;
	[tilespmem:$0x1E800] =	vst v63  }
0x7b: {  	_ =	swait.ge [sflag:s14], $0x4000  }
0x7c: {  	[sflag:s14] =	ssyncset.done $0x0  }
0x7d: {  	s25 =	sadd.s32 $0x180, s25;
	[sflag:s14] =	ssyncadd.s32 $0xFFFFC000  }
0x7e: {  	[tilespmem:s18], [sflag:$0x2] =	stream.indirect.gather [hbm4b:s5+s16], $0x80, s25, s16, $0xb8;
	[tilespmem:$0x1E800] =	vst v63  }
0x7f: {  	_ =	swait.ge [sflag:s19], $0x4000  }
0x80: {  	[sflag:s19] =	ssyncset.done $0x0  }
0x81: {  	[sflag:s19] =	ssyncadd.s32 $0xFFFFC000  }
0x82: {  	[spmem:s3] =	stream.indirect.scatter.add.f32 [tilespmem:s17], [sflag:$0x3], $0x80, s21, s16, $0xb8;
	[tilespmem:$0x1E800] =	vst v63  }
0x83: {  	_ =	swait.ge [sflag:s14], $0x4000  }
0x84: {  	[sflag:s14] =	ssyncset.done $0x0  }
0x85: {  	[sflag:s14] =	ssyncadd.s32 $0xFFFFC000  }
0x86: {  	_ =	swait.ge [sflag:s20], $0x4000  }
0x87: {  	[sflag:s20] =	ssyncset.done $0x0  }
0x88: {  	[sflag:s20] =	ssyncadd.s32 $0xFFFFC000  }
0x89: {  	[spmem:s3] =	stream.indirect.scatter.add.f32 [tilespmem:s18], [sflag:$0x3], $0x80, s22, s16, $0xb8;
	[tilespmem:$0x1E800] =	vst v63  }
0x8a: {  	_ =	swait.ge [sflag:s14], $0x4000  }
0x8b: {  	s23 =	sadd.s32 $0x1, s23;
	[sflag:s14] =	ssyncset.done $0x0  }
0x8c: {  	p0 =	sne.s32 s23, s8;
	[sflag:s14] =	ssyncadd.s32 $0xFFFFC000  }
.Ltmp2:
0x8d: {  	[bflag:$0x0] =	sbarrier.arrive $0xFFFF;
	(pc) =	sbr.rel @p0 .LBB2_1-.Ltmp2, $4  }
0x8e: {  	[hbm:s7], [sflag:s6] =	dma.local [spmem:s13], $0x2800  }
0x8f: {  	_ =	swait.ge [sflag:s14], $0x2800  }
0x90: {  	[sflag:s14] =	ssyncset.done $0x0  }
0x91: {  	[sflag:s14] =	ssyncadd.s32 $0xFFFFD800  }
0x92: {  	_ =	sfence.sel $0x180000  }
0x93: {  	[bflag:$0x0] =	sbarrier.arrive $0xFFFF  }
0x94: {  	p0 =	sne.s32 s1, $0x0;
	_ =	strace $0x9000004A  }
0x95: {  	s0 =	sadd.s32 @!p0 $0x100000, s0;
	[bflag:$0x2] =	sbarrier.arrive $0xFFFF  }
0x96: {  	[sflag:s0] =	ssyncadd.tile.s32 @!p0 $0x1;
	_ =	shalt  }
.Lfunc_end2:
_tile_overlayer_lowered:
.L_overlay_start_2:
0x97: {  	(tag) =	ssettag $0x2  }
0x98: {  	s0 =	rddreg [dreg:$0x0];
	s2 =	stileid.u32  }
0x99: {  	s1 =	rddreg [dreg:$0x1];
	p0 =	sne.s32 s2, $0x0  }
0x9a: {  	s3 =	rddreg [dreg:$0x2];
	[bflag:$0x3] =	sbarrier.arrive $0xFFFF;
	s2 =	simm.s32 @!p0 $0x1C03  }
0x9b: {  	[timem:s3], [sflag:s2] =	dma.local @!p0 [hbm:s0], s1  }
0x9c: {  	s0 =	simm.s32 @!p0 $0x3  }
0x9d: {  	_ =	swait.ge @!p0 [sflag:s0], s1  }
0x9e: {  	s1 =	ssub.s32 @!p0 $0x0, s1;
	[sflag:s0] =	ssyncset.done @!p0 $0x0  }
0x9f: {  	[sflag:s0] =	ssyncadd.s32 @!p0 s1  }
0xa0: {  	[bflag:$0x3] =	sbarrier.arrive $0xFFFF  }
0xa1: {  	_ =	shalt  }

// kernel: kernel.17.cloned.1.call-start
scs
__scs_entry_jumppad:
0x0: {  	(pc) =	sbr.rel $0x88, $3  }
0x1: {  	(tag) =	ssettag $0x0;
	lr =	simm.s32 $0x1  }
0x2: {  	[smem:$0x3F8E] =	sst lr;
	_ =	strace $0xD0000000  }
0x3: {  	_ = 	snop  }
0x4: {  	_ = 	snop  }
0x5: {  	_ = 	snop  }
0x6: {  	_ = 	snop  }
0x7: {  	_ = 	snop  }
__scs_overlays_trampoline_lowered:
0x8: {  	[smem:$0x3F9D] =	sst s0  }
0x9: {  	[smem:$0x3F9E] =	sst s1  }
0xa: {  	[smem:$0x3F9F] =	sst s2  }
0xb: {  	[smem:$0x3FA0] =	sst s3  }
0xc: {  	[smem:$0x3FA1] =	sst s4  }
0xd: {  	[smem:$0x3FA2] =	sst s5  }
0xe: {  	[smem:$0x3FA3] =	sst s6  }
0xf: {  	[smem:$0x3FA4] =	sst s7  }
0x10: {  	[smem:$0x3FA5] =	sst s8  }
0x11: {  	[smem:$0x3FA6] =	sst s9;
	s0 =	simm.s32 @!p0 $0x0  }
0x12: {  	s1 =	sld [smem:$0x3F8C];
	s0 =	simm.s32 @p0 $0x1  }
0x13: {  	[smem:$0x3FA7] =	sst s0;
	s0 =	simm.s32 @!p1 $0x0  }
0x14: {  	s2 =	sld [smem:$0x3F8B];
	s0 =	simm.s32 @p1 $0x1  }
0x15: {  	[smem:$0x3FA8] =	sst s0;
	s0 =	simm.s32 @!p2 $0x0  }
0x16: {  	s3 =	sld [smem:$0x3FDB];
	s0 =	simm.s32 @p2 $0x1  }
0x17: {  	s4 =	simm.s32 $0x1BF5;
	[smem:$0x3FAA] =	sst s0  }
0x18: {  	s0 =	sld [smem:$0x3F8D];
	_ =	swait.ge [sflag:s4], $0x0  }
0x19: {  	s7 =	sld [smem:$0x3F8E]  }
0x1a: {  	s8 =	sadd.s32 $0xFFFFE003, lr  }
0x1b: {  	s9 =	sadd.s32 $0xFFFFFEF7, lr;
	s5 =	simm.s32 $0xFFFFFFFF;
	p2 =	slt.u32 s8, $0xFFFFF086  }
0x1c: {  	p1 =	slt.u32 s9, $0xF7A;
	s5 =	simm.s32 @!p2 $0x0  }
0x1d: {  	s5 =	simm.s32 @p1 $0x1;
	p0 =	seq.s32 s7, s2  }
0x1e: {  	s7 =	smul.u32 @!p0 $0xF7A, s2;
	p2 =	seq.s32 @!p0 s5, $0x0  }
0x1f: {  	s9 =	smul.u32 $0xF7A, s1;
	s8 =	simm.s32 @!p0 $0x1BF5;
	p2 =	por !p2, p0  }
0x20: {  	[sflag:s8] =	ssyncset.s32 @!p0 $0xFFFFF086;
	s6 =	sadd.s32 @!p0 s3, s7;
	s7 =	simm.s32 @!p0 $0x108  }
0x21: {  	s3 =	sadd.s32 s3, s9;
	s6 =	sadd.s32 @!p0 $0x88, s6;
	s7 =	simm.s32 @p2 $0x1082  }
0x22: {  	[simem:s7], [sflag:s8] =	dma.local @!p0 [hbm:s6], $0xF7A  }
0x23: {  	s9 =	sor.u32 $0xD0000000, s2;
	s6 =	simm.s32 $0x108;
	_ =	swait.ge @!p0 [sflag:s8], $0x0  }
0x24: {  	s3 =	sadd.s32 $0x88, s3;
	s6 =	simm.s32 @!p1 $0x1082;
	[sflag:s4] =	ssyncset.s32 $0xFFFFF086  }
0x25: {  	[simem:s6], [sflag:s4] =	dma.local [hbm:s3], $0xF7A  }
0x26: {  	[smem:$0x3F8E] =	sst s1;
	(tag) =	ssettag s2;
	_ =	strace s9  }
0x27: {  	s1 =	sld [smem:$0x3F9E]  }
0x28: {  	s2 =	sld [smem:$0x3F9F]  }
0x29: {  	s4 =	sld [smem:$0x3FA1]  }
0x2a: {  	p0 =	seq.s32 s5, $0x0;
	s5 =	sld [smem:$0x3FA2]  }
0x2b: {  	s6 =	sld [smem:$0x3FA3]  }
0x2c: {  	s7 =	sld [smem:$0x3FA4]  }
0x2d: {  	s3 =	simm.s32 $0x108;
	s8 =	sld [smem:$0x3FA5]  }
0x2e: {  	s3 =	simm.s32 @!p0 $0x1082;
	s9 =	sld [smem:$0x3FA6]  }
0x2f: {  	lr =	sadd.s32 s0, s3;
	s0 =	sld [smem:$0x3F9D]  }
0x30: {  	s3 =	sld [smem:$0x3FA0]  }
0x31: {  	[smem:$0x3FA9] =	sst s10  }
0x32: {  	s10 =	sld [smem:$0x3FA7];
	_ =	sdelay $0x3  }
0x33: {  	p0 =	seq.s32 s10, $0x1;
	s10 =	sld [smem:$0x3FA9];
	_ =	sdelay $0x3  }
0x34: {  	[smem:$0x3FA9] =	sst s10  }
0x35: {  	s10 =	sld [smem:$0x3FA8];
	_ =	sdelay $0x3  }
0x36: {  	p1 =	seq.s32 s10, $0x1;
	s10 =	sld [smem:$0x3FA9];
	_ =	sdelay $0x3  }
0x37: {  	[smem:$0x3FA9] =	sst s10  }
0x38: {  	s10 =	sld [smem:$0x3FAA]  }
0x39: {  	_ = 	snop;
	(pc) =	sbr.ind lr, $3  }
0x3a: {  	_ = 	snop  }
0x3b: {  	_ = 	snop  }
0x3c: {  	p2 =	seq.s32 s10, $0x1;
	s10 =	sld [smem:$0x3FA9]  }
0x3d: {  	_ =	shalt  }
0x3e: {  	_ =	shalt  }
0x3f: {  	_ =	shalt  }
0x40: {  	_ =	shalt  }
0x41: {  	_ =	shalt  }
0x42: {  	_ =	shalt  }
0x43: {  	_ =	shalt  }
0x44: {  	_ =	shalt  }
0x45: {  	_ =	shalt  }
0x46: {  	_ =	shalt  }
0x47: {  	_ =	shalt  }
0x48: {  	_ =	shalt  }
0x49: {  	_ =	shalt  }
0x4a: {  	_ =	shalt  }
0x4b: {  	_ =	shalt  }
0x4c: {  	_ =	shalt  }
0x4d: {  	_ =	shalt  }
0x4e: {  	_ =	shalt  }
0x4f: {  	_ =	shalt  }
0x50: {  	_ =	shalt  }
0x51: {  	_ =	shalt  }
0x52: {  	_ =	shalt  }
0x53: {  	_ =	shalt  }
0x54: {  	_ =	shalt  }
0x55: {  	_ =	shalt  }
0x56: {  	_ =	shalt  }
0x57: {  	_ =	shalt  }
0x58: {  	_ =	shalt  }
0x59: {  	_ =	shalt  }
0x5a: {  	_ =	shalt  }
0x5b: {  	_ =	shalt  }
0x5c: {  	_ =	shalt  }
0x5d: {  	_ =	shalt  }
0x5e: {  	_ =	shalt  }
0x5f: {  	_ =	shalt  }
0x60: {  	_ =	shalt  }
0x61: {  	_ =	shalt  }
0x62: {  	_ =	shalt  }
0x63: {  	_ =	shalt  }
0x64: {  	_ =	shalt  }
0x65: {  	_ =	shalt  }
0x66: {  	_ =	shalt  }
0x67: {  	_ =	shalt  }
0x68: {  	_ =	shalt  }
0x69: {  	_ =	shalt  }
0x6a: {  	_ =	shalt  }
0x6b: {  	_ =	shalt  }
0x6c: {  	_ =	shalt  }
0x6d: {  	_ =	shalt  }
0x6e: {  	_ =	shalt  }
0x6f: {  	_ =	shalt  }
0x70: {  	_ =	shalt  }
0x71: {  	_ =	shalt  }
0x72: {  	_ =	shalt  }
0x73: {  	_ =	shalt  }
0x74: {  	_ =	shalt  }
0x75: {  	_ =	shalt  }
0x76: {  	_ =	shalt  }
0x77: {  	_ =	shalt  }
0x78: {  	_ =	shalt  }
0x79: {  	_ =	shalt  }
0x7a: {  	_ =	shalt  }
0x7b: {  	_ =	shalt  }
0x7c: {  	_ =	shalt  }
0x7d: {  	_ =	shalt  }
0x7e: {  	_ =	shalt  }
0x7f: {  	_ =	shalt  }
0x80: {  	_ =	shalt  }
0x81: {  	_ =	shalt  }
0x82: {  	_ =	shalt  }
0x83: {  	_ =	shalt  }
0x84: {  	_ =	shalt  }
0x85: {  	_ =	shalt  }
0x86: {  	_ =	shalt  }
0x87: {  	_ =	shalt  }
.Lfunc_end0:
.L_simem_size_0:
called_computation.2_lowered:
.L_overlay_start_0:
0x88: {  	s2 =	sld [smem:$0x3FD9]  }
0x89: {  	s3 =	sld [smem:$0x3FFE];
	_ =	sdelay $0x1  }
0x8a: {  	s1 =	srdreg.scid  }
0x8b: {  	s0 =	sand.u32 $0x1, s1  }
0x8c: {  	s14 =	sshll.u32 s0, $0xA;
	s2 =	sadd.s32 s3, s2  }
0x8d: {  	s2 =	sadd.s32 s2, s14  }
0x8e: {  	[smem:$0x3FB5] =	sst s2  }
0x8f: {  	_ = 	snop  }
0x90: {  	s2 =	sld [smem:$0x3FD0];
	_ =	sdelay $0x2  }
0x91: {  	s15 =	simm.s32 $0xA;
	s4 =	simm.s32 $0x10  }
0x92: {  	[smem:s4], [sflag:s15] =	dma.local [hbm:s2], $0x1  }
0x93: {  	_ =	swait.eq [sflag:s15], $0x1  }
0x94: {  	s16 =	sld [smem:$0x11];
	[sflag:s15] =	ssyncset.done $0x0  }
0x95: {  	s17 =	sld [smem:$0x12];
	[sflag:s15] =	ssyncadd.s32 $0xFFFFFFFF  }
0x96: {  	s18 =	sld [smem:$0x13];
	(tm) =	ssettm $0x1  }
0x97: {  	s5 =	sld [smem:$0x3FFB];
	_ =	sdelay $0x3  }
0x98: {  	_ =	strace s5  }
0x99: {  	s5 =	sld [smem:$0x3FFC];
	_ =	sdelay $0x3  }
0x9a: {  	_ =	strace s5  }
0x9b: {  	s5 =	sld [smem:$0x3FFD];
	_ =	sdelay $0x3  }
0x9c: {  	_ =	strace s5  }
0x9d: {  	_ =	strace $0x8FFFFFFF  }
0x9e: {  	s19 =	sld [smem:$0x3FDB];
	_ =	sdelay $0x1  }
0x9f: {  	s6 =	simm.s32 $_scs_section_size  }
0xa0: {  	s7 =	simm.s32 $_size__tile_overlayer_lowered;
	s8 =	simm.s32 $_tile_overlayer_lowered  }
0xa1: {  	s22 =	simm.s32 $0x1BFF;
	s21 =	sshll.u32 s8, $0x1;
	s5 =	sadd.s32 s6, s19  }
0xa2: {  	s9 =	simm.s32 $0x0;
	s20 =	sshll.u32 s7, $0x1;
	s7 =	sadd.s32 s21, s5  }
0xa3: {  	[timem:s9], [sflag:s22] =	dma.local [hbm:s7], s20  }
0xa4: {  	_ =	swait.ge [sflag:s22], s20  }
0xa5: {  	s6 =	ssub.s32 $0x0, s20;
	[sflag:s22] =	ssyncset.done $0x0  }
0xa6: {  	[sflag:s22] =	ssyncadd.s32 s6;
	_ =	sdelay $0x1  }
0xa7: {  	s23 =	simm.s32 $0x1B8B  }
0xa8: {  	_ =	swait.ge [sflag:s23], $0x1  }
0xa9: {  	[sflag:s23] =	ssyncset.done $0x0  }
0xaa: {  	s25 =	simm.s32 $0x1B8E;
	s24 =	sld [smem:$0x3FFE];
	[sflag:s23] =	ssyncadd.s32 $0xFFFFFFFF  }
0xab: {  	s26 =	simm.s32 $execute0_lowered;
	[smem:$0x3FD2] =	sst s25  }
0xac: {  	s7 =	sshll.u32 s26, $0x1;
	_ =	strace $0x8000004C;
	[dreg:$0x1] =	wrdreg $0xFFFFFFFF  }
0xad: {  	s28 =	simm.s32 $_size_execute0_lowered;
	s5 =	sadd.s32 s5, s7;
	[dreg:$0x0] =	wrdreg $0x0  }
0xae: {  	s7 =	sshll.u32 s28, $0x1;
	[dreg:$0x2] =	wrdreg s5  }
0xaf: {  	[dreg:$0x3] =	wrdreg s7  }
0xb0: {  	[dreg:$0x4] =	wrdreg $0xC0  }
0xb1: {  	_ =	task [dreg:s9], $0x5FFFF  }
0xb2: {  	[dreg:$0x1] =	wrdreg $0xFFFFFFFF  }
0xb3: {  	[dreg:$0x0] =	wrdreg $0x60  }
0xb4: {  	[dreg:$0x2] =	wrdreg s17  }
0xb5: {  	[dreg:$0x3] =	wrdreg s18  }
0xb6: {  	[dreg:$0x4] =	wrdreg s24  }
0xb7: {  	[dreg:$0x5] =	wrdreg s16  }
0xb8: {  	[dreg:$0x6] =	wrdreg $0xA8000  }
0xb9: {  	[dreg:$0x7] =	wrdreg $0x9  }
0xba: {  	_ =	task.clear_ibuf [dreg:s9], $0x8FFFF;
	_ =	strace $0x9000004C  }
0xbb: {  	s29 =	simm.s32 $0x9;
	_ =	strace $0x8000004E  }
0xbc: {  	_ =	swait.ge [sflag:s29], $0x1  }
0xbd: {  	[sflag:s29] =	ssyncadd.s32 $0xFFFFFFFF  }
0xbe: {  	_ =	strace $0x9000004E  }
0xbf: {  	_ =	sfence  }
0xc0: {  	s30 =	sld [smem:$0x0];
	_ =	sdelay $0x2  }
0xc1: {  	s31 =	sshll.u32 s1, $0xD;
	s1 =	sshrl.u32 s1, $0x2  }
0xc2: {  	s3 =	sand.u32 $0x4000, s31;
	s1 =	sadd.s32 s1, s30  }
0xc3: {  	s0 =	sor.u32 s3, s0;
	s1 =	sshll.u32 s1, $0x11  }
0xc4: {  	s0 =	sor.u32 s1, s0  }
0xc5: {  	s0 =	sadd.s32 $0x8F2B, s0  }
0xc6: {  	[sflag:s0] =	ssyncadd.remote.s32 $0x1  }
0xc7: {  	_ =	sfence.sel $0xFFFF  }
0xc8: {  	[dreg:$0x0] =	wrdreg $0xFFFFFFFF;
	(pc) =	sbr.abs _section_cstart, $3  }
0xc9: {  	[dreg:$0x1] =	wrdreg $0xFFFFFFFF  }
0xca: {  	_ =	task.clear_ibuf [dreg:s9], $0x2FFFF;
	_ =	strace $0x9FFFFFFF  }
0xcb: {  	(tm) =	ssettm $0x7FFFFFFF  }
tec
execute0_lowered:
.L_overlay_start_1:
0x0: {  	(tag) =	ssettag $0x1  }
0x1: {  	s11 =	rddreg [dreg:$0x0]  }
0x2: {  	s12 =	rddreg [dreg:$0x1]  }
0x3: {  	s6 =	rddreg [dreg:$0x2]  }
0x4: {  	s2 =	rddreg [dreg:$0x3]  }
0x5: {  	s0 =	srdreg.scid;
	s3 =	rddreg [dreg:$0x4]  }
0x6: {  	s1 =	stileid.u32;
	s4 =	simm.s32 $0x0;
	s15 =	simm.s32 $0x1400  }
0x7: {  	s16 =	simm.s32 $0x80;
	s17 =	simm.s32 $0x2800;
	s18 =	simm.s32 $0x6800  }
0x8: {  	s19 =	simm.s32 $0x1;
	s20 =	simm.s32 $0x2;
	s21 =	simm.s32 $0x2700  }
0x9: {  	s22 =	simm.s32 $0x2780;
	s23 =	simm.s32 $0x0;
	s8 =	smul.u32 $0x14000, s1  }
0xa: {  	s7 =	sand.u32 $0x1, s0;
	s0 =	rddreg [dreg:$0x5];
	s10 =	smul.u32 $0x50000, s1  }
0xb: {  	[smem:$0x7FF] =	sst s4;
	s29 =	sshll.u32 s1, $0x6;
	s5 =	smul.u32 $0x140000, s7  }
0xc: {  	_ =	strace $0x8000004D;
	s9 =	sshll.u32 s7, $0x4;
	s7 =	ssub.s32 $0x2, s7  }
0xd: {  	s9 =	sor.u32 s1, s9;
	s26 =	sshrl.u32 s7, $0x1;
	s28 =	sshrl.u32 s10, $0x2  }
0xe: {  	s8 =	sadd.s32 s8, s5;
	s5 =	sadd.s32 $0x4A00, s6;
	s9 =	smul.u32 $0x2800, s9  }
0xf: {  	s13 =	ssub.s32 s7, s26;
	s14 =	sadd.s32 s28, s3;
	s8 =	sshrl.u32 s8, $0x3  }
0x10: {  	s8 =	sadd.s32 s8, s6;
	s6 =	sor.u32 $0x1C03, s29;
	s30 =	sshrl.u32 s9, $0x3  }
0x11: {  	s7 =	sadd.s32 $0x2CA00, s8;
	s8 =	smax.u32 s13, $0x1;
	s31 =	sadd.s32 $0x280, s30  }
0x12: {  	s9 =	sadd.s32 s11, s30;
	s10 =	sadd.s32 s12, s30;
	s13 =	sshrl.u32 s14, $0x3  }
0x13: {  	s14 =	simm.s32 $0x3;
	s11 =	sadd.s32 s11, s31;
	s12 =	sadd.s32 s12, s31  }
.LBB2_1:
0x14: {  	[spmem:s13], [sflag:s6] =	dma.local [hbm:s2], $0x2800  }
0x15: {  	_ =	swait.ge [sflag:s14], $0x2800  }
0x16: {  	[sflag:s14] =	ssyncset.done $0x0  }
0x17: {  	[sflag:s14] =	ssyncadd.s32 $0xFFFFD800  }
0x18: {  	[bflag:$0x0] =	sbarrier.arrive $0xFFFF  }
0x19: {  	[tilespmem:s4], [sflag:$0x3] =	stream.linear.gather [hbm4b:s9+s4], $0x1400, $0x38;
	[tilespmem:$0x1E800] =	vst v63  }
0x1a: {  	_ =	swait.ge [sflag:s14], $0x1400  }
0x1b: {  	[sflag:s14] =	ssyncset.done $0x0  }
0x1c: {  	[sflag:s14] =	ssyncadd.s32 $0xFFFFEC00  }
0x1d: {  	[tilespmem:s15], [sflag:$0x3] =	stream.linear.gather [hbm4b:s10+s4], $0x1400, $0x38;
	[tilespmem:$0x1E800] =	vst v63  }
0x1e: {  	_ =	swait.ge [sflag:s14], $0x1400  }
0x1f: {  	[sflag:s14] =	ssyncset.done $0x0  }
0x20: {  	[sflag:s14] =	ssyncadd.s32 $0xFFFFEC00  }
0x21: {  	[tilespmem:s17], [sflag:$0x1] =	stream.indirect.gather [hbm4b:s5+s16], $0x80, s4, s16, $0xb8;
	[tilespmem:$0x1E800] =	vst v63  }
0x22: {  	_ = 	snop  }
0x23: {  	[tilespmem:s18], [sflag:$0x2] =	stream.indirect.gather [hbm4b:s5+s16], $0x80, s16, s16, $0xb8;
	[tilespmem:$0x1E800] =	vst v63  }
0x24: {  	_ =	swait.ge [sflag:s19], $0x4000  }
0x25: {  	[sflag:s19] =	ssyncset.done $0x0  }
0x26: {  	s24 =	simm.s32 $0x1400;
	[sflag:s19] =	ssyncadd.s32 $0xFFFFC000  }
0x27: {  	[spmem:s3] =	stream.indirect.scatter.add.f32 [tilespmem:s17], [sflag:$0x3], $0x80, s24, s16, $0xb8;
	[tilespmem:$0x1E800] =	vst v63  }
0x28: {  	_ =	swait.ge [sflag:s14], $0x4000  }
0x29: {  	[sflag:s14] =	ssyncset.done $0x0  }
0x2a: {  	s30 =	simm.s32 $0x100;
	[sflag:s14] =	ssyncadd.s32 $0xFFFFC000  }
0x2b: {  	[tilespmem:s17], [sflag:$0x1] =	stream.indirect.gather [hbm4b:s5+s16], $0x80, s30, s16, $0xb8;
	[tilespmem:$0x1E800] =	vst v63  }
0x2c: {  	_ =	swait.ge [sflag:s20], $0x4000  }
0x2d: {  	[sflag:s20] =	ssyncset.done $0x0  }
0x2e: {  	s31 =	simm.s32 $0x1480;
	[sflag:s20] =	ssyncadd.s32 $0xFFFFC000  }
0x2f: {  	[spmem:s3] =	stream.indirect.scatter.add.f32 [tilespmem:s18], [sflag:$0x3], $0x80, s31, s16, $0xb8;
	[tilespmem:$0x1E800] =	vst v63  }
0x30: {  	_ =	swait.ge [sflag:s14], $0x4000  }
0x31: {  	[sflag:s14] =	ssyncset.done $0x0  }
0x32: {  	s25 =	simm.s32 $0x180;
	s24 =	simm.s32 $0x400;
	[sflag:s14] =	ssyncadd.s32 $0xFFFFC000  }
.LBB2_2:
0x33: {  	[tilespmem:s18], [sflag:$0x2] =	stream.indirect.gather [hbm4b:s5+s16], $0x80, s25, s16, $0xb8;
	[tilespmem:$0x1E800] =	vst v63  }
0x34: {  	s25 =	smov.u32 s24  }
0x35: {  	p0 =	sne.s32 s24, $0x4800;
	s24 =	sadd.s32 $0x400, s24;
	_ =	swait.ge [sflag:s19], $0x4000  }
0x36: {  	s25 =	sshra.s32 s25, $0x2;
	[sflag:s19] =	ssyncset.done $0x0  }
0x37: {  	s26 =	sadd.s32 $0x1400, s25;
	[sflag:s19] =	ssyncadd.s32 $0xFFFFC000  }
0x38: {  	[spmem:s3] =	stream.indirect.scatter.add.f32 [tilespmem:s17], [sflag:$0x3], $0x80, s26, s16, $0xb8;
	[tilespmem:$0x1E800] =	vst v63  }
0x39: {  	_ =	swait.ge [sflag:s14], $0x4000  }
0x3a: {  	[sflag:s14] =	ssyncset.done $0x0  }
0x3b: {  	s26 =	sadd.s32 $0x100, s25;
	[sflag:s14] =	ssyncadd.s32 $0xFFFFC000  }
0x3c: {  	[tilespmem:s17], [sflag:$0x1] =	stream.indirect.gather [hbm4b:s5+s16], $0x80, s26, s16, $0xb8;
	[tilespmem:$0x1E800] =	vst v63  }
0x3d: {  	_ =	swait.ge [sflag:s20], $0x4000  }
0x3e: {  	[sflag:s20] =	ssyncset.done $0x0  }
.Ltmp0:
0x3f: {  	s26 =	sadd.s32 $0x1480, s25;
	[sflag:s20] =	ssyncadd.s32 $0xFFFFC000;
	(pc) =	sbr.rel @p0 .LBB2_2-.Ltmp0, $4  }
0x40: {  	[spmem:s3] =	stream.indirect.scatter.add.f32 [tilespmem:s18], [sflag:$0x3], $0x80, s26, s16, $0xb8;
	[tilespmem:$0x1E800] =	vst v63  }
0x41: {  	_ =	swait.ge [sflag:s14], $0x4000  }
0x42: {  	[sflag:s14] =	ssyncset.done $0x0  }
0x43: {  	s25 =	sadd.s32 $0x180, s25;
	[sflag:s14] =	ssyncadd.s32 $0xFFFFC000  }
0x44: {  	[tilespmem:s18], [sflag:$0x2] =	stream.indirect.gather [hbm4b:s5+s16], $0x80, s25, s16, $0xb8;
	[tilespmem:$0x1E800] =	vst v63  }
0x45: {  	_ =	swait.ge [sflag:s19], $0x4000  }
0x46: {  	[sflag:s19] =	ssyncset.done $0x0  }
0x47: {  	[sflag:s19] =	ssyncadd.s32 $0xFFFFC000  }
0x48: {  	[spmem:s3] =	stream.indirect.scatter.add.f32 [tilespmem:s17], [sflag:$0x3], $0x80, s21, s16, $0xb8;
	[tilespmem:$0x1E800] =	vst v63  }
0x49: {  	_ =	swait.ge [sflag:s14], $0x4000  }
0x4a: {  	[sflag:s14] =	ssyncset.done $0x0  }
0x4b: {  	[sflag:s14] =	ssyncadd.s32 $0xFFFFC000  }
0x4c: {  	_ =	swait.ge [sflag:s20], $0x4000  }
0x4d: {  	[sflag:s20] =	ssyncset.done $0x0  }
0x4e: {  	[sflag:s20] =	ssyncadd.s32 $0xFFFFC000  }
0x4f: {  	[spmem:s3] =	stream.indirect.scatter.add.f32 [tilespmem:s18], [sflag:$0x3], $0x80, s22, s16, $0xb8;
	[tilespmem:$0x1E800] =	vst v63  }
0x50: {  	_ =	swait.ge [sflag:s14], $0x4000  }
0x51: {  	[sflag:s14] =	ssyncset.done $0x0  }
0x52: {  	s24 =	simm.s32 $0x0;
	[sflag:s14] =	ssyncadd.s32 $0xFFFFC000  }
0x53: {  	[tilespmem:s24], [sflag:$0x3] =	stream.linear.gather [hbm4b:s11+s24], $0x1400, $0x38;
	[tilespmem:$0x1E800] =	vst v63  }
0x54: {  	_ =	swait.ge [sflag:s14], $0x1400  }
0x55: {  	[sflag:s14] =	ssyncset.done $0x0  }
0x56: {  	[sflag:s14] =	ssyncadd.s32 $0xFFFFEC00  }
0x57: {  	[tilespmem:s15], [sflag:$0x3] =	stream.linear.gather [hbm4b:s12+s24], $0x1400, $0x38;
	[tilespmem:$0x1E800] =	vst v63  }
0x58: {  	_ =	swait.ge [sflag:s14], $0x1400  }
0x59: {  	[sflag:s14] =	ssyncset.done $0x0  }
0x5a: {  	[sflag:s14] =	ssyncadd.s32 $0xFFFFEC00  }
0x5b: {  	[tilespmem:s17], [sflag:$0x1] =	stream.indirect.gather [hbm4b:s5+s16], $0x80, s24, s16, $0xb8;
	[tilespmem:$0x1E800] =	vst v63  }
0x5c: {  	_ = 	snop  }
0x5d: {  	[tilespmem:s18], [sflag:$0x2] =	stream.indirect.gather [hbm4b:s5+s16], $0x80, s16, s16, $0xb8;
	[tilespmem:$0x1E800] =	vst v63  }
0x5e: {  	_ =	swait.ge [sflag:s19], $0x4000  }
0x5f: {  	[sflag:s19] =	ssyncset.done $0x0  }
0x60: {  	s29 =	simm.s32 $0x1400;
	[sflag:s19] =	ssyncadd.s32 $0xFFFFC000  }
0x61: {  	[spmem:s3] =	stream.indirect.scatter.add.f32 [tilespmem:s17], [sflag:$0x3], $0x80, s29, s16, $0xb8;
	[tilespmem:$0x1E800] =	vst v63  }
0x62: {  	_ =	swait.ge [sflag:s14], $0x4000  }
0x63: {  	[sflag:s14] =	ssyncset.done $0x0  }
0x64: {  	s30 =	simm.s32 $0x100;
	[sflag:s14] =	ssyncadd.s32 $0xFFFFC000  }
0x65: {  	[tilespmem:s17], [sflag:$0x1] =	stream.indirect.gather [hbm4b:s5+s16], $0x80, s30, s16, $0xb8;
	[tilespmem:$0x1E800] =	vst v63  }
0x66: {  	_ =	swait.ge [sflag:s20], $0x4000  }
0x67: {  	[sflag:s20] =	ssyncset.done $0x0  }
0x68: {  	s31 =	simm.s32 $0x1480;
	[sflag:s20] =	ssyncadd.s32 $0xFFFFC000  }
0x69: {  	[spmem:s3] =	stream.indirect.scatter.add.f32 [tilespmem:s18], [sflag:$0x3], $0x80, s31, s16, $0xb8;
	[tilespmem:$0x1E800] =	vst v63  }
0x6a: {  	_ =	swait.ge [sflag:s14], $0x4000  }
0x6b: {  	[sflag:s14] =	ssyncset.done $0x0  }
0x6c: {  	s25 =	simm.s32 $0x180;
	s24 =	simm.s32 $0x400;
	[sflag:s14] =	ssyncadd.s32 $0xFFFFC000  }
.LBB2_4:
0x6d: {  	[tilespmem:s18], [sflag:$0x2] =	stream.indirect.gather [hbm4b:s5+s16], $0x80, s25, s16, $0xb8;
	[tilespmem:$0x1E800] =	vst v63  }
0x6e: {  	s25 =	smov.u32 s24  }
0x6f: {  	p0 =	sne.s32 s24, $0x4800;
	s24 =	sadd.s32 $0x400, s24;
	_ =	swait.ge [sflag:s19], $0x4000  }
0x70: {  	s25 =	sshra.s32 s25, $0x2;
	[sflag:s19] =	ssyncset.done $0x0  }
0x71: {  	s26 =	sadd.s32 $0x1400, s25;
	[sflag:s19] =	ssyncadd.s32 $0xFFFFC000  }
0x72: {  	[spmem:s3] =	stream.indirect.scatter.add.f32 [tilespmem:s17], [sflag:$0x3], $0x80, s26, s16, $0xb8;
	[tilespmem:$0x1E800] =	vst v63  }
0x73: {  	_ =	swait.ge [sflag:s14], $0x4000  }
0x74: {  	[sflag:s14] =	ssyncset.done $0x0  }
0x75: {  	s26 =	sadd.s32 $0x100, s25;
	[sflag:s14] =	ssyncadd.s32 $0xFFFFC000  }
0x76: {  	[tilespmem:s17], [sflag:$0x1] =	stream.indirect.gather [hbm4b:s5+s16], $0x80, s26, s16, $0xb8;
	[tilespmem:$0x1E800] =	vst v63  }
0x77: {  	_ =	swait.ge [sflag:s20], $0x4000  }
0x78: {  	[sflag:s20] =	ssyncset.done $0x0  }
.Ltmp1:
0x79: {  	s26 =	sadd.s32 $0x1480, s25;
	[sflag:s20] =	ssyncadd.s32 $0xFFFFC000;
	(pc) =	sbr.rel @p0 .LBB2_4-.Ltmp1, $4  }
0x7a: {  	[spmem:s3] =	stream.indirect.scatter.add.f32 [tilespmem:s18], [sflag:$0x3], $0x80, s26, s16, $0xb8;
	[tilespmem:$0x1E800] =	vst v63  }
0x7b: {  	_ =	swait.ge [sflag:s14], $0x4000  }
0x7c: {  	[sflag:s14] =	ssyncset.done $0x0  }
0x7d: {  	s25 =	sadd.s32 $0x180, s25;
	[sflag:s14] =	ssyncadd.s32 $0xFFFFC000  }
0x7e: {  	[tilespmem:s18], [sflag:$0x2] =	stream.indirect.gather [hbm4b:s5+s16], $0x80, s25, s16, $0xb8;
	[tilespmem:$0x1E800] =	vst v63  }
0x7f: {  	_ =	swait.ge [sflag:s19], $0x4000  }
0x80: {  	[sflag:s19] =	ssyncset.done $0x0  }
0x81: {  	[sflag:s19] =	ssyncadd.s32 $0xFFFFC000  }
0x82: {  	[spmem:s3] =	stream.indirect.scatter.add.f32 [tilespmem:s17], [sflag:$0x3], $0x80, s21, s16, $0xb8;
	[tilespmem:$0x1E800] =	vst v63  }
0x83: {  	_ =	swait.ge [sflag:s14], $0x4000  }
0x84: {  	[sflag:s14] =	ssyncset.done $0x0  }
0x85: {  	[sflag:s14] =	ssyncadd.s32 $0xFFFFC000  }
0x86: {  	_ =	swait.ge [sflag:s20], $0x4000  }
0x87: {  	[sflag:s20] =	ssyncset.done $0x0  }
0x88: {  	[sflag:s20] =	ssyncadd.s32 $0xFFFFC000  }
0x89: {  	[spmem:s3] =	stream.indirect.scatter.add.f32 [tilespmem:s18], [sflag:$0x3], $0x80, s22, s16, $0xb8;
	[tilespmem:$0x1E800] =	vst v63  }
0x8a: {  	_ =	swait.ge [sflag:s14], $0x4000  }
0x8b: {  	s23 =	sadd.s32 $0x1, s23;
	[sflag:s14] =	ssyncset.done $0x0  }
0x8c: {  	p0 =	sne.s32 s23, s8;
	[sflag:s14] =	ssyncadd.s32 $0xFFFFC000  }
.Ltmp2:
0x8d: {  	[bflag:$0x0] =	sbarrier.arrive $0xFFFF;
	(pc) =	sbr.rel @p0 .LBB2_1-.Ltmp2, $4  }
0x8e: {  	[hbm:s7], [sflag:s6] =	dma.local [spmem:s13], $0x2800  }
0x8f: {  	_ =	swait.ge [sflag:s14], $0x2800  }
0x90: {  	[sflag:s14] =	ssyncset.done $0x0  }
0x91: {  	[sflag:s14] =	ssyncadd.s32 $0xFFFFD800  }
0x92: {  	_ =	sfence.sel $0x180000  }
0x93: {  	[bflag:$0x0] =	sbarrier.arrive $0xFFFF  }
0x94: {  	p0 =	sne.s32 s1, $0x0;
	_ =	strace $0x9000004D  }
0x95: {  	s0 =	sadd.s32 @!p0 $0x100000, s0;
	[bflag:$0x2] =	sbarrier.arrive $0xFFFF  }
0x96: {  	[sflag:s0] =	ssyncadd.tile.s32 @!p0 $0x1;
	_ =	shalt  }
.Lfunc_end2:
_tile_overlayer_lowered:
.L_overlay_start_2:
0x97: {  	(tag) =	ssettag $0x2  }
0x98: {  	s0 =	rddreg [dreg:$0x0];
	s2 =	stileid.u32  }
0x99: {  	s1 =	rddreg [dreg:$0x1];
	p0 =	sne.s32 s2, $0x0  }
0x9a: {  	s3 =	rddreg [dreg:$0x2];
	[bflag:$0x3] =	sbarrier.arrive $0xFFFF;
	s2 =	simm.s32 @!p0 $0x1C03  }
0x9b: {  	[timem:s3], [sflag:s2] =	dma.local @!p0 [hbm:s0], s1  }
0x9c: {  	s0 =	simm.s32 @!p0 $0x3  }
0x9d: {  	_ =	swait.ge @!p0 [sflag:s0], s1  }
0x9e: {  	s1 =	ssub.s32 @!p0 $0x0, s1;
	[sflag:s0] =	ssyncset.done @!p0 $0x0  }
0x9f: {  	[sflag:s0] =	ssyncadd.s32 @!p0 s1  }
0xa0: {  	[bflag:$0x3] =	sbarrier.arrive $0xFFFF  }
0xa1: {  	_ =	shalt  }

// kernel: kernel.20.cloned.1.call-start
scs
__scs_entry_jumppad:
0x0: {  	(pc) =	sbr.rel $0x88, $3  }
0x1: {  	(tag) =	ssettag $0x0;
	lr =	simm.s32 $0x1  }
0x2: {  	[smem:$0x3F8E] =	sst lr;
	_ =	strace $0xD0000000  }
0x3: {  	_ = 	snop  }
0x4: {  	_ = 	snop  }
0x5: {  	_ = 	snop  }
0x6: {  	_ = 	snop  }
0x7: {  	_ = 	snop  }
__scs_overlays_trampoline_lowered:
0x8: {  	[smem:$0x3F9D] =	sst s0  }
0x9: {  	[smem:$0x3F9E] =	sst s1  }
0xa: {  	[smem:$0x3F9F] =	sst s2  }
0xb: {  	[smem:$0x3FA0] =	sst s3  }
0xc: {  	[smem:$0x3FA1] =	sst s4  }
0xd: {  	[smem:$0x3FA2] =	sst s5  }
0xe: {  	[smem:$0x3FA3] =	sst s6  }
0xf: {  	[smem:$0x3FA4] =	sst s7  }
0x10: {  	[smem:$0x3FA5] =	sst s8  }
0x11: {  	[smem:$0x3FA6] =	sst s9;
	s0 =	simm.s32 @!p0 $0x0  }
0x12: {  	s1 =	sld [smem:$0x3F8C];
	s0 =	simm.s32 @p0 $0x1  }
0x13: {  	[smem:$0x3FA7] =	sst s0;
	s0 =	simm.s32 @!p1 $0x0  }
0x14: {  	s2 =	sld [smem:$0x3F8B];
	s0 =	simm.s32 @p1 $0x1  }
0x15: {  	[smem:$0x3FA8] =	sst s0;
	s0 =	simm.s32 @!p2 $0x0  }
0x16: {  	s3 =	sld [smem:$0x3FDB];
	s0 =	simm.s32 @p2 $0x1  }
0x17: {  	s4 =	simm.s32 $0x1BF5;
	[smem:$0x3FAA] =	sst s0  }
0x18: {  	s0 =	sld [smem:$0x3F8D];
	_ =	swait.ge [sflag:s4], $0x0  }
0x19: {  	s7 =	sld [smem:$0x3F8E]  }
0x1a: {  	s8 =	sadd.s32 $0xFFFFE003, lr  }
0x1b: {  	s9 =	sadd.s32 $0xFFFFFEF7, lr;
	s5 =	simm.s32 $0xFFFFFFFF;
	p2 =	slt.u32 s8, $0xFFFFF086  }
0x1c: {  	p1 =	slt.u32 s9, $0xF7A;
	s5 =	simm.s32 @!p2 $0x0  }
0x1d: {  	s5 =	simm.s32 @p1 $0x1;
	p0 =	seq.s32 s7, s2  }
0x1e: {  	s7 =	smul.u32 @!p0 $0xF7A, s2;
	p2 =	seq.s32 @!p0 s5, $0x0  }
0x1f: {  	s9 =	smul.u32 $0xF7A, s1;
	s8 =	simm.s32 @!p0 $0x1BF5;
	p2 =	por !p2, p0  }
0x20: {  	[sflag:s8] =	ssyncset.s32 @!p0 $0xFFFFF086;
	s6 =	sadd.s32 @!p0 s3, s7;
	s7 =	simm.s32 @!p0 $0x108  }
0x21: {  	s3 =	sadd.s32 s3, s9;
	s6 =	sadd.s32 @!p0 $0x88, s6;
	s7 =	simm.s32 @p2 $0x1082  }
0x22: {  	[simem:s7], [sflag:s8] =	dma.local @!p0 [hbm:s6], $0xF7A  }
0x23: {  	s9 =	sor.u32 $0xD0000000, s2;
	s6 =	simm.s32 $0x108;
	_ =	swait.ge @!p0 [sflag:s8], $0x0  }
0x24: {  	s3 =	sadd.s32 $0x88, s3;
	s6 =	simm.s32 @!p1 $0x1082;
	[sflag:s4] =	ssyncset.s32 $0xFFFFF086  }
0x25: {  	[simem:s6], [sflag:s4] =	dma.local [hbm:s3], $0xF7A  }
0x26: {  	[smem:$0x3F8E] =	sst s1;
	(tag) =	ssettag s2;
	_ =	strace s9  }
0x27: {  	s1 =	sld [smem:$0x3F9E]  }
0x28: {  	s2 =	sld [smem:$0x3F9F]  }
0x29: {  	s4 =	sld [smem:$0x3FA1]  }
0x2a: {  	p0 =	seq.s32 s5, $0x0;
	s5 =	sld [smem:$0x3FA2]  }
0x2b: {  	s6 =	sld [smem:$0x3FA3]  }
0x2c: {  	s7 =	sld [smem:$0x3FA4]  }
0x2d: {  	s3 =	simm.s32 $0x108;
	s8 =	sld [smem:$0x3FA5]  }
0x2e: {  	s3 =	simm.s32 @!p0 $0x1082;
	s9 =	sld [smem:$0x3FA6]  }
0x2f: {  	lr =	sadd.s32 s0, s3;
	s0 =	sld [smem:$0x3F9D]  }
0x30: {  	s3 =	sld [smem:$0x3FA0]  }
0x31: {  	[smem:$0x3FA9] =	sst s10  }
0x32: {  	s10 =	sld [smem:$0x3FA7];
	_ =	sdelay $0x3  }
0x33: {  	p0 =	seq.s32 s10, $0x1;
	s10 =	sld [smem:$0x3FA9];
	_ =	sdelay $0x3  }
0x34: {  	[smem:$0x3FA9] =	sst s10  }
0x35: {  	s10 =	sld [smem:$0x3FA8];
	_ =	sdelay $0x3  }
0x36: {  	p1 =	seq.s32 s10, $0x1;
	s10 =	sld [smem:$0x3FA9];
	_ =	sdelay $0x3  }
0x37: {  	[smem:$0x3FA9] =	sst s10  }
0x38: {  	s10 =	sld [smem:$0x3FAA]  }
0x39: {  	_ = 	snop;
	(pc) =	sbr.ind lr, $3  }
0x3a: {  	_ = 	snop  }
0x3b: {  	_ = 	snop  }
0x3c: {  	p2 =	seq.s32 s10, $0x1;
	s10 =	sld [smem:$0x3FA9]  }
0x3d: {  	_ =	shalt  }
0x3e: {  	_ =	shalt  }
0x3f: {  	_ =	shalt  }
0x40: {  	_ =	shalt  }
0x41: {  	_ =	shalt  }
0x42: {  	_ =	shalt  }
0x43: {  	_ =	shalt  }
0x44: {  	_ =	shalt  }
0x45: {  	_ =	shalt  }
0x46: {  	_ =	shalt  }
0x47: {  	_ =	shalt  }
0x48: {  	_ =	shalt  }
0x49: {  	_ =	shalt  }
0x4a: {  	_ =	shalt  }
0x4b: {  	_ =	shalt  }
0x4c: {  	_ =	shalt  }
0x4d: {  	_ =	shalt  }
0x4e: {  	_ =	shalt  }
0x4f: {  	_ =	shalt  }
0x50: {  	_ =	shalt  }
0x51: {  	_ =	shalt  }
0x52: {  	_ =	shalt  }
0x53: {  	_ =	shalt  }
0x54: {  	_ =	shalt  }
0x55: {  	_ =	shalt  }
0x56: {  	_ =	shalt  }
0x57: {  	_ =	shalt  }
0x58: {  	_ =	shalt  }
0x59: {  	_ =	shalt  }
0x5a: {  	_ =	shalt  }
0x5b: {  	_ =	shalt  }
0x5c: {  	_ =	shalt  }
0x5d: {  	_ =	shalt  }
0x5e: {  	_ =	shalt  }
0x5f: {  	_ =	shalt  }
0x60: {  	_ =	shalt  }
0x61: {  	_ =	shalt  }
0x62: {  	_ =	shalt  }
0x63: {  	_ =	shalt  }
0x64: {  	_ =	shalt  }
0x65: {  	_ =	shalt  }
0x66: {  	_ =	shalt  }
0x67: {  	_ =	shalt  }
0x68: {  	_ =	shalt  }
0x69: {  	_ =	shalt  }
0x6a: {  	_ =	shalt  }
0x6b: {  	_ =	shalt  }
0x6c: {  	_ =	shalt  }
0x6d: {  	_ =	shalt  }
0x6e: {  	_ =	shalt  }
0x6f: {  	_ =	shalt  }
0x70: {  	_ =	shalt  }
0x71: {  	_ =	shalt  }
0x72: {  	_ =	shalt  }
0x73: {  	_ =	shalt  }
0x74: {  	_ =	shalt  }
0x75: {  	_ =	shalt  }
0x76: {  	_ =	shalt  }
0x77: {  	_ =	shalt  }
0x78: {  	_ =	shalt  }
0x79: {  	_ =	shalt  }
0x7a: {  	_ =	shalt  }
0x7b: {  	_ =	shalt  }
0x7c: {  	_ =	shalt  }
0x7d: {  	_ =	shalt  }
0x7e: {  	_ =	shalt  }
0x7f: {  	_ =	shalt  }
0x80: {  	_ =	shalt  }
0x81: {  	_ =	shalt  }
0x82: {  	_ =	shalt  }
0x83: {  	_ =	shalt  }
0x84: {  	_ =	shalt  }
0x85: {  	_ =	shalt  }
0x86: {  	_ =	shalt  }
0x87: {  	_ =	shalt  }
.Lfunc_end0:
.L_simem_size_0:
called_computation.3_lowered:
.L_overlay_start_0:
0x88: {  	s2 =	sld [smem:$0x3FD9]  }
0x89: {  	s3 =	sld [smem:$0x3FFE];
	_ =	sdelay $0x1  }
0x8a: {  	s1 =	srdreg.scid  }
0x8b: {  	s0 =	sand.u32 $0x1, s1  }
0x8c: {  	s14 =	sshll.u32 s0, $0xA;
	s2 =	sadd.s32 s3, s2  }
0x8d: {  	s2 =	sadd.s32 s2, s14  }
0x8e: {  	[smem:$0x3FB5] =	sst s2  }
0x8f: {  	_ = 	snop  }
0x90: {  	s2 =	sld [smem:$0x3FD0];
	_ =	sdelay $0x2  }
0x91: {  	s15 =	simm.s32 $0xA;
	s4 =	simm.s32 $0x10  }
0x92: {  	[smem:s4], [sflag:s15] =	dma.local [hbm:s2], $0x1  }
0x93: {  	_ =	swait.eq [sflag:s15], $0x1  }
0x94: {  	s16 =	sld [smem:$0x11];
	[sflag:s15] =	ssyncset.done $0x0  }
0x95: {  	s17 =	sld [smem:$0x12];
	[sflag:s15] =	ssyncadd.s32 $0xFFFFFFFF  }
0x96: {  	s18 =	sld [smem:$0x13];
	(tm) =	ssettm $0x1  }
0x97: {  	s5 =	sld [smem:$0x3FFB];
	_ =	sdelay $0x3  }
0x98: {  	_ =	strace s5  }
0x99: {  	s5 =	sld [smem:$0x3FFC];
	_ =	sdelay $0x3  }
0x9a: {  	_ =	strace s5  }
0x9b: {  	s5 =	sld [smem:$0x3FFD];
	_ =	sdelay $0x3  }
0x9c: {  	_ =	strace s5  }
0x9d: {  	_ =	strace $0x8FFFFFFF  }
0x9e: {  	s19 =	sld [smem:$0x3FDB];
	_ =	sdelay $0x1  }
0x9f: {  	s6 =	simm.s32 $_scs_section_size  }
0xa0: {  	s7 =	simm.s32 $_size__tile_overlayer_lowered;
	s8 =	simm.s32 $_tile_overlayer_lowered  }
0xa1: {  	s22 =	simm.s32 $0x1BFF;
	s21 =	sshll.u32 s8, $0x1;
	s5 =	sadd.s32 s6, s19  }
0xa2: {  	s9 =	simm.s32 $0x0;
	s20 =	sshll.u32 s7, $0x1;
	s7 =	sadd.s32 s21, s5  }
0xa3: {  	[timem:s9], [sflag:s22] =	dma.local [hbm:s7], s20  }
0xa4: {  	_ =	swait.ge [sflag:s22], s20  }
0xa5: {  	s6 =	ssub.s32 $0x0, s20;
	[sflag:s22] =	ssyncset.done $0x0  }
0xa6: {  	[sflag:s22] =	ssyncadd.s32 s6;
	_ =	sdelay $0x1  }
0xa7: {  	s23 =	simm.s32 $0x1B8B  }
0xa8: {  	_ =	swait.ge [sflag:s23], $0x1  }
0xa9: {  	[sflag:s23] =	ssyncset.done $0x0  }
0xaa: {  	s25 =	simm.s32 $0x1B8E;
	s24 =	sld [smem:$0x3FFE];
	[sflag:s23] =	ssyncadd.s32 $0xFFFFFFFF  }
0xab: {  	s26 =	simm.s32 $execute0_lowered;
	[smem:$0x3FD2] =	sst s25  }
0xac: {  	s7 =	sshll.u32 s26, $0x1;
	_ =	strace $0x8000004F;
	[dreg:$0x1] =	wrdreg $0xFFFFFFFF  }
0xad: {  	s28 =	simm.s32 $_size_execute0_lowered;
	s5 =	sadd.s32 s5, s7;
	[dreg:$0x0] =	wrdreg $0x0  }
0xae: {  	s7 =	sshll.u32 s28, $0x1;
	[dreg:$0x2] =	wrdreg s5  }
0xaf: {  	[dreg:$0x3] =	wrdreg s7  }
0xb0: {  	[dreg:$0x4] =	wrdreg $0xC0  }
0xb1: {  	_ =	task [dreg:s9], $0x5FFFF  }
0xb2: {  	[dreg:$0x1] =	wrdreg $0xFFFFFFFF  }
0xb3: {  	[dreg:$0x0] =	wrdreg $0x60  }
0xb4: {  	[dreg:$0x2] =	wrdreg s17  }
0xb5: {  	[dreg:$0x3] =	wrdreg s18  }
0xb6: {  	[dreg:$0x4] =	wrdreg s24  }
0xb7: {  	[dreg:$0x5] =	wrdreg s16  }
0xb8: {  	[dreg:$0x6] =	wrdreg $0xA8000  }
0xb9: {  	[dreg:$0x7] =	wrdreg $0x9  }
0xba: {  	_ =	task.clear_ibuf [dreg:s9], $0x8FFFF;
	_ =	strace $0x9000004F  }
0xbb: {  	s29 =	simm.s32 $0x9;
	_ =	strace $0x80000051  }
0xbc: {  	_ =	swait.ge [sflag:s29], $0x1  }
0xbd: {  	[sflag:s29] =	ssyncadd.s32 $0xFFFFFFFF  }
0xbe: {  	_ =	strace $0x90000051  }
0xbf: {  	_ =	sfence  }
0xc0: {  	s30 =	sld [smem:$0x0];
	_ =	sdelay $0x2  }
0xc1: {  	s31 =	sshll.u32 s1, $0xD;
	s1 =	sshrl.u32 s1, $0x2  }
0xc2: {  	s3 =	sand.u32 $0x4000, s31;
	s1 =	sadd.s32 s1, s30  }
0xc3: {  	s0 =	sor.u32 s3, s0;
	s1 =	sshll.u32 s1, $0x11  }
0xc4: {  	s0 =	sor.u32 s1, s0  }
0xc5: {  	s0 =	sadd.s32 $0x8F2B, s0  }
0xc6: {  	[sflag:s0] =	ssyncadd.remote.s32 $0x1  }
0xc7: {  	_ =	sfence.sel $0xFFFF  }
0xc8: {  	[dreg:$0x0] =	wrdreg $0xFFFFFFFF;
	(pc) =	sbr.abs _section_cstart, $3  }
0xc9: {  	[dreg:$0x1] =	wrdreg $0xFFFFFFFF  }
0xca: {  	_ =	task.clear_ibuf [dreg:s9], $0x2FFFF;
	_ =	strace $0x9FFFFFFF  }
0xcb: {  	(tm) =	ssettm $0x7FFFFFFF  }
tec
execute0_lowered:
.L_overlay_start_1:
0x0: {  	(tag) =	ssettag $0x1  }
0x1: {  	s11 =	rddreg [dreg:$0x0]  }
0x2: {  	s12 =	rddreg [dreg:$0x1]  }
0x3: {  	s6 =	rddreg [dreg:$0x2]  }
0x4: {  	s2 =	rddreg [dreg:$0x3]  }
0x5: {  	s0 =	srdreg.scid;
	s3 =	rddreg [dreg:$0x4]  }
0x6: {  	s1 =	stileid.u32;
	s4 =	simm.s32 $0x0;
	s15 =	simm.s32 $0x1400  }
0x7: {  	s16 =	simm.s32 $0x80;
	s17 =	simm.s32 $0x2800;
	s18 =	simm.s32 $0x6800  }
0x8: {  	s19 =	simm.s32 $0x1;
	s20 =	simm.s32 $0x2;
	s21 =	simm.s32 $0x2700  }
0x9: {  	s22 =	simm.s32 $0x2780;
	s23 =	simm.s32 $0x0;
	s8 =	smul.u32 $0x14000, s1  }
0xa: {  	s7 =	sand.u32 $0x1, s0;
	s0 =	rddreg [dreg:$0x5];
	s10 =	smul.u32 $0x50000, s1  }
0xb: {  	[smem:$0x7FF] =	sst s4;
	s29 =	sshll.u32 s1, $0x6;
	s5 =	smul.u32 $0x140000, s7  }
0xc: {  	_ =	strace $0x80000050;
	s9 =	sshll.u32 s7, $0x4;
	s7 =	ssub.s32 $0x2, s7  }
0xd: {  	s9 =	sor.u32 s1, s9;
	s26 =	sshrl.u32 s7, $0x1;
	s28 =	sshrl.u32 s10, $0x2  }
0xe: {  	s8 =	sadd.s32 s8, s5;
	s5 =	sadd.s32 $0x4A00, s6;
	s9 =	smul.u32 $0x2800, s9  }
0xf: {  	s13 =	ssub.s32 s7, s26;
	s14 =	sadd.s32 s28, s3;
	s8 =	sshrl.u32 s8, $0x3  }
0x10: {  	s8 =	sadd.s32 s8, s6;
	s6 =	sor.u32 $0x1C03, s29;
	s30 =	sshrl.u32 s9, $0x3  }
0x11: {  	s7 =	sadd.s32 $0x2CA00, s8;
	s8 =	smax.u32 s13, $0x1;
	s31 =	sadd.s32 $0x280, s30  }
0x12: {  	s9 =	sadd.s32 s11, s30;
	s10 =	sadd.s32 s12, s30;
	s13 =	sshrl.u32 s14, $0x3  }
0x13: {  	s14 =	simm.s32 $0x3;
	s11 =	sadd.s32 s11, s31;
	s12 =	sadd.s32 s12, s31  }
.LBB2_1:
0x14: {  	[spmem:s13], [sflag:s6] =	dma.local [hbm:s2], $0x2800  }
0x15: {  	_ =	swait.ge [sflag:s14], $0x2800  }
0x16: {  	[sflag:s14] =	ssyncset.done $0x0  }
0x17: {  	[sflag:s14] =	ssyncadd.s32 $0xFFFFD800  }
0x18: {  	[bflag:$0x0] =	sbarrier.arrive $0xFFFF  }
0x19: {  	[tilespmem:s4], [sflag:$0x3] =	stream.linear.gather [hbm4b:s9+s4], $0x1400, $0x38;
	[tilespmem:$0x1E800] =	vst v63  }
0x1a: {  	_ =	swait.ge [sflag:s14], $0x1400  }
0x1b: {  	[sflag:s14] =	ssyncset.done $0x0  }
0x1c: {  	[sflag:s14] =	ssyncadd.s32 $0xFFFFEC00  }
0x1d: {  	[tilespmem:s15], [sflag:$0x3] =	stream.linear.gather [hbm4b:s10+s4], $0x1400, $0x38;
	[tilespmem:$0x1E800] =	vst v63  }
0x1e: {  	_ =	swait.ge [sflag:s14], $0x1400  }
0x1f: {  	[sflag:s14] =	ssyncset.done $0x0  }
0x20: {  	[sflag:s14] =	ssyncadd.s32 $0xFFFFEC00  }
0x21: {  	[tilespmem:s17], [sflag:$0x1] =	stream.indirect.gather [hbm4b:s5+s16], $0x80, s4, s16, $0xb8;
	[tilespmem:$0x1E800] =	vst v63  }
0x22: {  	_ = 	snop  }
0x23: {  	[tilespmem:s18], [sflag:$0x2] =	stream.indirect.gather [hbm4b:s5+s16], $0x80, s16, s16, $0xb8;
	[tilespmem:$0x1E800] =	vst v63  }
0x24: {  	_ =	swait.ge [sflag:s19], $0x4000  }
0x25: {  	[sflag:s19] =	ssyncset.done $0x0  }
0x26: {  	s24 =	simm.s32 $0x1400;
	[sflag:s19] =	ssyncadd.s32 $0xFFFFC000  }
0x27: {  	[spmem:s3] =	stream.indirect.scatter.add.f32 [tilespmem:s17], [sflag:$0x3], $0x80, s24, s16, $0xb8;
	[tilespmem:$0x1E800] =	vst v63  }
0x28: {  	_ =	swait.ge [sflag:s14], $0x4000  }
0x29: {  	[sflag:s14] =	ssyncset.done $0x0  }
0x2a: {  	s30 =	simm.s32 $0x100;
	[sflag:s14] =	ssyncadd.s32 $0xFFFFC000  }
0x2b: {  	[tilespmem:s17], [sflag:$0x1] =	stream.indirect.gather [hbm4b:s5+s16], $0x80, s30, s16, $0xb8;
	[tilespmem:$0x1E800] =	vst v63  }
0x2c: {  	_ =	swait.ge [sflag:s20], $0x4000  }
0x2d: {  	[sflag:s20] =	ssyncset.done $0x0  }
0x2e: {  	s31 =	simm.s32 $0x1480;
	[sflag:s20] =	ssyncadd.s32 $0xFFFFC000  }
0x2f: {  	[spmem:s3] =	stream.indirect.scatter.add.f32 [tilespmem:s18], [sflag:$0x3], $0x80, s31, s16, $0xb8;
	[tilespmem:$0x1E800] =	vst v63  }
0x30: {  	_ =	swait.ge [sflag:s14], $0x4000  }
0x31: {  	[sflag:s14] =	ssyncset.done $0x0  }
0x32: {  	s25 =	simm.s32 $0x180;
	s24 =	simm.s32 $0x400;
	[sflag:s14] =	ssyncadd.s32 $0xFFFFC000  }
.LBB2_2:
0x33: {  	[tilespmem:s18], [sflag:$0x2] =	stream.indirect.gather [hbm4b:s5+s16], $0x80, s25, s16, $0xb8;
	[tilespmem:$0x1E800] =	vst v63  }
0x34: {  	s25 =	smov.u32 s24  }
0x35: {  	p0 =	sne.s32 s24, $0x4800;
	s24 =	sadd.s32 $0x400, s24;
	_ =	swait.ge [sflag:s19], $0x4000  }
0x36: {  	s25 =	sshra.s32 s25, $0x2;
	[sflag:s19] =	ssyncset.done $0x0  }
0x37: {  	s26 =	sadd.s32 $0x1400, s25;
	[sflag:s19] =	ssyncadd.s32 $0xFFFFC000  }
0x38: {  	[spmem:s3] =	stream.indirect.scatter.add.f32 [tilespmem:s17], [sflag:$0x3], $0x80, s26, s16, $0xb8;
	[tilespmem:$0x1E800] =	vst v63  }
0x39: {  	_ =	swait.ge [sflag:s14], $0x4000  }
0x3a: {  	[sflag:s14] =	ssyncset.done $0x0  }
0x3b: {  	s26 =	sadd.s32 $0x100, s25;
	[sflag:s14] =	ssyncadd.s32 $0xFFFFC000  }
0x3c: {  	[tilespmem:s17], [sflag:$0x1] =	stream.indirect.gather [hbm4b:s5+s16], $0x80, s26, s16, $0xb8;
	[tilespmem:$0x1E800] =	vst v63  }
0x3d: {  	_ =	swait.ge [sflag:s20], $0x4000  }
0x3e: {  	[sflag:s20] =	ssyncset.done $0x0  }
.Ltmp0:
0x3f: {  	s26 =	sadd.s32 $0x1480, s25;
	[sflag:s20] =	ssyncadd.s32 $0xFFFFC000;
	(pc) =	sbr.rel @p0 .LBB2_2-.Ltmp0, $4  }
0x40: {  	[spmem:s3] =	stream.indirect.scatter.add.f32 [tilespmem:s18], [sflag:$0x3], $0x80, s26, s16, $0xb8;
	[tilespmem:$0x1E800] =	vst v63  }
0x41: {  	_ =	swait.ge [sflag:s14], $0x4000  }
0x42: {  	[sflag:s14] =	ssyncset.done $0x0  }
0x43: {  	s25 =	sadd.s32 $0x180, s25;
	[sflag:s14] =	ssyncadd.s32 $0xFFFFC000  }
0x44: {  	[tilespmem:s18], [sflag:$0x2] =	stream.indirect.gather [hbm4b:s5+s16], $0x80, s25, s16, $0xb8;
	[tilespmem:$0x1E800] =	vst v63  }
0x45: {  	_ =	swait.ge [sflag:s19], $0x4000  }
0x46: {  	[sflag:s19] =	ssyncset.done $0x0  }
0x47: {  	[sflag:s19] =	ssyncadd.s32 $0xFFFFC000  }
0x48: {  	[spmem:s3] =	stream.indirect.scatter.add.f32 [tilespmem:s17], [sflag:$0x3], $0x80, s21, s16, $0xb8;
	[tilespmem:$0x1E800] =	vst v63  }
0x49: {  	_ =	swait.ge [sflag:s14], $0x4000  }
0x4a: {  	[sflag:s14] =	ssyncset.done $0x0  }
0x4b: {  	[sflag:s14] =	ssyncadd.s32 $0xFFFFC000  }
0x4c: {  	_ =	swait.ge [sflag:s20], $0x4000  }
0x4d: {  	[sflag:s20] =	ssyncset.done $0x0  }
0x4e: {  	[sflag:s20] =	ssyncadd.s32 $0xFFFFC000  }
0x4f: {  	[spmem:s3] =	stream.indirect.scatter.add.f32 [tilespmem:s18], [sflag:$0x3], $0x80, s22, s16, $0xb8;
	[tilespmem:$0x1E800] =	vst v63  }
0x50: {  	_ =	swait.ge [sflag:s14], $0x4000  }
0x51: {  	[sflag:s14] =	ssyncset.done $0x0  }
0x52: {  	s24 =	simm.s32 $0x0;
	[sflag:s14] =	ssyncadd.s32 $0xFFFFC000  }
0x53: {  	[tilespmem:s24], [sflag:$0x3] =	stream.linear.gather [hbm4b:s11+s24], $0x1400, $0x38;
	[tilespmem:$0x1E800] =	vst v63  }
0x54: {  	_ =	swait.ge [sflag:s14], $0x1400  }
0x55: {  	[sflag:s14] =	ssyncset.done $0x0  }
0x56: {  	[sflag:s14] =	ssyncadd.s32 $0xFFFFEC00  }
0x57: {  	[tilespmem:s15], [sflag:$0x3] =	stream.linear.gather [hbm4b:s12+s24], $0x1400, $0x38;
	[tilespmem:$0x1E800] =	vst v63  }
0x58: {  	_ =	swait.ge [sflag:s14], $0x1400  }
0x59: {  	[sflag:s14] =	ssyncset.done $0x0  }
0x5a: {  	[sflag:s14] =	ssyncadd.s32 $0xFFFFEC00  }
0x5b: {  	[tilespmem:s17], [sflag:$0x1] =	stream.indirect.gather [hbm4b:s5+s16], $0x80, s24, s16, $0xb8;
	[tilespmem:$0x1E800] =	vst v63  }
0x5c: {  	_ = 	snop  }
0x5d: {  	[tilespmem:s18], [sflag:$0x2] =	stream.indirect.gather [hbm4b:s5+s16], $0x80, s16, s16, $0xb8;
	[tilespmem:$0x1E800] =	vst v63  }
0x5e: {  	_ =	swait.ge [sflag:s19], $0x4000  }
0x5f: {  	[sflag:s19] =	ssyncset.done $0x0  }
0x60: {  	s29 =	simm.s32 $0x1400;
	[sflag:s19] =	ssyncadd.s32 $0xFFFFC000  }
0x61: {  	[spmem:s3] =	stream.indirect.scatter.add.f32 [tilespmem:s17], [sflag:$0x3], $0x80, s29, s16, $0xb8;
	[tilespmem:$0x1E800] =	vst v63  }
0x62: {  	_ =	swait.ge [sflag:s14], $0x4000  }
0x63: {  	[sflag:s14] =	ssyncset.done $0x0  }
0x64: {  	s30 =	simm.s32 $0x100;
	[sflag:s14] =	ssyncadd.s32 $0xFFFFC000  }
0x65: {  	[tilespmem:s17], [sflag:$0x1] =	stream.indirect.gather [hbm4b:s5+s16], $0x80, s30, s16, $0xb8;
	[tilespmem:$0x1E800] =	vst v63  }
0x66: {  	_ =	swait.ge [sflag:s20], $0x4000  }
0x67: {  	[sflag:s20] =	ssyncset.done $0x0  }
0x68: {  	s31 =	simm.s32 $0x1480;
	[sflag:s20] =	ssyncadd.s32 $0xFFFFC000  }
0x69: {  	[spmem:s3] =	stream.indirect.scatter.add.f32 [tilespmem:s18], [sflag:$0x3], $0x80, s31, s16, $0xb8;
	[tilespmem:$0x1E800] =	vst v63  }
0x6a: {  	_ =	swait.ge [sflag:s14], $0x4000  }
0x6b: {  	[sflag:s14] =	ssyncset.done $0x0  }
0x6c: {  	s25 =	simm.s32 $0x180;
	s24 =	simm.s32 $0x400;
	[sflag:s14] =	ssyncadd.s32 $0xFFFFC000  }
.LBB2_4:
0x6d: {  	[tilespmem:s18], [sflag:$0x2] =	stream.indirect.gather [hbm4b:s5+s16], $0x80, s25, s16, $0xb8;
	[tilespmem:$0x1E800] =	vst v63  }
0x6e: {  	s25 =	smov.u32 s24  }
0x6f: {  	p0 =	sne.s32 s24, $0x4800;
	s24 =	sadd.s32 $0x400, s24;
	_ =	swait.ge [sflag:s19], $0x4000  }
0x70: {  	s25 =	sshra.s32 s25, $0x2;
	[sflag:s19] =	ssyncset.done $0x0  }
0x71: {  	s26 =	sadd.s32 $0x1400, s25;
	[sflag:s19] =	ssyncadd.s32 $0xFFFFC000  }
0x72: {  	[spmem:s3] =	stream.indirect.scatter.add.f32 [tilespmem:s17], [sflag:$0x3], $0x80, s26, s16, $0xb8;
	[tilespmem:$0x1E800] =	vst v63  }
0x73: {  	_ =	swait.ge [sflag:s14], $0x4000  }
0x74: {  	[sflag:s14] =	ssyncset.done $0x0  }
0x75: {  	s26 =	sadd.s32 $0x100, s25;
	[sflag:s14] =	ssyncadd.s32 $0xFFFFC000  }
0x76: {  	[tilespmem:s17], [sflag:$0x1] =	stream.indirect.gather [hbm4b:s5+s16], $0x80, s26, s16, $0xb8;
	[tilespmem:$0x1E800] =	vst v63  }
0x77: {  	_ =	swait.ge [sflag:s20], $0x4000  }
0x78: {  	[sflag:s20] =	ssyncset.done $0x0  }
.Ltmp1:
0x79: {  	s26 =	sadd.s32 $0x1480, s25;
	[sflag:s20] =	ssyncadd.s32 $0xFFFFC000;
	(pc) =	sbr.rel @p0 .LBB2_4-.Ltmp1, $4  }
0x7a: {  	[spmem:s3] =	stream.indirect.scatter.add.f32 [tilespmem:s18], [sflag:$0x3], $0x80, s26, s16, $0xb8;
	[tilespmem:$0x1E800] =	vst v63  }
0x7b: {  	_ =	swait.ge [sflag:s14], $0x4000  }
0x7c: {  	[sflag:s14] =	ssyncset.done $0x0  }
0x7d: {  	s25 =	sadd.s32 $0x180, s25;
	[sflag:s14] =	ssyncadd.s32 $0xFFFFC000  }
0x7e: {  	[tilespmem:s18], [sflag:$0x2] =	stream.indirect.gather [hbm4b:s5+s16], $0x80, s25, s16, $0xb8;
	[tilespmem:$0x1E800] =	vst v63  }
0x7f: {  	_ =	swait.ge [sflag:s19], $0x4000  }
0x80: {  	[sflag:s19] =	ssyncset.done $0x0  }
0x81: {  	[sflag:s19] =	ssyncadd.s32 $0xFFFFC000  }
0x82: {  	[spmem:s3] =	stream.indirect.scatter.add.f32 [tilespmem:s17], [sflag:$0x3], $0x80, s21, s16, $0xb8;
	[tilespmem:$0x1E800] =	vst v63  }
0x83: {  	_ =	swait.ge [sflag:s14], $0x4000  }
0x84: {  	[sflag:s14] =	ssyncset.done $0x0  }
0x85: {  	[sflag:s14] =	ssyncadd.s32 $0xFFFFC000  }
0x86: {  	_ =	swait.ge [sflag:s20], $0x4000  }
0x87: {  	[sflag:s20] =	ssyncset.done $0x0  }
0x88: {  	[sflag:s20] =	ssyncadd.s32 $0xFFFFC000  }
0x89: {  	[spmem:s3] =	stream.indirect.scatter.add.f32 [tilespmem:s18], [sflag:$0x3], $0x80, s22, s16, $0xb8;
	[tilespmem:$0x1E800] =	vst v63  }
0x8a: {  	_ =	swait.ge [sflag:s14], $0x4000  }
0x8b: {  	s23 =	sadd.s32 $0x1, s23;
	[sflag:s14] =	ssyncset.done $0x0  }
0x8c: {  	p0 =	sne.s32 s23, s8;
	[sflag:s14] =	ssyncadd.s32 $0xFFFFC000  }
.Ltmp2:
0x8d: {  	[bflag:$0x0] =	sbarrier.arrive $0xFFFF;
	(pc) =	sbr.rel @p0 .LBB2_1-.Ltmp2, $4  }
0x8e: {  	[hbm:s7], [sflag:s6] =	dma.local [spmem:s13], $0x2800  }
0x8f: {  	_ =	swait.ge [sflag:s14], $0x2800  }
0x90: {  	[sflag:s14] =	ssyncset.done $0x0  }
0x91: {  	[sflag:s14] =	ssyncadd.s32 $0xFFFFD800  }
0x92: {  	_ =	sfence.sel $0x180000  }
0x93: {  	[bflag:$0x0] =	sbarrier.arrive $0xFFFF  }
0x94: {  	p0 =	sne.s32 s1, $0x0;
	_ =	strace $0x90000050  }
0x95: {  	s0 =	sadd.s32 @!p0 $0x100000, s0;
	[bflag:$0x2] =	sbarrier.arrive $0xFFFF  }
0x96: {  	[sflag:s0] =	ssyncadd.tile.s32 @!p0 $0x1;
	_ =	shalt  }
.Lfunc_end2:
_tile_overlayer_lowered:
.L_overlay_start_2:
0x97: {  	(tag) =	ssettag $0x2  }
0x98: {  	s0 =	rddreg [dreg:$0x0];
	s2 =	stileid.u32  }
0x99: {  	s1 =	rddreg [dreg:$0x1];
	p0 =	sne.s32 s2, $0x0  }
0x9a: {  	s3 =	rddreg [dreg:$0x2];
	[bflag:$0x3] =	sbarrier.arrive $0xFFFF;
	s2 =	simm.s32 @!p0 $0x1C03  }
0x9b: {  	[timem:s3], [sflag:s2] =	dma.local @!p0 [hbm:s0], s1  }
0x9c: {  	s0 =	simm.s32 @!p0 $0x3  }
0x9d: {  	_ =	swait.ge @!p0 [sflag:s0], s1  }
0x9e: {  	s1 =	ssub.s32 @!p0 $0x0, s1;
	[sflag:s0] =	ssyncset.done @!p0 $0x0  }
0x9f: {  	[sflag:s0] =	ssyncadd.s32 @!p0 s1  }
0xa0: {  	[bflag:$0x3] =	sbarrier.arrive $0xFFFF  }
0xa1: {  	_ =	shalt  }

// kernel: kernel.23.cloned.1.call-start
scs
__scs_entry_jumppad:
0x0: {  	(pc) =	sbr.rel $0x88, $3  }
0x1: {  	(tag) =	ssettag $0x0;
	lr =	simm.s32 $0x1  }
0x2: {  	[smem:$0x3F8E] =	sst lr;
	_ =	strace $0xD0000000  }
0x3: {  	_ = 	snop  }
0x4: {  	_ = 	snop  }
0x5: {  	_ = 	snop  }
0x6: {  	_ = 	snop  }
0x7: {  	_ = 	snop  }
__scs_overlays_trampoline_lowered:
0x8: {  	[smem:$0x3F9D] =	sst s0  }
0x9: {  	[smem:$0x3F9E] =	sst s1  }
0xa: {  	[smem:$0x3F9F] =	sst s2  }
0xb: {  	[smem:$0x3FA0] =	sst s3  }
0xc: {  	[smem:$0x3FA1] =	sst s4  }
0xd: {  	[smem:$0x3FA2] =	sst s5  }
0xe: {  	[smem:$0x3FA3] =	sst s6  }
0xf: {  	[smem:$0x3FA4] =	sst s7  }
0x10: {  	[smem:$0x3FA5] =	sst s8  }
0x11: {  	[smem:$0x3FA6] =	sst s9;
	s0 =	simm.s32 @!p0 $0x0  }
0x12: {  	s1 =	sld [smem:$0x3F8C];
	s0 =	simm.s32 @p0 $0x1  }
0x13: {  	[smem:$0x3FA7] =	sst s0;
	s0 =	simm.s32 @!p1 $0x0  }
0x14: {  	s2 =	sld [smem:$0x3F8B];
	s0 =	simm.s32 @p1 $0x1  }
0x15: {  	[smem:$0x3FA8] =	sst s0;
	s0 =	simm.s32 @!p2 $0x0  }
0x16: {  	s3 =	sld [smem:$0x3FDB];
	s0 =	simm.s32 @p2 $0x1  }
0x17: {  	s4 =	simm.s32 $0x1BF5;
	[smem:$0x3FAA] =	sst s0  }
0x18: {  	s0 =	sld [smem:$0x3F8D];
	_ =	swait.ge [sflag:s4], $0x0  }
0x19: {  	s7 =	sld [smem:$0x3F8E]  }
0x1a: {  	s8 =	sadd.s32 $0xFFFFE003, lr  }
0x1b: {  	s9 =	sadd.s32 $0xFFFFFEF7, lr;
	s5 =	simm.s32 $0xFFFFFFFF;
	p2 =	slt.u32 s8, $0xFFFFF086  }
0x1c: {  	p1 =	slt.u32 s9, $0xF7A;
	s5 =	simm.s32 @!p2 $0x0  }
0x1d: {  	s5 =	simm.s32 @p1 $0x1;
	p0 =	seq.s32 s7, s2  }
0x1e: {  	s7 =	smul.u32 @!p0 $0xF7A, s2;
	p2 =	seq.s32 @!p0 s5, $0x0  }
0x1f: {  	s9 =	smul.u32 $0xF7A, s1;
	s8 =	simm.s32 @!p0 $0x1BF5;
	p2 =	por !p2, p0  }
0x20: {  	[sflag:s8] =	ssyncset.s32 @!p0 $0xFFFFF086;
	s6 =	sadd.s32 @!p0 s3, s7;
	s7 =	simm.s32 @!p0 $0x108  }
0x21: {  	s3 =	sadd.s32 s3, s9;
	s6 =	sadd.s32 @!p0 $0x88, s6;
	s7 =	simm.s32 @p2 $0x1082  }
0x22: {  	[simem:s7], [sflag:s8] =	dma.local @!p0 [hbm:s6], $0xF7A  }
0x23: {  	s9 =	sor.u32 $0xD0000000, s2;
	s6 =	simm.s32 $0x108;
	_ =	swait.ge @!p0 [sflag:s8], $0x0  }
0x24: {  	s3 =	sadd.s32 $0x88, s3;
	s6 =	simm.s32 @!p1 $0x1082;
	[sflag:s4] =	ssyncset.s32 $0xFFFFF086  }
0x25: {  	[simem:s6], [sflag:s4] =	dma.local [hbm:s3], $0xF7A  }
0x26: {  	[smem:$0x3F8E] =	sst s1;
	(tag) =	ssettag s2;
	_ =	strace s9  }
0x27: {  	s1 =	sld [smem:$0x3F9E]  }
0x28: {  	s2 =	sld [smem:$0x3F9F]  }
0x29: {  	s4 =	sld [smem:$0x3FA1]  }
0x2a: {  	p0 =	seq.s32 s5, $0x0;
	s5 =	sld [smem:$0x3FA2]  }
0x2b: {  	s6 =	sld [smem:$0x3FA3]  }
0x2c: {  	s7 =	sld [smem:$0x3FA4]  }
0x2d: {  	s3 =	simm.s32 $0x108;
	s8 =	sld [smem:$0x3FA5]  }
0x2e: {  	s3 =	simm.s32 @!p0 $0x1082;
	s9 =	sld [smem:$0x3FA6]  }
0x2f: {  	lr =	sadd.s32 s0, s3;
	s0 =	sld [smem:$0x3F9D]  }
0x30: {  	s3 =	sld [smem:$0x3FA0]  }
0x31: {  	[smem:$0x3FA9] =	sst s10  }
0x32: {  	s10 =	sld [smem:$0x3FA7];
	_ =	sdelay $0x3  }
0x33: {  	p0 =	seq.s32 s10, $0x1;
	s10 =	sld [smem:$0x3FA9];
	_ =	sdelay $0x3  }
0x34: {  	[smem:$0x3FA9] =	sst s10  }
0x35: {  	s10 =	sld [smem:$0x3FA8];
	_ =	sdelay $0x3  }
0x36: {  	p1 =	seq.s32 s10, $0x1;
	s10 =	sld [smem:$0x3FA9];
	_ =	sdelay $0x3  }
0x37: {  	[smem:$0x3FA9] =	sst s10  }
0x38: {  	s10 =	sld [smem:$0x3FAA]  }
0x39: {  	_ = 	snop;
	(pc) =	sbr.ind lr, $3  }
0x3a: {  	_ = 	snop  }
0x3b: {  	_ = 	snop  }
0x3c: {  	p2 =	seq.s32 s10, $0x1;
	s10 =	sld [smem:$0x3FA9]  }
0x3d: {  	_ =	shalt  }
0x3e: {  	_ =	shalt  }
0x3f: {  	_ =	shalt  }
0x40: {  	_ =	shalt  }
0x41: {  	_ =	shalt  }
0x42: {  	_ =	shalt  }
0x43: {  	_ =	shalt  }
0x44: {  	_ =	shalt  }
0x45: {  	_ =	shalt  }
0x46: {  	_ =	shalt  }
0x47: {  	_ =	shalt  }
0x48: {  	_ =	shalt  }
0x49: {  	_ =	shalt  }
0x4a: {  	_ =	shalt  }
0x4b: {  	_ =	shalt  }
0x4c: {  	_ =	shalt  }
0x4d: {  	_ =	shalt  }
0x4e: {  	_ =	shalt  }
0x4f: {  	_ =	shalt  }
0x50: {  	_ =	shalt  }
0x51: {  	_ =	shalt  }
0x52: {  	_ =	shalt  }
0x53: {  	_ =	shalt  }
0x54: {  	_ =	shalt  }
0x55: {  	_ =	shalt  }
0x56: {  	_ =	shalt  }
0x57: {  	_ =	shalt  }
0x58: {  	_ =	shalt  }
0x59: {  	_ =	shalt  }
0x5a: {  	_ =	shalt  }
0x5b: {  	_ =	shalt  }
0x5c: {  	_ =	shalt  }
0x5d: {  	_ =	shalt  }
0x5e: {  	_ =	shalt  }
0x5f: {  	_ =	shalt  }
0x60: {  	_ =	shalt  }
0x61: {  	_ =	shalt  }
0x62: {  	_ =	shalt  }
0x63: {  	_ =	shalt  }
0x64: {  	_ =	shalt  }
0x65: {  	_ =	shalt  }
0x66: {  	_ =	shalt  }
0x67: {  	_ =	shalt  }
0x68: {  	_ =	shalt  }
0x69: {  	_ =	shalt  }
0x6a: {  	_ =	shalt  }
0x6b: {  	_ =	shalt  }
0x6c: {  	_ =	shalt  }
0x6d: {  	_ =	shalt  }
0x6e: {  	_ =	shalt  }
0x6f: {  	_ =	shalt  }
0x70: {  	_ =	shalt  }
0x71: {  	_ =	shalt  }
0x72: {  	_ =	shalt  }
0x73: {  	_ =	shalt  }
0x74: {  	_ =	shalt  }
0x75: {  	_ =	shalt  }
0x76: {  	_ =	shalt  }
0x77: {  	_ =	shalt  }
0x78: {  	_ =	shalt  }
0x79: {  	_ =	shalt  }
0x7a: {  	_ =	shalt  }
0x7b: {  	_ =	shalt  }
0x7c: {  	_ =	shalt  }
0x7d: {  	_ =	shalt  }
0x7e: {  	_ =	shalt  }
0x7f: {  	_ =	shalt  }
0x80: {  	_ =	shalt  }
0x81: {  	_ =	shalt  }
0x82: {  	_ =	shalt  }
0x83: {  	_ =	shalt  }
0x84: {  	_ =	shalt  }
0x85: {  	_ =	shalt  }
0x86: {  	_ =	shalt  }
0x87: {  	_ =	shalt  }
.Lfunc_end0:
.L_simem_size_0:
called_computation.4_lowered:
.L_overlay_start_0:
0x88: {  	s2 =	sld [smem:$0x3FD9]  }
0x89: {  	s3 =	sld [smem:$0x3FFE];
	_ =	sdelay $0x1  }
0x8a: {  	s1 =	srdreg.scid  }
0x8b: {  	s0 =	sand.u32 $0x1, s1  }
0x8c: {  	s14 =	sshll.u32 s0, $0xA;
	s2 =	sadd.s32 s3, s2  }
0x8d: {  	s2 =	sadd.s32 s2, s14  }
0x8e: {  	[smem:$0x3FB5] =	sst s2  }
0x8f: {  	_ = 	snop  }
0x90: {  	s2 =	sld [smem:$0x3FD0];
	_ =	sdelay $0x2  }
0x91: {  	s15 =	simm.s32 $0xA;
	s4 =	simm.s32 $0x10  }
0x92: {  	[smem:s4], [sflag:s15] =	dma.local [hbm:s2], $0x1  }
0x93: {  	_ =	swait.eq [sflag:s15], $0x1  }
0x94: {  	s16 =	sld [smem:$0x10]  }
0x95: {  	s17 =	sld [smem:$0x11];
	[sflag:s15] =	ssyncset.done $0x0  }
0x96: {  	s5 =	sld [smem:$0x12];
	[sflag:s15] =	ssyncadd.s32 $0xFFFFFFFF  }
0x97: {  	s18 =	sld [smem:$0x13];
	(tm) =	ssettm $0x1  }
0x98: {  	s6 =	sld [smem:$0x3FFB];
	_ =	sdelay $0x3  }
0x99: {  	_ =	strace s6  }
0x9a: {  	s6 =	sld [smem:$0x3FFC];
	_ =	sdelay $0x3  }
0x9b: {  	_ =	strace s6  }
0x9c: {  	s6 =	sld [smem:$0x3FFD];
	_ =	sdelay $0x3  }
0x9d: {  	_ =	strace s6  }
0x9e: {  	_ =	strace $0x8FFFFFFF  }
0x9f: {  	s19 =	sld [smem:$0x3FDB];
	_ =	sdelay $0x1  }
0xa0: {  	s7 =	simm.s32 $_scs_section_size  }
0xa1: {  	s8 =	simm.s32 $_size__tile_overlayer_lowered;
	s9 =	simm.s32 $_tile_overlayer_lowered  }
0xa2: {  	s22 =	simm.s32 $0x1BFF;
	s21 =	sshll.u32 s9, $0x1;
	s6 =	sadd.s32 s7, s19  }
0xa3: {  	s10 =	simm.s32 $0x0;
	s20 =	sshll.u32 s8, $0x1;
	s8 =	sadd.s32 s21, s6  }
0xa4: {  	[timem:s10], [sflag:s22] =	dma.local [hbm:s8], s20  }
0xa5: {  	_ =	swait.ge [sflag:s22], s20  }
0xa6: {  	s7 =	ssub.s32 $0x0, s20;
	[sflag:s22] =	ssyncset.done $0x0  }
0xa7: {  	[sflag:s22] =	ssyncadd.s32 s7;
	_ =	sdelay $0x1  }
0xa8: {  	s23 =	simm.s32 $0x1B8B  }
0xa9: {  	_ =	swait.ge [sflag:s23], $0x1  }
0xaa: {  	[sflag:s23] =	ssyncset.done $0x0  }
0xab: {  	s25 =	simm.s32 $0x1B8E;
	s24 =	sld [smem:$0x3FFE];
	[sflag:s23] =	ssyncadd.s32 $0xFFFFFFFF  }
0xac: {  	s26 =	simm.s32 $execute0_lowered;
	[smem:$0x3FD2] =	sst s25  }
0xad: {  	s8 =	sshll.u32 s26, $0x1;
	_ =	strace $0x80000052;
	[dreg:$0x1] =	wrdreg $0xFFFFFFFF  }
0xae: {  	s28 =	simm.s32 $_size_execute0_lowered;
	s6 =	sadd.s32 s6, s8;
	[dreg:$0x0] =	wrdreg $0x0  }
0xaf: {  	s8 =	sshll.u32 s28, $0x1;
	[dreg:$0x2] =	wrdreg s6  }
0xb0: {  	[dreg:$0x3] =	wrdreg s8  }
0xb1: {  	[dreg:$0x4] =	wrdreg $0xC0  }
0xb2: {  	_ =	task [dreg:s10], $0x5FFFF  }
0xb3: {  	[dreg:$0x1] =	wrdreg $0xFFFFFFFF  }
0xb4: {  	[dreg:$0x0] =	wrdreg $0x60  }
0xb5: {  	[dreg:$0x2] =	wrdreg s24  }
0xb6: {  	[dreg:$0x3] =	wrdreg s16  }
0xb7: {  	[dreg:$0x4] =	wrdreg s17  }
0xb8: {  	[dreg:$0x5] =	wrdreg s5  }
0xb9: {  	[dreg:$0x6] =	wrdreg s18  }
0xba: {  	[dreg:$0x7] =	wrdreg $0x9  }
0xbb: {  	_ =	task.clear_ibuf [dreg:s10], $0x8FFFF;
	_ =	strace $0x90000052  }
0xbc: {  	s29 =	simm.s32 $0x9;
	_ =	strace $0x80000054  }
0xbd: {  	_ =	swait.ge [sflag:s29], $0x1  }
0xbe: {  	[sflag:s29] =	ssyncadd.s32 $0xFFFFFFFF  }
0xbf: {  	_ =	strace $0x90000054  }
0xc0: {  	_ =	sfence  }
0xc1: {  	s30 =	sld [smem:$0x0];
	_ =	sdelay $0x2  }
0xc2: {  	s31 =	sshll.u32 s1, $0xD;
	s1 =	sshrl.u32 s1, $0x2  }
0xc3: {  	s3 =	sand.u32 $0x4000, s31;
	s1 =	sadd.s32 s1, s30  }
0xc4: {  	s0 =	sor.u32 s3, s0;
	s1 =	sshll.u32 s1, $0x11  }
0xc5: {  	s0 =	sor.u32 s1, s0  }
0xc6: {  	s0 =	sadd.s32 $0x8F2B, s0  }
0xc7: {  	[sflag:s0] =	ssyncadd.remote.s32 $0x1  }
0xc8: {  	_ =	sfence.sel $0xFFFF  }
0xc9: {  	[dreg:$0x0] =	wrdreg $0xFFFFFFFF;
	(pc) =	sbr.abs _section_cstart, $3  }
0xca: {  	[dreg:$0x1] =	wrdreg $0xFFFFFFFF  }
0xcb: {  	_ =	task.clear_ibuf [dreg:s10], $0x2FFFF;
	_ =	strace $0x9FFFFFFF  }
0xcc: {  	(tm) =	ssettm $0x7FFFFFFF  }
0xcd: {  	_ =	shalt  }
tec
execute0_lowered:
.L_overlay_start_1:
0x0: {  	(tag) =	ssettag $0x1  }
0x1: {  	s3 =	rddreg [dreg:$0x0]  }
0x2: {  	s6 =	rddreg [dreg:$0x1]  }
0x3: {  	s10 =	rddreg [dreg:$0x2]  }
0x4: {  	s8 =	rddreg [dreg:$0x3]  }
0x5: {  	s9 =	rddreg [dreg:$0x4]  }
0x6: {  	s1 =	srdreg.scid;
	s0 =	rddreg [dreg:$0x5]  }
0x7: {  	s2 =	simm.s32 $0x0;
	s23 =	simm.s32 $0x80;
	s24 =	simm.s32 $0x200  }
0x8: {  	s26 =	simm.s32 $0x100;
	s28 =	simm.s32 $0x180;
	s4 =	sand.u32 $0x1, s1  }
0x9: {  	s1 =	stileid.u32;
	[smem:$0x7FF] =	sst s2;
	s5 =	sshll.u32 s4, $0x4  }
0xa: {  	_ =	strace $0x80000053;
	s4 =	ssub.s32 $0x2, s4;
	s11 =	sand.u32 $0x7, s1  }
0xb: {  	s5 =	sor.u32 s1, s5;
	s12 =	sshrl.u32 s4, $0x1;
	p1 =	sne.s32 s11, $0x0  }
0xc: {  	s7 =	sshll.u32 s5, $0x6;
	p0 =	seq.s32 s5, $0x0;
	s30 =	ssub.s32 s4, s12  }
0xd: {  	s31 =	sshrl.u32 s5, $0x3;
	s13 =	sshll.u32 s5, $0xD;
	s5 =	simm.s32 $0x1  }
0xe: {  	s7 =	sadd.s32 s7, s3;
	s3 =	sadd.s32 $0x4A00, s3;
	p0 =	por !p1, !p0  }
0xf: {  	s6 =	sadd.s32 s6, s13;
	s19 =	sadd.s32 s9, s13;
	s20 =	sadd.s32 s8, s13  }
0x10: {  	s21 =	sadd.s32 s10, s13;
	s4 =	sadd.s32 $0x7CA00, s7;
	p0 =	por !p0, !p0  }
0x11: {  	s7 =	simm.s32 $0x1;
	s8 =	sadd.s32 $0xFFFD0000, s19;
	s9 =	sadd.s32 $0xFFFE0000, s20  }
0x12: {  	s10 =	sadd.s32 $0xFFFF0000, s21;
	s11 =	sadd.s32 $0xFFFD0800, s19;
	s12 =	sadd.s32 $0xFFFE0800, s20  }
0x13: {  	s13 =	sadd.s32 $0xFFFF0800, s21;
	s14 =	sadd.s32 $0x800, s6;
	s15 =	sadd.s32 $0xFFFD1000, s19  }
0x14: {  	s16 =	sadd.s32 $0xFFFE1000, s20;
	s17 =	sadd.s32 $0xFFFF1000, s21;
	s18 =	sadd.s32 $0x1000, s6  }
.Ltmp0:
0x15: {  	s19 =	sadd.s32 $0xFFFD1800, s19;
	s7 =	simm.s32 @!p0 $0x0;
	(pc) =	sbr.rel .LBB2_1-.Ltmp0, $4  }
0x16: {  	s20 =	sadd.s32 $0xFFFE1800, s20;
	s21 =	sadd.s32 $0xFFFF1800, s21;
	s25 =	ssub.s32 s31, s7  }
0x17: {  	s22 =	sadd.s32 $0x1800, s6;
	s7 =	smax.u32 s30, $0x1;
	p0 =	sgt.s32 s25, $0x1  }
0x18: {  	p1 =	seq.s32 s25, $0x0;
	p2 =	seq.s32 s25, $0x1;
	p3 =	seq.s32 s25, $0x3  }
0x19: {  	p4 =	sne.s32 s25, $0x2;
	p5 =	seq.s32 s25, $0x2;
	s25 =	simm.s32 $0x2  }
.LBB2_37:
0x1a: {  	s29 =	simm.s32 $0x2;
	s30 =	smov.u32 s22  }
.LBB2_38:
0x1b: {  	[hbm4b:s30+s2] =	stream.linear.scatter [tilespmem:s24], [sflag:s29], $0x4000, $0x38;
	[tilespmem:$0x4200] =	vst v63  }
0x1c: {  	_ =	swait.ge [sflag:s29], $0x4000  }
0x1d: {  	[sflag:s29] =	ssyncset.done $0x0  }
0x1e: {  	[sflag:s29] =	ssyncadd.s32 $0xFFFFC000  }
.LBB2_39:
0x1f: {  	s7 =	sadd.s32 $0xFFFFFFFF, s7  }
0x20: {  	p6 =	sne.s32 s7, $0x0  }
.Ltmp1:
0x21: {  	_ = 	snop;
	(pc) =	sbr.rel @!p6 .LBB2_40-.Ltmp1, $1  }
0x22: {  	_ =	sdelay $0x3  }
.LBB2_1:
0x23: {  	[tilespmem:s2], [sflag:$0x1] =	stream.linear.gather [hbm4b:s4+s2], $0x200, $0x38;
	[tilespmem:$0x4200] =	vst v63  }
0x24: {  	_ =	swait.ge [sflag:s5], $0x200  }
0x25: {  	[sflag:s5] =	ssyncset.done $0x0  }
.Ltmp2:
0x26: {  	[sflag:s5] =	ssyncadd.s32 $0xFFFFFE00;
	(pc) =	sbr.rel @p0 .LBB2_5-.Ltmp2, $4  }
0x27: {  	[tilespmem:s24], [sflag:$0x2] =	stream.indirect.gather [hbm4b:s3+s23], $0x80, s2, s23, $0xb8;
	[tilespmem:$0x4200] =	vst v63  }
0x28: {  	_ =	swait.ge [sflag:s25], $0x4000  }
0x29: {  	[sflag:s25] =	ssyncset.done $0x0  }
0x2a: {  	[sflag:s25] =	ssyncadd.s32 $0xFFFFC000  }
.Ltmp3:
0x2b: {  	(pc) =	sbr.rel @p1 .LBB2_8-.Ltmp3, $2  }
0x2c: {  	_ =	sdelay $0x2  }
0x2d: {  	s30 =	smov.u32 s6;
	s29 =	simm.s32 $0x2  }
.Ltmp4:
0x2e: {  	(pc) =	sbr.rel @!p2 .LBB2_9-.Ltmp4, $1  }
0x2f: {  	_ =	sdelay $0x3  }
.Ltmp5:
0x30: {  	(pc) =	sbr.rel .LBB2_8-.Ltmp5, $2  }
0x31: {  	_ =	sdelay $0x2  }
0x32: {  	s30 =	smov.u32 s10;
	s29 =	simm.s32 $0x2  }
.LBB2_5:
.Ltmp6:
0x33: {  	(pc) =	sbr.rel @p5 .LBB2_41-.Ltmp6, $1  }
0x34: {  	_ =	sdelay $0x3  }
.Ltmp7:
0x35: {  	(pc) =	sbr.rel @!p3 .LBB2_9-.Ltmp7, $1  }
0x36: {  	_ =	sdelay $0x3  }
.Ltmp8:
0x37: {  	(pc) =	sbr.rel .LBB2_8-.Ltmp8, $2  }
0x38: {  	_ =	sdelay $0x2  }
0x39: {  	s29 =	simm.s32 $0x1;
	s30 =	smov.u32 s8  }
.LBB2_41:
0x3a: {  	s30 =	smov.u32 s9;
	s29 =	simm.s32 $0x2  }
.LBB2_8:
0x3b: {  	[hbm4b:s30+s2] =	stream.linear.scatter [tilespmem:s24], [sflag:s29], $0x4000, $0x38;
	[tilespmem:$0x4200] =	vst v63  }
0x3c: {  	_ =	swait.ge [sflag:s29], $0x4000  }
0x3d: {  	[sflag:s29] =	ssyncset.done $0x0  }
0x3e: {  	[sflag:s29] =	ssyncadd.s32 $0xFFFFC000  }
.LBB2_9:
.Ltmp9:
0x3f: {  	(pc) =	sbr.rel @p0 .LBB2_13-.Ltmp9, $4  }
0x40: {  	[tilespmem:s24], [sflag:$0x2] =	stream.indirect.gather [hbm4b:s3+s23], $0x80, s23, s23, $0xb8;
	[tilespmem:$0x4200] =	vst v63  }
0x41: {  	_ =	swait.ge [sflag:s25], $0x4000  }
0x42: {  	[sflag:s25] =	ssyncset.done $0x0  }
0x43: {  	[sflag:s25] =	ssyncadd.s32 $0xFFFFC000  }
.Ltmp10:
0x44: {  	(pc) =	sbr.rel @p1 .LBB2_17-.Ltmp10, $1  }
0x45: {  	_ =	sdelay $0x3  }
.Ltmp11:
0x46: {  	(pc) =	sbr.rel @!p2 .LBB2_19-.Ltmp11, $1  }
0x47: {  	_ =	sdelay $0x3  }
.Ltmp12:
0x48: {  	(pc) =	sbr.rel .LBB2_18-.Ltmp12, $2  }
0x49: {  	_ =	sdelay $0x2  }
0x4a: {  	s29 =	simm.s32 $0x2;
	s30 =	smov.u32 s13  }
.LBB2_13:
.Ltmp13:
0x4b: {  	(pc) =	sbr.rel @p3 .LBB2_14-.Ltmp13, $1  }
0x4c: {  	_ =	sdelay $0x3  }
.Ltmp14:
0x4d: {  	(pc) =	sbr.rel @p4 .LBB2_19-.Ltmp14, $1  }
0x4e: {  	_ =	sdelay $0x3  }
.Ltmp15:
0x4f: {  	(pc) =	sbr.rel .LBB2_18-.Ltmp15, $2  }
0x50: {  	_ =	sdelay $0x2  }
0x51: {  	s29 =	simm.s32 $0x2;
	s30 =	smov.u32 s12  }
.LBB2_17:
.Ltmp16:
0x52: {  	(pc) =	sbr.rel .LBB2_18-.Ltmp16, $2  }
0x53: {  	_ =	sdelay $0x2  }
0x54: {  	s29 =	simm.s32 $0x2;
	s30 =	smov.u32 s14  }
.LBB2_14:
0x55: {  	s29 =	simm.s32 $0x1;
	s30 =	smov.u32 s11  }
.LBB2_18:
0x56: {  	[hbm4b:s30+s2] =	stream.linear.scatter [tilespmem:s24], [sflag:s29], $0x4000, $0x38;
	[tilespmem:$0x4200] =	vst v63  }
0x57: {  	_ =	swait.ge [sflag:s29], $0x4000  }
0x58: {  	[sflag:s29] =	ssyncset.done $0x0  }
0x59: {  	[sflag:s29] =	ssyncadd.s32 $0xFFFFC000  }
.LBB2_19:
.Ltmp17:
0x5a: {  	(pc) =	sbr.rel @p0 .LBB2_23-.Ltmp17, $4  }
0x5b: {  	[tilespmem:s24], [sflag:$0x2] =	stream.indirect.gather [hbm4b:s3+s23], $0x80, s26, s23, $0xb8;
	[tilespmem:$0x4200] =	vst v63  }
0x5c: {  	_ =	swait.ge [sflag:s25], $0x4000  }
0x5d: {  	[sflag:s25] =	ssyncset.done $0x0  }
0x5e: {  	[sflag:s25] =	ssyncadd.s32 $0xFFFFC000  }
.Ltmp18:
0x5f: {  	(pc) =	sbr.rel @p1 .LBB2_27-.Ltmp18, $1  }
0x60: {  	_ =	sdelay $0x3  }
.Ltmp19:
0x61: {  	(pc) =	sbr.rel @!p2 .LBB2_29-.Ltmp19, $1  }
0x62: {  	_ =	sdelay $0x3  }
.Ltmp20:
0x63: {  	(pc) =	sbr.rel .LBB2_28-.Ltmp20, $2  }
0x64: {  	_ =	sdelay $0x2  }
0x65: {  	s29 =	simm.s32 $0x2;
	s30 =	smov.u32 s17  }
.LBB2_23:
.Ltmp21:
0x66: {  	(pc) =	sbr.rel @p3 .LBB2_24-.Ltmp21, $1  }
0x67: {  	_ =	sdelay $0x3  }
.Ltmp22:
0x68: {  	(pc) =	sbr.rel @p4 .LBB2_29-.Ltmp22, $1  }
0x69: {  	_ =	sdelay $0x3  }
.Ltmp23:
0x6a: {  	(pc) =	sbr.rel .LBB2_28-.Ltmp23, $2  }
0x6b: {  	_ =	sdelay $0x2  }
0x6c: {  	s29 =	simm.s32 $0x2;
	s30 =	smov.u32 s16  }
.LBB2_27:
.Ltmp24:
0x6d: {  	(pc) =	sbr.rel .LBB2_28-.Ltmp24, $2  }
0x6e: {  	_ =	sdelay $0x2  }
0x6f: {  	s29 =	simm.s32 $0x2;
	s30 =	smov.u32 s18  }
.LBB2_24:
0x70: {  	s29 =	simm.s32 $0x1;
	s30 =	smov.u32 s15  }
.LBB2_28:
0x71: {  	[hbm4b:s30+s2] =	stream.linear.scatter [tilespmem:s24], [sflag:s29], $0x4000, $0x38;
	[tilespmem:$0x4200] =	vst v63  }
0x72: {  	_ =	swait.ge [sflag:s29], $0x4000  }
0x73: {  	[sflag:s29] =	ssyncset.done $0x0  }
0x74: {  	[sflag:s29] =	ssyncadd.s32 $0xFFFFC000  }
.LBB2_29:
.Ltmp25:
0x75: {  	(pc) =	sbr.rel @p0 .LBB2_33-.Ltmp25, $4  }
0x76: {  	[tilespmem:s24], [sflag:$0x2] =	stream.indirect.gather [hbm4b:s3+s23], $0x80, s28, s23, $0xb8;
	[tilespmem:$0x4200] =	vst v63  }
0x77: {  	_ =	swait.ge [sflag:s25], $0x4000  }
0x78: {  	[sflag:s25] =	ssyncset.done $0x0  }
0x79: {  	[sflag:s25] =	ssyncadd.s32 $0xFFFFC000  }
.Ltmp26:
0x7a: {  	(pc) =	sbr.rel @p1 .LBB2_37-.Ltmp26, $1  }
0x7b: {  	_ =	sdelay $0x3  }
.Ltmp27:
0x7c: {  	(pc) =	sbr.rel @!p2 .LBB2_39-.Ltmp27, $1  }
0x7d: {  	_ =	sdelay $0x3  }
.Ltmp28:
0x7e: {  	(pc) =	sbr.rel .LBB2_38-.Ltmp28, $2  }
0x7f: {  	_ =	sdelay $0x2  }
0x80: {  	s29 =	simm.s32 $0x2;
	s30 =	smov.u32 s21  }
.LBB2_33:
.Ltmp29:
0x81: {  	(pc) =	sbr.rel @p3 .LBB2_34-.Ltmp29, $1  }
0x82: {  	_ =	sdelay $0x3  }
.Ltmp30:
0x83: {  	(pc) =	sbr.rel @p4 .LBB2_39-.Ltmp30, $1  }
0x84: {  	_ =	sdelay $0x3  }
.Ltmp31:
0x85: {  	(pc) =	sbr.rel .LBB2_38-.Ltmp31, $2  }
0x86: {  	_ =	sdelay $0x2  }
0x87: {  	s29 =	simm.s32 $0x2;
	s30 =	smov.u32 s20  }
.LBB2_34:
.Ltmp32:
0x88: {  	(pc) =	sbr.rel .LBB2_38-.Ltmp32, $2  }
0x89: {  	_ =	sdelay $0x2  }
0x8a: {  	s29 =	simm.s32 $0x1;
	s30 =	smov.u32 s19  }
.LBB2_40:
0x8b: {  	_ =	sfence.sel $0x180000  }
0x8c: {  	[bflag:$0x0] =	sbarrier.arrive $0xFFFF  }
0x8d: {  	p0 =	sne.s32 s1, $0x0;
	_ =	strace $0x90000053  }
0x8e: {  	s0 =	sadd.s32 @!p0 $0x100000, s0;
	[bflag:$0x2] =	sbarrier.arrive $0xFFFF  }
0x8f: {  	[sflag:s0] =	ssyncadd.tile.s32 @!p0 $0x1;
	_ =	shalt  }
.Lfunc_end2:
_tile_overlayer_lowered:
.L_overlay_start_2:
0x90: {  	(tag) =	ssettag $0x2  }
0x91: {  	s0 =	rddreg [dreg:$0x0];
	s2 =	stileid.u32  }
0x92: {  	s1 =	rddreg [dreg:$0x1];
	p0 =	sne.s32 s2, $0x0  }
0x93: {  	s3 =	rddreg [dreg:$0x2];
	[bflag:$0x3] =	sbarrier.arrive $0xFFFF;
	s2 =	simm.s32 @!p0 $0x1C01  }
0x94: {  	[timem:s3], [sflag:s2] =	dma.local @!p0 [hbm:s0], s1  }
0x95: {  	s0 =	simm.s32 @!p0 $0x1  }
0x96: {  	_ =	swait.ge @!p0 [sflag:s0], s1  }
0x97: {  	s1 =	ssub.s32 @!p0 $0x0, s1;
	[sflag:s0] =	ssyncset.done @!p0 $0x0  }
0x98: {  	[sflag:s0] =	ssyncadd.s32 @!p0 s1  }
0x99: {  	[bflag:$0x3] =	sbarrier.arrive $0xFFFF  }
0x9a: {  	_ =	shalt  }

</sc_bundles>
